<compile_context>
chip_gen: v7x
topology: tpu7x:2x2x1
jax: 0.10.2.dev20260603
libtpu: 0.0.44.dev20260713+nightly
codegen_flags: <defaults>
</compile_context>

<pallas_src>
import functools
import math

import jax
import jax.numpy as jnp
from jax.experimental import pallas as pl
from jax.experimental.pallas import tpu as pltpu
from jax.experimental.pallas import tpu_sc as plsc

N_ALL = 10000
N = 2048
NBR = 16
EMB = 128
EDGE = 16
TIME = 32
QD = EMB + TIME
KD = EMB + EDGE + TIME
HEADS = 4
HD = QD // HEADS
HDP = 128
QDP = HEADS * HDP

GW = 128
RBLK = 256
NBLK = N // RBLK

_f32 = jnp.float32
_bf16 = jnp.bfloat16


def _sc_gather(features, nbr_idx, node_idx):
    nidx = nbr_idx.reshape(1, N * NBR).astype(jnp.int32)
    tidx = node_idx.reshape(1, N).astype(jnp.int32)
    mesh = plsc.VectorSubcoreMesh(core_axis_name="c", subcore_axis_name="s")

    @functools.partial(
        pl.kernel,
        out_type=(
            jax.ShapeDtypeStruct((N * NBR, EMB), _f32),
            jax.ShapeDtypeStruct((N, EMB), _f32),
        ),
        mesh=mesh,
    )
    def gather_kernel(feat_hbm, nidx_hbm, tidx_hbm, neigh_hbm, node_hbm):
        def gather_body(i_vmem, o_vmem):
            pltpu.sync_copy(feat_hbm.at[i_vmem.at[0]], o_vmem)

        pltpu.emit_pipeline(
            gather_body,
            grid=(N * NBR // GW,),
            in_specs=[pl.BlockSpec((1, GW), lambda i: (0, i))],
            out_specs=[pl.BlockSpec((GW, EMB), lambda i: (i, 0))],
            core_axis_name=("c", "s"),
            dimension_semantics=(pltpu.PARALLEL,),
        )(nidx_hbm, neigh_hbm)

        pltpu.emit_pipeline(
            gather_body,
            grid=(N // GW,),
            in_specs=[pl.BlockSpec((1, GW), lambda i: (0, i))],
            out_specs=[pl.BlockSpec((GW, EMB), lambda i: (i, 0))],
            core_axis_name=("c", "s"),
            dimension_semantics=(pltpu.PARALLEL,),
        )(tidx_hbm, node_hbm)

    return gather_kernel(features, nidx, tidx)


def _dot_bt(a, b):
    return jax.lax.dot_general(a, b, (((1,), (1,)), ((), ())),
                               preferred_element_type=_f32)


def _store_padded_heads(x160, out_ref, rows):
    out_ref[rows, :] = jnp.zeros((RBLK, QDP), _bf16)
    for h in range(HEADS):
        out_ref[rows, h * HDP:h * HDP + HD] = (
            x160[:, h * HD:(h + 1) * HD].astype(_bf16))


def _mega_body(neigh, edge, time, node,
               wq, wke, wked, wkt, wve, wved, wvt,
               qb, kb, vb, ones_col, wout, outb, w1a, w1b, b1, w2, b2,
               out_ref,
               qp_v, acc_v, kc_v, vc_v):
    dot = functools.partial(jnp.dot, preferred_element_type=_f32)
    scale = 1.0 / math.sqrt(HD)
    c = pl.program_id(0)

    @pl.when(c == 0)
    def _():
        acc_v[...] = jnp.zeros(acc_v.shape, _f32)
        for b in range(NBLK):
            rows = pl.ds(b * RBLK, RBLK)
            q160 = _dot_bt(node[rows, :].astype(_bf16), wq[...]) * scale \
                + qb[...]
            _store_padded_heads(q160, qp_v, rows)

    nb = neigh[...].astype(_bf16)
    eb = edge[...].astype(_bf16)
    tb = time[...].astype(_bf16)
    k160 = (_dot_bt(nb, wke[...]) + _dot_bt(eb, wked[...])
            + _dot_bt(tb, wkt[...]) + kb[...])
    v160 = (_dot_bt(nb, wve[...]) + _dot_bt(eb, wved[...])
            + _dot_bt(tb, wvt[...]) + vb[...])
    all_rows = pl.ds(0, RBLK)
    _store_padded_heads(k160, kc_v, all_rows)
    _store_padded_heads(v160, vc_v, all_rows)
    vc_v[...] = vc_v[...] + ones_col[...].astype(_bf16)
    for h in range(HEADS):
        cols = pl.ds(h * HDP, HDP)
        kh = kc_v[:, h * HDP:(h + 1) * HDP]
        vh = vc_v[:, h * HDP:(h + 1) * HDP]
        for b in range(NBLK):
            qrows = pl.ds(b * RBLK, RBLK)
            s = _dot_bt(qp_v[qrows, cols], kh)
            e = jnp.exp(s).astype(_bf16)
            acc_v[qrows, cols] = acc_v[qrows, cols] + dot(e, vh)

    @pl.when(c == NBLK - 1)
    def _():
        for b in range(NBLK):
            rows = pl.ds(b * RBLK, RBLK)
            attn = outb[...]
            for h in range(HEADS):
                ctx_h = acc_v[rows, h * HDP:(h + 1) * HDP]
                ctx_h = (ctx_h / ctx_h[:, HD:HD + 1]).astype(_bf16)
                attn = attn + dot(ctx_h, wout[h * HDP:(h + 1) * HDP, :])
            hid = jnp.maximum(dot(node[rows, :].astype(_bf16), w1a[...])
                              + dot(attn.astype(_bf16), w1b[...]) + b1[...],
                              0.0)
            out_ref[rows, :] = dot(hid.astype(_bf16), w2[...]) + b2[...]


def kernel(features, edge_feats, time_feats, time_zeros, q_proj_w, k_proj_w,
           v_proj_w, in_proj_b, out_proj_w, out_proj_b, W1, b1, W2, b2,
           neighbor_idx, node_idx):
    neigh_rows, node_emb = _sc_gather(features, neighbor_idx, node_idx)
    neigh_flat = neigh_rows.reshape(N, NBR * EMB)
    edge_flat = edge_feats.reshape(N, NBR * EDGE)
    time_flat = time_feats.reshape(N, NBR * TIME)

    bq = in_proj_b[:QD]
    bk = in_proj_b[QD:2 * QD]
    bv = in_proj_b[2 * QD:]
    qb = (bq + (time_zeros @ q_proj_w[:, EMB:].T)[0])[None, :]

    wq = q_proj_w[:, :EMB].astype(_bf16)

    def split_kv(w):
        w3 = w.reshape(QD, NBR, KD)
        w_emb = w3[:, :, :EMB].reshape(QD, NBR * EMB).astype(_bf16)
        w_edge = w3[:, :, EMB:EMB + EDGE].reshape(QD, NBR * EDGE).astype(_bf16)
        w_time = w3[:, :, EMB + EDGE:].reshape(QD, NBR * TIME).astype(_bf16)
        return w_emb, w_edge, w_time

    wke, wked, wkt = split_kv(k_proj_w)
    wve, wved, wvt = split_kv(v_proj_w)
    ones_col = (((jnp.arange(QDP) % HDP) == HD)[None, :]).astype(_f32)

    wout_p = jnp.pad(out_proj_w.T.reshape(HEADS, HD, QD),
                     ((0, 0), (0, HDP - HD), (0, 0))).reshape(QDP, QD)
    wout_p = wout_p.astype(_bf16)
    w1a = W1[:, :EMB].T.astype(_bf16)
    w1b = W1[:, EMB:].T.astype(_bf16)
    w2t = W2.T.astype(_bf16)

    full = lambda shape: pl.BlockSpec(shape, lambda i: (0, 0))
    chunk = lambda width: pl.BlockSpec((RBLK, width), lambda i: (i, 0))
    out = pl.pallas_call(
        _mega_body,
        grid=(NBLK,),
        in_specs=[
            chunk(NBR * EMB), chunk(NBR * EDGE), chunk(NBR * TIME),
            full((N, EMB)),
            full((QD, EMB)), full((QD, NBR * EMB)), full((QD, NBR * EDGE)),
            full((QD, NBR * TIME)), full((QD, NBR * EMB)),
            full((QD, NBR * EDGE)), full((QD, NBR * TIME)),
            full((1, QD)), full((1, QD)), full((1, QD)), full((1, QDP)),
            full((QDP, QD)), full((1, QD)),
            full((EMB, EMB)), full((QD, EMB)), full((1, EMB)),
            full((EMB, EMB)), full((1, EMB)),
        ],
        out_specs=full((N, EMB)),
        out_shape=jax.ShapeDtypeStruct((N, EMB), _f32),
        scratch_shapes=[
            pltpu.VMEM((N, QDP), _bf16),
            pltpu.VMEM((N, QDP), _f32),
            pltpu.VMEM((RBLK, QDP), _bf16),
            pltpu.VMEM((RBLK, QDP), _bf16),
        ],
    )(neigh_flat, edge_flat, time_flat, node_emb,
      wq, wke, wked, wkt, wve, wved, wvt,
      qb, bk[None, :], bv[None, :], ones_col,
      wout_p, out_proj_b[None, :], w1a, w1b, b1[None, :], w2t, b2[None, :])
    return out

# --- scband reference (transcript-rebuilt; emitter-appended) ---
"""Pipeline reference for scband-tgnlayer-graph-attention-embedding-21174188769661 (READ-ONLY COPY).

The authoritative reference and input builder live on the scoring server;
editing this copy changes nothing except your own understanding.
"""

import jax, jax.numpy as jnp
import numpy as np

N_ALL = 10000
N = 2048
NBR = 16
EMB = 128
EDGE = 16
TIME = 32
QD = EMB + TIME          # 160 (query dim = emb + time enc)
KD = EMB + EDGE + TIME   # 176 (per-neighbor key dim)
KDIM = KD * NBR          # 2816 (kdim/vdim of MHA)
HEADS = 4
HD = QD // HEADS


def setup_inputs(seed: int = 0) -> dict:
    key = jax.random.key(seed)
    ks = jax.random.split(key, 12)
    s = 0.05
    return {
        "features": jax.random.normal(ks[0], (N_ALL, EMB), jnp.float32),
        "edge_feats": jax.random.normal(ks[1], (N, NBR, EDGE), jnp.float32),
        "time_feats": jax.random.normal(ks[2], (N, NBR, TIME), jnp.float32),
        "time_zeros": jnp.zeros((1, TIME), jnp.float32),
        "q_proj_w": jax.random.normal(ks[3], (QD, QD), jnp.float32) * s,
        "k_proj_w": jax.random.normal(ks[4], (QD, KDIM), jnp.float32) * s,
        "v_proj_w": jax.random.normal(ks[5], (QD, KDIM), jnp.float32) * s,
        "in_proj_b": jnp.zeros((3 * QD,), jnp.float32),
        "out_proj_w": jax.random.normal(ks[6], (QD, QD), jnp.float32) * s,
        "out_proj_b": jnp.zeros((QD,), jnp.float32),
        "W1": jax.random.normal(ks[7], (EMB, QD + EMB), jnp.float32) * s,
        "b1": jnp.zeros((EMB,), jnp.float32),
        "W2": jax.random.normal(ks[8], (EMB, EMB), jnp.float32) * s,
        "b2": jnp.zeros((EMB,), jnp.float32),
        "neighbor_idx": jax.random.randint(ks[9], (N, NBR), 0, N_ALL),
        "node_idx": jax.random.randint(ks[10], (N,), 0, N_ALL),
    }


def reference(features, edge_feats, time_feats, time_zeros, q_proj_w, k_proj_w,
              v_proj_w, in_proj_b, out_proj_w, out_proj_b, W1, b1, W2, b2,
              neighbor_idx, node_idx):
    # _aggregate: gather neighbor embeddings, concat with edge + time features,
    # flatten per target node -> [N, NBR*KD]  (the torch.rand buffer is fully overwritten)
    neigh = features[neighbor_idx]                                        # [N, NBR, EMB]
    agg = jnp.concatenate([neigh, edge_feats, time_feats], axis=2)        # [N, NBR, KD]
    agg = agg.reshape(N, NBR * KD)                                        # [N, KDIM]
    # query: target node embedding concat zero time encoding
    query = jnp.concatenate([features[node_idx], jnp.tile(time_zeros, (N, 1))], axis=1)  # [N, QD]
    # nn.MultiheadAttention(embed_dim=QD, kdim=KDIM, vdim=KDIM, num_heads=HEADS),
    # batch_first with batch=1, seq len = N
    bq = in_proj_b[:QD]
    bk = in_proj_b[QD:2 * QD]
    bv = in_proj_b[2 * QD:]
    q = query @ q_proj_w.T + bq                                           # [N, QD]
    k = agg @ k_proj_w.T + bk                                             # [N, QD]
    v = agg @ v_proj_w.T + bv                                             # [N, QD]
    qh = q.reshape(N, HEADS, HD).transpose(1, 0, 2) / np.sqrt(HD)         # [H, N, HD]
    kh = k.reshape(N, HEADS, HD).transpose(1, 0, 2)
    vh = v.reshape(N, HEADS, HD).transpose(1, 0, 2)
    attn = jax.nn.softmax(jnp.einsum('hnd,hmd->hnm', qh, kh), axis=-1)    # [H, N, N]
    ctx = jnp.einsum('hnm,hmd->hnd', attn, vh)                            # [H, N, HD]
    ctx = ctx.transpose(1, 0, 2).reshape(N, QD)
    attn_out = ctx @ out_proj_w.T + out_proj_b                            # [N, QD]
    # MLP([QD + EMB, EMB, EMB]) on concat(node_emb, attn_out)
    cat = jnp.concatenate([features[node_idx], attn_out], axis=1)         # [N, QD+EMB]
    h = jax.nn.relu(cat @ W1.T + b1)
    out = h @ W2.T + b2                                                   # [N, EMB]
    return out

if __name__ == "__main__":
    import jax
    _d = setup_inputs()
    print(jax.jit(kernel)(*tuple(_d.values())))

</pallas_src>

<mosaic_0001>
#map = affine_map<(d0, d1) -> (0, 0)>
module attributes {stable_mosaic.version = 14 : i64} {
  func.func @gather_kernel(%arg0: i32, %arg1: i32, %arg2: memref<10000x128xf32, #tpu.memory_space<hbm>>, %arg3: memref<1x32768xi32, #tpu.memory_space<hbm>>, %arg4: memref<1x2048xi32, #tpu.memory_space<hbm>>, %arg5: memref<32768x128xf32, #tpu.memory_space<hbm>>, %arg6: memref<2048x128xf32, #tpu.memory_space<hbm>>) attributes {dimension_semantics = [#tpu.dimension_semantics<core_parallel>, #tpu.dimension_semantics<subcore_parallel>], iteration_bounds = array<i64: 2, 16>, scalar_prefetch = 0 : i64, scratch_operands = 0 : i64, tpu.core_type = #tpu.core_type<sc_vector_subcore>, window_params = [{transform_indices = #map}, {transform_indices = #map}, {transform_indices = #map}, {transform_indices = #map}, {transform_indices = #map}]} {
    %mul3A = arith.constant 1 : i32
    %mul3A_0 = arith.muli %arg1, %mul3A : i32
    %add3A = arith.constant 0 : i32
    %add3A_1 = arith.addi %add3A, %mul3A_0 : i32
    %mul3A_2 = arith.constant 16 : i32
    %mul3A_3 = arith.muli %arg0, %mul3A_2 : i32
    %add3A_4 = arith.addi %add3A_1, %mul3A_3 : i32
    %mul3A_5 = arith.constant 8 : i32
    %mul3A_6 = arith.muli %add3A_4, %mul3A_5 : i32
    "tpu.region"() ({
      %run_scoped3A = memref.alloca() : memref<2x1x128xi32, #tpu.memory_space<vmem>>
      %run_scoped3A_26 = tpu.sem_alloc : memref<2x!tpu.dma_semaphore, #tpu.memory_space<semaphore_mem>>
      %run_scoped3A_27 = memref.alloca() : memref<2x128x128xf32, #tpu.memory_space<vmem>>
      %run_scoped3A_28 = tpu.sem_alloc : memref<2x!tpu.dma_semaphore, #tpu.memory_space<semaphore_mem>>
      %add3A_29 = arith.constant 0 : i32
      %add3A_30 = arith.addi %add3A_29, %mul3A_6 : i32
      %select_n3A_31 = arith.constant true
      %select_n3A_32 = arith.constant 0 : i32
      %select_n3A_33 = arith.constant -1 : i32
      %select_n3A_34 = arith.select %select_n3A_31, %select_n3A_33, %select_n3A_32 : i32
      %eq3A = arith.constant -1 : i32
      %eq3A_35 = arith.cmpi eq, %select_n3A_34, %eq3A : i32
      %select_n3A_36 = arith.constant 7 : i32
      %select_n3A_37 = arith.select %eq3A_35, %select_n3A_36, %select_n3A_34 : i32
      %add3A_38 = arith.addi %select_n3A_37, %mul3A_6 : i32
      %select_n3A_39 = arith.constant true
      %select_n3A_40 = arith.constant 0 : i32
      %select_n3A_41 = arith.constant 1 : i32
      %select_n3A_42 = arith.select %select_n3A_39, %select_n3A_41, %select_n3A_40 : i32
      %eq3A_43 = arith.constant 8 : i32
      %eq3A_44 = arith.cmpi eq, %select_n3A_42, %eq3A_43 : i32
      %select_n3A_45 = arith.constant 0 : i32
      %select_n3A_46 = arith.select %eq3A_44, %select_n3A_45, %select_n3A_42 : i32
      %add3A_47 = arith.addi %select_n3A_46, %mul3A_6 : i32
      %add3A_48 = arith.constant 1 : i32
      %add3A_49 = arith.addi %select_n3A_46, %add3A_48 : i32
      %select_n3A_50 = arith.constant true
      %select_n3A_51 = arith.select %select_n3A_50, %add3A_49, %select_n3A_46 : i32
      %eq3A_52 = arith.constant 8 : i32
      %eq3A_53 = arith.cmpi eq, %select_n3A_51, %eq3A_52 : i32
      %select_n3A_54 = arith.constant 0 : i32
      %select_n3A_55 = arith.select %eq3A_53, %select_n3A_54, %select_n3A_51 : i32
      %add3A_56 = arith.addi %select_n3A_55, %mul3A_6 : i32
      "tpu.trace_start"() <{level = 10 : i32, message = "ep_initialize_0"}> : () -> ()
      %rem3A = arith.constant 0 : i32
      %rem3A_57 = arith.constant 2 : i32
      %rem3A_58 = arith.remui %rem3A, %rem3A_57 : i32
      %mul3A_59 = arith.constant 128 : i32
      %mul3A_60 = arith.muli %mul3A_59, %add3A_30 : i32
      %dma_start3A = arith.constant 0 : i32
      %dma_start3A_61 = arith.constant 0 : i32
      %dma_start3A_62 = tpu.memref_slice %run_scoped3A[%rem3A_58, %dma_start3A, %dma_start3A_61] : memref<2x1x128xi32, #tpu.memory_space<vmem>> -> memref<1x1x128xi32, #tpu.memory_space<vmem>>
      %dma_start3A_63 = tpu.memref_squeeze %dma_start3A_62 : memref<1x1x128xi32, #tpu.memory_space<vmem>> -> memref<1x128xi32, #tpu.memory_space<vmem>>
      %dma_start3A_64 = arith.constant 0 : i32
      %dma_start3A_65 = tpu.memref_slice %arg3[%dma_start3A_64, %mul3A_60] : memref<1x32768xi32, #tpu.memory_space<hbm>> -> memref<1x128xi32, #tpu.memory_space<hbm>>
      %dma_start3A_66 = tpu.memref_slice %run_scoped3A_26[%rem3A_58] : memref<2x!tpu.dma_semaphore, #tpu.memory_space<semaphore_mem>> -> memref<1x!tpu.dma_semaphore, #tpu.memory_space<semaphore_mem>>
      %dma_start3A_67 = tpu.memref_squeeze %dma_start3A_66 : memref<1x!tpu.dma_semaphore, #tpu.memory_space<semaphore_mem>> -> memref<!tpu.dma_semaphore, #tpu.memory_space<semaphore_mem>>
      %dma_start3A_68 = arith.constant 0 : i32
      %dma_start3A_69 = arith.constant 0 : i32
      %dma_start3A_70 = tpu.memref_slice %run_scoped3A[%rem3A_58, %dma_start3A_68, %dma_start3A_69] : memref<2x1x128xi32, #tpu.memory_space<vmem>> -> memref<1x1x128xi32, #tpu.memory_space<vmem>>
      %dma_start3A_71 = tpu.memref_squeeze %dma_start3A_70 : memref<1x1x128xi32, #tpu.memory_space<vmem>> -> memref<1x128xi32, #tpu.memory_space<vmem>>
      %dma_start3A_72 = arith.constant 0 : i32
      %dma_start3A_73 = tpu.memref_slice %arg3[%dma_start3A_72, %mul3A_60] : memref<1x32768xi32, #tpu.memory_space<hbm>> -> memref<1x128xi32, #tpu.memory_space<hbm>>
      tpu.enqueue_dma source(%dma_start3A_73 : memref<1x128xi32, #tpu.memory_space<hbm>>) target(%dma_start3A_71 : memref<1x128xi32, #tpu.memory_space<vmem>>) target_semaphore(%dma_start3A_67 : memref<!tpu.dma_semaphore, #tpu.memory_space<semaphore_mem>>)
      %add3A_74 = arith.constant 0 : i32
      %add3A_75 = arith.constant 1 : i32
      %add3A_76 = arith.addi %add3A_74, %add3A_75 : i32
      %select_n3A_77 = arith.constant true
      %select_n3A_78 = arith.constant 0 : i32
      %select_n3A_79 = arith.select %select_n3A_77, %add3A_76, %select_n3A_78 : i32
      "tpu.trace_stop"() : () -> ()
      %scan3A = arith.constant 0 : i32
      %scan3A_80 = arith.constant 0 : i32
      %scan3A_81 = arith.constant 0 : i32
      %scan3A_82 = arith.constant 0 : i32
      %scan3A_83 = arith.constant 0 : i32
      %scan3A_84 = arith.constant 8 : i32
      %scan3A_85 = arith.addi %scan3A_83, %scan3A_84 : i32
      %scan3A_86 = arith.constant 1 : i32
      %scan3A_87:5 = scf.for %scan3A_141 = %scan3A_83 to %scan3A_85 step %scan3A_86 iter_args(%scan3A_142 = %select_n3A_79, %scan3A_143 = %scan3A, %scan3A_144 = %scan3A_80, %scan3A_145 = %scan3A_81, %scan3A_146 = %scan3A_82) -> (i32, i32, i32, i32, i32)  : i32 {
        %eq3A_147 = arith.constant 0 : i32
        %eq3A_148 = arith.cmpi eq, %scan3A_141, %eq3A_147 : i32
        %eq3A_149 = arith.constant 7 : i32
        %eq3A_150 = arith.cmpi eq, %scan3A_141, %eq3A_149 : i32
        %add3A_151 = arith.addi %scan3A_146, %mul3A_6 : i32
        %sub3A_152 = arith.constant 1 : i32
        %sub3A_153 = arith.subi %scan3A_146, %sub3A_152 : i32
        %select_n3A_154 = arith.constant true
        %select_n3A_155 = arith.select %select_n3A_154, %sub3A_153, %scan3A_146 : i32
        %eq3A_156 = arith.constant -1 : i32
        %eq3A_157 = arith.cmpi eq, %select_n3A_155, %eq3A_156 : i32
        %select_n3A_158 = arith.constant 7 : i32
        %select_n3A_159 = arith.select %eq3A_157, %select_n3A_158, %select_n3A_155 : i32
        %add3A_160 = arith.addi %select_n3A_159, %mul3A_6 : i32
        %add3A_161 = arith.constant 1 : i32
        %add3A_162 = arith.addi %scan3A_146, %add3A_161 : i32
        %select_n3A_163 = arith.constant true
        %select_n3A_164 = arith.select %select_n3A_163, %add3A_162, %scan3A_146 : i32
        %eq3A_165 = arith.constant 8 : i32
        %eq3A_166 = arith.cmpi eq, %select_n3A_164, %eq3A_165 : i32
        %select_n3A_167 = arith.constant 0 : i32
        %select_n3A_168 = arith.select %eq3A_166, %select_n3A_167, %select_n3A_164 : i32
        %add3A_169 = arith.addi %select_n3A_168, %mul3A_6 : i32
        %add3A_170 = arith.constant 1 : i32
        %add3A_171 = arith.addi %select_n3A_168, %add3A_170 : i32
        %select_n3A_172 = arith.constant true
        %select_n3A_173 = arith.select %select_n3A_172, %add3A_171, %select_n3A_168 : i32
        %eq3A_174 = arith.constant 8 : i32
        %eq3A_175 = arith.cmpi eq, %select_n3A_173, %eq3A_174 : i32
        %select_n3A_176 = arith.constant 0 : i32
        %select_n3A_177 = arith.select %eq3A_175, %select_n3A_176, %select_n3A_173 : i32
        %add3A_178 = arith.addi %select_n3A_177, %mul3A_6 : i32
        %ne3A = arith.cmpi ne, %add3A_151, %add3A_169 : i32
        %or3A = arith.constant false
        %or3A_179 = arith.ori %or3A, %ne3A : i1
        %ge3A = arith.constant 7 : i32
        %ge3A_180 = arith.cmpi sge, %scan3A_141, %ge3A : i32
        %not3A = arith.constant true
        %not3A_181 = arith.xori %ge3A_180, %not3A : i1
        %and3A = arith.andi %or3A_179, %not3A_181 : i1
        %convert_element_type3A = arith.extui %and3A : i1 to i32
        %cond3A = arith.constant 0 : i32
        %cond3A_182 = arith.cmpi ne, %convert_element_type3A, %cond3A : i32
        scf.if %cond3A_182 {
          "tpu.trace_start"() <{level = 10 : i32, message = "ep_copy_in"}> : () -> ()
          %rem3A_284 = arith.constant 2 : i32
          %rem3A_285 = arith.remui %scan3A_142, %rem3A_284 : i32
          %mul3A_286 = arith.constant 128 : i32
          %mul3A_287 = arith.muli %mul3A_286, %add3A_169 : i32
          %dma_start3A_288 = arith.constant 0 : i32
          %dma_start3A_289 = arith.constant 0 : i32
          %dma_start3A_290 = tpu.memref_slice %run_scoped3A[%rem3A_285, %dma_start3A_288, %dma_start3A_289] : memref<2x1x128xi32, #tpu.memory_space<vmem>> -> memref<1x1x128xi32, #tpu.memory_space<vmem>>
          %dma_start3A_291 = tpu.memref_squeeze %dma_start3A_290 : memref<1x1x128xi32, #tpu.memory_space<vmem>> -> memref<1x128xi32, #tpu.memory_space<vmem>>
          %dma_start3A_292 = arith.constant 0 : i32
          %dma_start3A_293 = tpu.memref_slice %arg3[%dma_start3A_292, %mul3A_287] : memref<1x32768xi32, #tpu.memory_space<hbm>> -> memref<1x128xi32, #tpu.memory_space<hbm>>
          %dma_start3A_294 = tpu.memref_slice %run_scoped3A_26[%rem3A_285] : memref<2x!tpu.dma_semaphore, #tpu.memory_space<semaphore_mem>> -> memref<1x!tpu.dma_semaphore, #tpu.memory_space<semaphore_mem>>
          %dma_start3A_295 = tpu.memref_squeeze %dma_start3A_294 : memref<1x!tpu.dma_semaphore, #tpu.memory_space<semaphore_mem>> -> memref<!tpu.dma_semaphore, #tpu.memory_space<semaphore_mem>>
          %dma_start3A_296 = arith.constant 0 : i32
          %dma_start3A_297 = arith.constant 0 : i32
          %dma_start3A_298 = tpu.memref_slice %run_scoped3A[%rem3A_285, %dma_start3A_296, %dma_start3A_297] : memref<2x1x128xi32, #tpu.memory_space<vmem>> -> memref<1x1x128xi32, #tpu.memory_space<vmem>>
          %dma_start3A_299 = tpu.memref_squeeze %dma_start3A_298 : memref<1x1x128xi32, #tpu.memory_space<vmem>> -> memref<1x128xi32, #tpu.memory_space<vmem>>
          %dma_start3A_300 = arith.constant 0 : i32
          %dma_start3A_301 = tpu.memref_slice %arg3[%dma_start3A_300, %mul3A_287] : memref<1x32768xi32, #tpu.memory_space<hbm>> -> memref<1x128xi32, #tpu.memory_space<hbm>>
          tpu.enqueue_dma source(%dma_start3A_301 : memref<1x128xi32, #tpu.memory_space<hbm>>) target(%dma_start3A_299 : memref<1x128xi32, #tpu.memory_space<vmem>>) target_semaphore(%dma_start3A_295 : memref<!tpu.dma_semaphore, #tpu.memory_space<semaphore_mem>>)
          "tpu.trace_stop"() : () -> ()
        } else {
        }
        %and3A_183 = arith.constant true
        %and3A_184 = arith.andi %and3A, %and3A_183 : i1
        %add3A_185 = arith.constant 1 : i32
        %add3A_186 = arith.addi %scan3A_142, %add3A_185 : i32
        %select_n3A_187 = arith.select %and3A_184, %add3A_186, %scan3A_142 : i32
        %ne3A_188 = arith.cmpi ne, %add3A_151, %add3A_169 : i32
        %or3A_189 = arith.constant false
        %or3A_190 = arith.ori %or3A_189, %ne3A_188 : i1
        %or3A_191 = arith.constant false
        %or3A_192 = arith.ori %or3A_190, %or3A_191 : i1
        %ge3A_193 = arith.constant 7 : i32
        %ge3A_194 = arith.cmpi sge, %scan3A_141, %ge3A_193 : i32
        %not3A_195 = arith.constant true
        %not3A_196 = arith.xori %ge3A_194, %not3A_195 : i1
        %and3A_197 = arith.andi %or3A_192, %not3A_196 : i1
        %ne3A_198 = arith.cmpi ne, %add3A_151, %add3A_160 : i32
        %or3A_199 = arith.constant false
        %or3A_200 = arith.ori %or3A_199, %ne3A_198 : i1
        %or3A_201 = arith.ori %or3A_200, %eq3A_148 : i1
        %convert_element_type3A_202 = arith.extui %or3A_201 : i1 to i32
        %cond3A_203 = arith.constant 0 : i32
        %cond3A_204 = arith.cmpi ne, %convert_element_type3A_202, %cond3A_203 : i32
        scf.if %cond3A_204 {
          "tpu.trace_start"() <{level = 10 : i32, message = "ep_wait_in"}> : () -> ()
          %mul3A_284 = arith.constant 128 : i32
          %mul3A_285 = arith.muli %mul3A_284, %add3A_151 : i32
          %rem3A_286 = arith.constant 2 : i32
          %rem3A_287 = arith.remui %scan3A_143, %rem3A_286 : i32
          %dma_wait3A_288 = arith.constant 0 : i32
          %dma_wait3A_289 = arith.constant 0 : i32
          %dma_wait3A_290 = tpu.memref_slice %run_scoped3A[%rem3A_287, %dma_wait3A_288, %dma_wait3A_289] : memref<2x1x128xi32, #tpu.memory_space<vmem>> -> memref<1x1x128xi32, #tpu.memory_space<vmem>>
          %dma_wait3A_291 = tpu.memref_squeeze %dma_wait3A_290 : memref<1x1x128xi32, #tpu.memory_space<vmem>> -> memref<1x128xi32, #tpu.memory_space<vmem>>
          %dma_wait3A_292 = arith.constant 0 : i32
          %dma_wait3A_293 = tpu.memref_slice %arg3[%dma_wait3A_292, %mul3A_285] : memref<1x32768xi32, #tpu.memory_space<hbm>> -> memref<1x128xi32, #tpu.memory_space<hbm>>
          %dma_wait3A_294 = tpu.memref_slice %run_scoped3A_26[%rem3A_287] : memref<2x!tpu.dma_semaphore, #tpu.memory_space<semaphore_mem>> -> memref<1x!tpu.dma_semaphore, #tpu.memory_space<semaphore_mem>>
          %dma_wait3A_295 = tpu.memref_squeeze %dma_wait3A_294 : memref<1x!tpu.dma_semaphore, #tpu.memory_space<semaphore_mem>> -> memref<!tpu.dma_semaphore, #tpu.memory_space<semaphore_mem>>
          %dma_wait3A_296 = arith.constant 0 : i32
          %dma_wait3A_297 = arith.constant 0 : i32
          %dma_wait3A_298 = tpu.memref_slice %run_scoped3A[%rem3A_287, %dma_wait3A_296, %dma_wait3A_297] : memref<2x1x128xi32, #tpu.memory_space<vmem>> -> memref<1x1x128xi32, #tpu.memory_space<vmem>>
          %dma_wait3A_299 = tpu.memref_squeeze %dma_wait3A_298 : memref<1x1x128xi32, #tpu.memory_space<vmem>> -> memref<1x128xi32, #tpu.memory_space<vmem>>
          %dma_wait3A_300 = arith.constant 0 : i32
          %dma_wait3A_301 = tpu.memref_slice %arg3[%dma_wait3A_300, %mul3A_285] : memref<1x32768xi32, #tpu.memory_space<hbm>> -> memref<1x128xi32, #tpu.memory_space<hbm>>
          tpu.wait_dma2 semaphore(%dma_wait3A_295 : memref<!tpu.dma_semaphore, #tpu.memory_space<semaphore_mem>>) src(%dma_wait3A_301 : memref<1x128xi32, #tpu.memory_space<hbm>>) dst(%dma_wait3A_299 : memref<1x128xi32, #tpu.memory_space<vmem>>)
          "tpu.trace_stop"() : () -> ()
        } else {
        }
        %ne3A_205 = arith.cmpi ne, %add3A_151, %add3A_160 : i32
        %or3A_206 = arith.constant false
        %or3A_207 = arith.ori %or3A_206, %ne3A_205 : i1
        %or3A_208 = arith.constant false
        %or3A_209 = arith.ori %or3A_207, %or3A_208 : i1
        %or3A_210 = arith.ori %or3A_209, %eq3A_148 : i1
        %convert_element_type3A_211 = arith.extui %or3A_210 : i1 to i32
        %cond3A_212 = arith.constant 0 : i32
        %cond3A_213 = arith.cmpi ne, %convert_element_type3A_211, %cond3A_212 : i32
        scf.if %cond3A_213 {
        } else {
        }
        %rem3A_214 = arith.constant 2 : i32
        %rem3A_215 = arith.remui %scan3A_143, %rem3A_214 : i32
        %rem3A_216 = arith.constant 2 : i32
        %rem3A_217 = arith.remui %scan3A_144, %rem3A_216 : i32
        %run_scoped3A_218 = arith.constant 0 : i32
        "tpu.trace_start"() <{level = 10 : i32, message = "ep_run_kernel"}> : () -> ()
        "tpu.region"() ({
          %run_scoped3A_284 = tpu.sem_alloc : memref<!tpu.dma_semaphore, #tpu.memory_space<semaphore_mem>>
          %dma_start3A_285 = arith.constant 0 : i32
          %dma_start3A_286 = arith.constant 0 : i32
          %dma_start3A_287 = tpu.memref_slice %run_scoped3A_27[%rem3A_217, %dma_start3A_285, %dma_start3A_286] : memref<2x128x128xf32, #tpu.memory_space<vmem>> -> memref<1x128x128xf32, #tpu.memory_space<vmem>>
          %dma_start3A_288 = tpu.memref_squeeze %dma_start3A_287 : memref<1x128x128xf32, #tpu.memory_space<vmem>> -> memref<128x128xf32, #tpu.memory_space<vmem>>
          %dma_start3A_289 = arith.constant 0 : i32
          %dma_start3A_290 = arith.constant 0 : i32
          %dma_start3A_291 = tpu.memref_slice %run_scoped3A[%rem3A_215, %dma_start3A_289, %dma_start3A_290] : memref<2x1x128xi32, #tpu.memory_space<vmem>> -> memref<1x1x128xi32, #tpu.memory_space<vmem>>
          %dma_start3A_292 = tpu.memref_squeeze %dma_start3A_291 : memref<1x1x128xi32, #tpu.memory_space<vmem>> -> memref<1x128xi32, #tpu.memory_space<vmem>>
          %dma_start3A_293 = arith.constant 0 : i32
          %dma_start3A_294 = tpu.memref_slice %dma_start3A_292[%run_scoped3A_218, %dma_start3A_293] : memref<1x128xi32, #tpu.memory_space<vmem>> -> memref<1x128xi32, #tpu.memory_space<vmem>>
          %dma_start3A_295 = tpu.memref_squeeze %dma_start3A_294 : memref<1x128xi32, #tpu.memory_space<vmem>> -> memref<128xi32, #tpu.memory_space<vmem>>
          %dma_start3A_296 = arith.constant 0 : i32
          %dma_start3A_297 = arith.constant 0 : i32
          %dma_start3A_298 = tpu.memref_slice %arg2[%dma_start3A_296, %dma_start3A_297] : memref<10000x128xf32, #tpu.memory_space<hbm>> -> memref<10000x128xf32, #tpu.memory_space<hbm>>
          tpu.enqueue_indirect_dma source(%dma_start3A_298 : memref<10000x128xf32, #tpu.memory_space<hbm>>) target(%dma_start3A_288 : memref<128x128xf32, #tpu.memory_space<vmem>>) offsets(%dma_start3A_295 : memref<128xi32, #tpu.memory_space<vmem>>) semaphore(%run_scoped3A_284 : memref<!tpu.dma_semaphore, #tpu.memory_space<semaphore_mem>>)
          %dma_wait3A_299 = arith.constant 0 : i32
          %dma_wait3A_300 = arith.constant 0 : i32
          %dma_wait3A_301 = tpu.memref_slice %run_scoped3A_27[%rem3A_217, %dma_wait3A_299, %dma_wait3A_300] : memref<2x128x128xf32, #tpu.memory_space<vmem>> -> memref<1x128x128xf32, #tpu.memory_space<vmem>>
          %dma_wait3A_302 = tpu.memref_squeeze %dma_wait3A_301 : memref<1x128x128xf32, #tpu.memory_space<vmem>> -> memref<128x128xf32, #tpu.memory_space<vmem>>
          %dma_wait3A_303 = arith.constant 0 : i32
          %dma_wait3A_304 = arith.constant 0 : i32
          %dma_wait3A_305 = tpu.memref_slice %run_scoped3A[%rem3A_215, %dma_wait3A_303, %dma_wait3A_304] : memref<2x1x128xi32, #tpu.memory_space<vmem>> -> memref<1x1x128xi32, #tpu.memory_space<vmem>>
          %dma_wait3A_306 = tpu.memref_squeeze %dma_wait3A_305 : memref<1x1x128xi32, #tpu.memory_space<vmem>> -> memref<1x128xi32, #tpu.memory_space<vmem>>
          %dma_wait3A_307 = arith.constant 0 : i32
          %dma_wait3A_308 = tpu.memref_slice %dma_wait3A_306[%run_scoped3A_218, %dma_wait3A_307] : memref<1x128xi32, #tpu.memory_space<vmem>> -> memref<1x128xi32, #tpu.memory_space<vmem>>
          %dma_wait3A_309 = tpu.memref_squeeze %dma_wait3A_308 : memref<1x128xi32, #tpu.memory_space<vmem>> -> memref<128xi32, #tpu.memory_space<vmem>>
          %dma_wait3A_310 = arith.constant 0 : i32
          %dma_wait3A_311 = arith.constant 0 : i32
          %dma_wait3A_312 = tpu.memref_slice %arg2[%dma_wait3A_310, %dma_wait3A_311] : memref<10000x128xf32, #tpu.memory_space<hbm>> -> memref<10000x128xf32, #tpu.memory_space<hbm>>
          tpu.wait_indirect_dma semaphore(%run_scoped3A_284 : memref<!tpu.dma_semaphore, #tpu.memory_space<semaphore_mem>>) src(%dma_wait3A_312 : memref<10000x128xf32, #tpu.memory_space<hbm>>) dst(%dma_wait3A_302 : memref<128x128xf32, #tpu.memory_space<vmem>>)
          tpu.yield
        }) : () -> ()
        "tpu.trace_stop"() : () -> ()
        %ne3A_219 = arith.cmpi ne, %add3A_151, %add3A_169 : i32
        %or3A_220 = arith.constant false
        %or3A_221 = arith.ori %or3A_220, %ne3A_219 : i1
        %or3A_222 = arith.ori %or3A_221, %eq3A_150 : i1
        %convert_element_type3A_223 = arith.extui %or3A_222 : i1 to i32
        %cond3A_224 = arith.constant 0 : i32
        %cond3A_225 = arith.cmpi ne, %convert_element_type3A_223, %cond3A_224 : i32
        scf.if %cond3A_225 {
        } else {
        }
        %and3A_226 = arith.constant false
        %and3A_227 = arith.andi %or3A_222, %and3A_226 : i1
        %ne3A_228 = arith.cmpi ne, %add3A_151, %add3A_169 : i32
        %or3A_229 = arith.constant false
        %or3A_230 = arith.ori %or3A_229, %ne3A_228 : i1
        %or3A_231 = arith.constant false
        %or3A_232 = arith.ori %or3A_230, %or3A_231 : i1
        %or3A_233 = arith.ori %or3A_232, %eq3A_150 : i1
        %convert_element_type3A_234 = arith.extui %or3A_233 : i1 to i32
        %cond3A_235 = arith.constant 0 : i32
        %cond3A_236 = arith.cmpi ne, %convert_element_type3A_234, %cond3A_235 : i32
        scf.if %cond3A_236 {
          "tpu.trace_start"() <{level = 10 : i32, message = "ep_copy_out"}> : () -> ()
          %rem3A_284 = arith.constant 2 : i32
          %rem3A_285 = arith.remui %scan3A_144, %rem3A_284 : i32
          %mul3A_286 = arith.constant 128 : i32
          %mul3A_287 = arith.muli %mul3A_286, %add3A_151 : i32
          %dma_start3A_288 = arith.constant 0 : i32
          %dma_start3A_289 = arith.constant 0 : i32
          %dma_start3A_290 = tpu.memref_slice %run_scoped3A_27[%rem3A_285, %dma_start3A_288, %dma_start3A_289] : memref<2x128x128xf32, #tpu.memory_space<vmem>> -> memref<1x128x128xf32, #tpu.memory_space<vmem>>
          %dma_start3A_291 = tpu.memref_squeeze %dma_start3A_290 : memref<1x128x128xf32, #tpu.memory_space<vmem>> -> memref<128x128xf32, #tpu.memory_space<vmem>>
          %dma_start3A_292 = arith.constant 0 : i32
          %dma_start3A_293 = tpu.memref_slice %arg5[%mul3A_287, %dma_start3A_292] : memref<32768x128xf32, #tpu.memory_space<hbm>> -> memref<128x128xf32, #tpu.memory_space<hbm>>
          %dma_start3A_294 = tpu.memref_slice %run_scoped3A_28[%rem3A_285] : memref<2x!tpu.dma_semaphore, #tpu.memory_space<semaphore_mem>> -> memref<1x!tpu.dma_semaphore, #tpu.memory_space<semaphore_mem>>
          %dma_start3A_295 = tpu.memref_squeeze %dma_start3A_294 : memref<1x!tpu.dma_semaphore, #tpu.memory_space<semaphore_mem>> -> memref<!tpu.dma_semaphore, #tpu.memory_space<semaphore_mem>>
          %dma_start3A_296 = arith.constant 0 : i32
          %dma_start3A_297 = tpu.memref_slice %arg5[%mul3A_287, %dma_start3A_296] : memref<32768x128xf32, #tpu.memory_space<hbm>> -> memref<128x128xf32, #tpu.memory_space<hbm>>
          %dma_start3A_298 = arith.constant 0 : i32
          %dma_start3A_299 = arith.constant 0 : i32
          %dma_start3A_300 = tpu.memref_slice %run_scoped3A_27[%rem3A_285, %dma_start3A_298, %dma_start3A_299] : memref<2x128x128xf32, #tpu.memory_space<vmem>> -> memref<1x128x128xf32, #tpu.memory_space<vmem>>
          %dma_start3A_301 = tpu.memref_squeeze %dma_start3A_300 : memref<1x128x128xf32, #tpu.memory_space<vmem>> -> memref<128x128xf32, #tpu.memory_space<vmem>>
          tpu.enqueue_dma source(%dma_start3A_301 : memref<128x128xf32, #tpu.memory_space<vmem>>) target(%dma_start3A_297 : memref<128x128xf32, #tpu.memory_space<hbm>>) target_semaphore(%dma_start3A_295 : memref<!tpu.dma_semaphore, #tpu.memory_space<semaphore_mem>>)
          "tpu.trace_stop"() : () -> ()
        } else {
        }
        %and3A_237 = arith.constant true
        %and3A_238 = arith.andi %or3A_233, %and3A_237 : i1
        %add3A_239 = arith.constant 1 : i32
        %add3A_240 = arith.addi %scan3A_144, %add3A_239 : i32
        %select_n3A_241 = arith.select %and3A_238, %add3A_240, %scan3A_144 : i32
        %ne3A_242 = arith.cmpi ne, %add3A_151, %add3A_160 : i32
        %or3A_243 = arith.constant false
        %or3A_244 = arith.ori %or3A_243, %ne3A_242 : i1
        %not3A_245 = arith.constant true
        %not3A_246 = arith.xori %eq3A_148, %not3A_245 : i1
        %and3A_247 = arith.andi %or3A_244, %not3A_246 : i1
        %convert_element_type3A_248 = arith.extui %and3A_247 : i1 to i32
        %cond3A_249 = arith.constant 0 : i32
        %cond3A_250 = arith.cmpi ne, %convert_element_type3A_248, %cond3A_249 : i32
        scf.if %cond3A_250 {
        } else {
        }
        %and3A_251 = arith.constant false
        %and3A_252 = arith.andi %and3A_247, %and3A_251 : i1
        %ne3A_253 = arith.cmpi ne, %add3A_151, %add3A_160 : i32
        %or3A_254 = arith.constant false
        %or3A_255 = arith.ori %or3A_254, %ne3A_253 : i1
        %or3A_256 = arith.constant false
        %or3A_257 = arith.ori %or3A_255, %or3A_256 : i1
        %not3A_258 = arith.constant true
        %not3A_259 = arith.xori %eq3A_148, %not3A_258 : i1
        %and3A_260 = arith.andi %or3A_257, %not3A_259 : i1
        %convert_element_type3A_261 = arith.extui %and3A_260 : i1 to i32
        %cond3A_262 = arith.constant 0 : i32
        %cond3A_263 = arith.cmpi ne, %convert_element_type3A_261, %cond3A_262 : i32
        scf.if %cond3A_263 {
          "tpu.trace_start"() <{level = 10 : i32, message = "ep_wait_out"}> : () -> ()
          %rem3A_284 = arith.constant 2 : i32
          %rem3A_285 = arith.remui %scan3A_145, %rem3A_284 : i32
          %mul3A_286 = arith.constant 128 : i32
          %mul3A_287 = arith.muli %mul3A_286, %add3A_160 : i32
          %dma_wait3A_288 = arith.constant 0 : i32
          %dma_wait3A_289 = arith.constant 0 : i32
          %dma_wait3A_290 = tpu.memref_slice %run_scoped3A_27[%rem3A_285, %dma_wait3A_288, %dma_wait3A_289] : memref<2x128x128xf32, #tpu.memory_space<vmem>> -> memref<1x128x128xf32, #tpu.memory_space<vmem>>
          %dma_wait3A_291 = tpu.memref_squeeze %dma_wait3A_290 : memref<1x128x128xf32, #tpu.memory_space<vmem>> -> memref<128x128xf32, #tpu.memory_space<vmem>>
          %dma_wait3A_292 = arith.constant 0 : i32
          %dma_wait3A_293 = tpu.memref_slice %arg5[%mul3A_287, %dma_wait3A_292] : memref<32768x128xf32, #tpu.memory_space<hbm>> -> memref<128x128xf32, #tpu.memory_space<hbm>>
          %dma_wait3A_294 = tpu.memref_slice %run_scoped3A_28[%rem3A_285] : memref<2x!tpu.dma_semaphore, #tpu.memory_space<semaphore_mem>> -> memref<1x!tpu.dma_semaphore, #tpu.memory_space<semaphore_mem>>
          %dma_wait3A_295 = tpu.memref_squeeze %dma_wait3A_294 : memref<1x!tpu.dma_semaphore, #tpu.memory_space<semaphore_mem>> -> memref<!tpu.dma_semaphore, #tpu.memory_space<semaphore_mem>>
          %dma_wait3A_296 = arith.constant 0 : i32
          %dma_wait3A_297 = tpu.memref_slice %arg5[%mul3A_287, %dma_wait3A_296] : memref<32768x128xf32, #tpu.memory_space<hbm>> -> memref<128x128xf32, #tpu.memory_space<hbm>>
          %dma_wait3A_298 = arith.constant 0 : i32
          %dma_wait3A_299 = arith.constant 0 : i32
          %dma_wait3A_300 = tpu.memref_slice %run_scoped3A_27[%rem3A_285, %dma_wait3A_298, %dma_wait3A_299] : memref<2x128x128xf32, #tpu.memory_space<vmem>> -> memref<1x128x128xf32, #tpu.memory_space<vmem>>
          %dma_wait3A_301 = tpu.memref_squeeze %dma_wait3A_300 : memref<1x128x128xf32, #tpu.memory_space<vmem>> -> memref<128x128xf32, #tpu.memory_space<vmem>>
          tpu.wait_dma2 semaphore(%dma_wait3A_295 : memref<!tpu.dma_semaphore, #tpu.memory_space<semaphore_mem>>) src(%dma_wait3A_301 : memref<128x128xf32, #tpu.memory_space<vmem>>) dst(%dma_wait3A_297 : memref<128x128xf32, #tpu.memory_space<hbm>>)
          "tpu.trace_stop"() : () -> ()
        } else {
        }
        %and3A_264 = arith.constant true
        %and3A_265 = arith.andi %and3A_260, %and3A_264 : i1
        %add3A_266 = arith.constant 1 : i32
        %add3A_267 = arith.addi %scan3A_145, %add3A_266 : i32
        %select_n3A_268 = arith.select %and3A_265, %add3A_267, %scan3A_145 : i32
        %ne3A_269 = arith.cmpi ne, %add3A_151, %add3A_169 : i32
        %or3A_270 = arith.constant false
        %or3A_271 = arith.ori %or3A_270, %ne3A_269 : i1
        %or3A_272 = arith.ori %or3A_271, %eq3A_150 : i1
        %add3A_273 = arith.constant 1 : i32
        %add3A_274 = arith.addi %scan3A_143, %add3A_273 : i32
        %select_n3A_275 = arith.select %or3A_272, %add3A_274, %scan3A_143 : i32
        %add3A_276 = arith.constant 1 : i32
        %add3A_277 = arith.addi %scan3A_146, %add3A_276 : i32
        %select_n3A_278 = arith.constant true
        %select_n3A_279 = arith.select %select_n3A_278, %add3A_277, %scan3A_146 : i32
        %eq3A_280 = arith.constant 8 : i32
        %eq3A_281 = arith.cmpi eq, %select_n3A_279, %eq3A_280 : i32
        %select_n3A_282 = arith.constant 0 : i32
        %select_n3A_283 = arith.select %eq3A_281, %select_n3A_282, %select_n3A_279 : i32
        scf.yield %select_n3A_187, %select_n3A_275, %select_n3A_241, %select_n3A_268, %select_n3A_283 : i32, i32, i32, i32, i32
      }
      %scan3A_88 = arith.constant 8 : i32
      %sub3A = arith.constant 1 : i32
      %sub3A_89 = arith.subi %scan3A_87#4, %sub3A : i32
      %select_n3A_90 = arith.constant true
      %select_n3A_91 = arith.select %select_n3A_90, %sub3A_89, %scan3A_87#4 : i32
      %eq3A_92 = arith.constant -1 : i32
      %eq3A_93 = arith.cmpi eq, %select_n3A_91, %eq3A_92 : i32
      %select_n3A_94 = arith.constant 7 : i32
      %select_n3A_95 = arith.select %eq3A_93, %select_n3A_94, %select_n3A_91 : i32
      %add3A_96 = arith.addi %select_n3A_95, %mul3A_6 : i32
      %sub3A_97 = arith.constant 1 : i32
      %sub3A_98 = arith.subi %select_n3A_95, %sub3A_97 : i32
      %select_n3A_99 = arith.constant true
      %select_n3A_100 = arith.select %select_n3A_99, %sub3A_98, %select_n3A_95 : i32
      %eq3A_101 = arith.constant -1 : i32
      %eq3A_102 = arith.cmpi eq, %select_n3A_100, %eq3A_101 : i32
      %select_n3A_103 = arith.constant 7 : i32
      %select_n3A_104 = arith.select %eq3A_102, %select_n3A_103, %select_n3A_100 : i32
      %add3A_105 = arith.addi %select_n3A_104, %mul3A_6 : i32
      %add3A_106 = arith.constant 1 : i32
      %add3A_107 = arith.addi %select_n3A_95, %add3A_106 : i32
      %select_n3A_108 = arith.constant true
      %select_n3A_109 = arith.select %select_n3A_108, %add3A_107, %select_n3A_95 : i32
      %eq3A_110 = arith.constant 8 : i32
      %eq3A_111 = arith.cmpi eq, %select_n3A_109, %eq3A_110 : i32
      %select_n3A_112 = arith.constant 0 : i32
      %select_n3A_113 = arith.select %eq3A_111, %select_n3A_112, %select_n3A_109 : i32
      %add3A_114 = arith.addi %select_n3A_113, %mul3A_6 : i32
      %add3A_115 = arith.constant 1 : i32
      %add3A_116 = arith.addi %select_n3A_113, %add3A_115 : i32
      %select_n3A_117 = arith.constant true
      %select_n3A_118 = arith.select %select_n3A_117, %add3A_116, %select_n3A_113 : i32
      %eq3A_119 = arith.constant 8 : i32
      %eq3A_120 = arith.cmpi eq, %select_n3A_118, %eq3A_119 : i32
      %select_n3A_121 = arith.constant 0 : i32
      %select_n3A_122 = arith.select %eq3A_120, %select_n3A_121, %select_n3A_118 : i32
      %add3A_123 = arith.addi %select_n3A_122, %mul3A_6 : i32
      "tpu.trace_start"() <{level = 10 : i32, message = "ep_finalize"}> : () -> ()
      %rem3A_124 = arith.constant 2 : i32
      %rem3A_125 = arith.remui %scan3A_87#3, %rem3A_124 : i32
      %mul3A_126 = arith.constant 128 : i32
      %mul3A_127 = arith.muli %mul3A_126, %add3A_96 : i32
      %dma_wait3A = arith.constant 0 : i32
      %dma_wait3A_128 = arith.constant 0 : i32
      %dma_wait3A_129 = tpu.memref_slice %run_scoped3A_27[%rem3A_125, %dma_wait3A, %dma_wait3A_128] : memref<2x128x128xf32, #tpu.memory_space<vmem>> -> memref<1x128x128xf32, #tpu.memory_space<vmem>>
      %dma_wait3A_130 = tpu.memref_squeeze %dma_wait3A_129 : memref<1x128x128xf32, #tpu.memory_space<vmem>> -> memref<128x128xf32, #tpu.memory_space<vmem>>
      %dma_wait3A_131 = arith.constant 0 : i32
      %dma_wait3A_132 = tpu.memref_slice %arg5[%mul3A_127, %dma_wait3A_131] : memref<32768x128xf32, #tpu.memory_space<hbm>> -> memref<128x128xf32, #tpu.memory_space<hbm>>
      %dma_wait3A_133 = tpu.memref_slice %run_scoped3A_28[%rem3A_125] : memref<2x!tpu.dma_semaphore, #tpu.memory_space<semaphore_mem>> -> memref<1x!tpu.dma_semaphore, #tpu.memory_space<semaphore_mem>>
      %dma_wait3A_134 = tpu.memref_squeeze %dma_wait3A_133 : memref<1x!tpu.dma_semaphore, #tpu.memory_space<semaphore_mem>> -> memref<!tpu.dma_semaphore, #tpu.memory_space<semaphore_mem>>
      %dma_wait3A_135 = arith.constant 0 : i32
      %dma_wait3A_136 = tpu.memref_slice %arg5[%mul3A_127, %dma_wait3A_135] : memref<32768x128xf32, #tpu.memory_space<hbm>> -> memref<128x128xf32, #tpu.memory_space<hbm>>
      %dma_wait3A_137 = arith.constant 0 : i32
      %dma_wait3A_138 = arith.constant 0 : i32
      %dma_wait3A_139 = tpu.memref_slice %run_scoped3A_27[%rem3A_125, %dma_wait3A_137, %dma_wait3A_138] : memref<2x128x128xf32, #tpu.memory_space<vmem>> -> memref<1x128x128xf32, #tpu.memory_space<vmem>>
      %dma_wait3A_140 = tpu.memref_squeeze %dma_wait3A_139 : memref<1x128x128xf32, #tpu.memory_space<vmem>> -> memref<128x128xf32, #tpu.memory_space<vmem>>
      tpu.wait_dma2 semaphore(%dma_wait3A_134 : memref<!tpu.dma_semaphore, #tpu.memory_space<semaphore_mem>>) src(%dma_wait3A_140 : memref<128x128xf32, #tpu.memory_space<vmem>>) dst(%dma_wait3A_136 : memref<128x128xf32, #tpu.memory_space<hbm>>)
      "tpu.trace_stop"() : () -> ()
      tpu.yield
    }) : () -> ()
    %mul3A_7 = arith.constant 1 : i32
    %mul3A_8 = arith.muli %arg1, %mul3A_7 : i32
    %add3A_9 = arith.constant 0 : i32
    %add3A_10 = arith.addi %add3A_9, %mul3A_8 : i32
    %mul3A_11 = arith.constant 16 : i32
    %mul3A_12 = arith.muli %arg0, %mul3A_11 : i32
    %add3A_13 = arith.addi %add3A_10, %mul3A_12 : i32
    %lt3A = arith.constant 16 : i32
    %lt3A_14 = arith.cmpi slt, %add3A_13, %lt3A : i32
    %jit3A = arith.constant 1 : i32
    %jit3A_15 = arith.constant 0 : i32
    %select_n3A = arith.select %lt3A_14, %jit3A, %jit3A_15 : i32
    %lt3A_16 = arith.constant 16 : i32
    %lt3A_17 = arith.cmpi slt, %add3A_13, %lt3A_16 : i32
    %mul3A_18 = arith.muli %add3A_13, %select_n3A : i32
    %mul3A_19 = arith.constant 0 : i32
    %mul3A_20 = arith.muli %add3A_13, %mul3A_19 : i32
    %add3A_21 = arith.constant 16 : i32
    %add3A_22 = arith.addi %mul3A_20, %add3A_21 : i32
    %select_n3A_23 = arith.select %lt3A_17, %mul3A_18, %add3A_22 : i32
    %mul3A_24 = arith.constant 1 : i32
    %mul3A_25 = arith.muli %mul3A_24, %select_n3A : i32
    "tpu.region"() ({
      %run_scoped3A = memref.alloca() : memref<2x1x128xi32, #tpu.memory_space<vmem>>
      %run_scoped3A_26 = tpu.sem_alloc : memref<2x!tpu.dma_semaphore, #tpu.memory_space<semaphore_mem>>
      %run_scoped3A_27 = memref.alloca() : memref<2x128x128xf32, #tpu.memory_space<vmem>>
      %run_scoped3A_28 = tpu.sem_alloc : memref<2x!tpu.dma_semaphore, #tpu.memory_space<semaphore_mem>>
      %gt3A = arith.constant 0 : i32
      %gt3A_29 = arith.cmpi sgt, %mul3A_25, %gt3A : i32
      %convert_element_type3A = arith.extui %gt3A_29 : i1 to i32
      %cond3A = arith.constant 0 : i32
      %cond3A_30 = arith.cmpi ne, %convert_element_type3A, %cond3A : i32
      scf.if %cond3A_30 {
        %mul3A_31 = arith.constant 1 : i32
        %mul3A_32 = arith.muli %mul3A_31, %select_n3A : i32
        %sub3A = arith.constant 1 : i32
        %sub3A_33 = arith.subi %mul3A_32, %sub3A : i32
        %eq3A = arith.constant 0 : i32
        %eq3A_34 = arith.cmpi eq, %sub3A_33, %eq3A : i32
        %add3A_35 = arith.constant 0 : i32
        %add3A_36 = arith.addi %add3A_35, %select_n3A_23 : i32
        %select_n3A_37 = arith.constant true
        %select_n3A_38 = arith.constant 0 : i32
        %select_n3A_39 = arith.constant -1 : i32
        %select_n3A_40 = arith.select %select_n3A_37, %select_n3A_39, %select_n3A_38 : i32
        %eq3A_41 = arith.constant -1 : i32
        %eq3A_42 = arith.cmpi eq, %select_n3A_40, %eq3A_41 : i32
        %sub3A_43 = arith.constant 1 : i32
        %sub3A_44 = arith.subi %select_n3A, %sub3A_43 : i32
        %select_n3A_45 = arith.select %eq3A_42, %sub3A_44, %select_n3A_40 : i32
        %add3A_46 = arith.addi %select_n3A_45, %select_n3A_23 : i32
        %select_n3A_47 = arith.constant true
        %select_n3A_48 = arith.constant 0 : i32
        %select_n3A_49 = arith.constant 1 : i32
        %select_n3A_50 = arith.select %select_n3A_47, %select_n3A_49, %select_n3A_48 : i32
        %eq3A_51 = arith.cmpi eq, %select_n3A_50, %select_n3A : i32
        %select_n3A_52 = arith.constant 0 : i32
        %select_n3A_53 = arith.select %eq3A_51, %select_n3A_52, %select_n3A_50 : i32
        %add3A_54 = arith.addi %select_n3A_53, %select_n3A_23 : i32
        %add3A_55 = arith.constant 1 : i32
        %add3A_56 = arith.addi %select_n3A_53, %add3A_55 : i32
        %select_n3A_57 = arith.constant true
        %select_n3A_58 = arith.select %select_n3A_57, %add3A_56, %select_n3A_53 : i32
        %eq3A_59 = arith.cmpi eq, %select_n3A_58, %select_n3A : i32
        %select_n3A_60 = arith.constant 0 : i32
        %select_n3A_61 = arith.select %eq3A_59, %select_n3A_60, %select_n3A_58 : i32
        %add3A_62 = arith.addi %select_n3A_61, %select_n3A_23 : i32
        "tpu.trace_start"() <{level = 10 : i32, message = "ep_initialize_0"}> : () -> ()
        %rem3A = arith.constant 0 : i32
        %rem3A_63 = arith.constant 2 : i32
        %rem3A_64 = arith.remui %rem3A, %rem3A_63 : i32
        %mul3A_65 = arith.constant 128 : i32
        %mul3A_66 = arith.muli %mul3A_65, %add3A_36 : i32
        %dma_start3A = arith.constant 0 : i32
        %dma_start3A_67 = arith.constant 0 : i32
        %dma_start3A_68 = tpu.memref_slice %run_scoped3A[%rem3A_64, %dma_start3A, %dma_start3A_67] : memref<2x1x128xi32, #tpu.memory_space<vmem>> -> memref<1x1x128xi32, #tpu.memory_space<vmem>>
        %dma_start3A_69 = tpu.memref_squeeze %dma_start3A_68 : memref<1x1x128xi32, #tpu.memory_space<vmem>> -> memref<1x128xi32, #tpu.memory_space<vmem>>
        %dma_start3A_70 = arith.constant 0 : i32
        %dma_start3A_71 = tpu.memref_slice %arg4[%dma_start3A_70, %mul3A_66] : memref<1x2048xi32, #tpu.memory_space<hbm>> -> memref<1x128xi32, #tpu.memory_space<hbm>>
        %dma_start3A_72 = tpu.memref_slice %run_scoped3A_26[%rem3A_64] : memref<2x!tpu.dma_semaphore, #tpu.memory_space<semaphore_mem>> -> memref<1x!tpu.dma_semaphore, #tpu.memory_space<semaphore_mem>>
        %dma_start3A_73 = tpu.memref_squeeze %dma_start3A_72 : memref<1x!tpu.dma_semaphore, #tpu.memory_space<semaphore_mem>> -> memref<!tpu.dma_semaphore, #tpu.memory_space<semaphore_mem>>
        %dma_start3A_74 = arith.constant 0 : i32
        %dma_start3A_75 = arith.constant 0 : i32
        %dma_start3A_76 = tpu.memref_slice %run_scoped3A[%rem3A_64, %dma_start3A_74, %dma_start3A_75] : memref<2x1x128xi32, #tpu.memory_space<vmem>> -> memref<1x1x128xi32, #tpu.memory_space<vmem>>
        %dma_start3A_77 = tpu.memref_squeeze %dma_start3A_76 : memref<1x1x128xi32, #tpu.memory_space<vmem>> -> memref<1x128xi32, #tpu.memory_space<vmem>>
        %dma_start3A_78 = arith.constant 0 : i32
        %dma_start3A_79 = tpu.memref_slice %arg4[%dma_start3A_78, %mul3A_66] : memref<1x2048xi32, #tpu.memory_space<hbm>> -> memref<1x128xi32, #tpu.memory_space<hbm>>
        tpu.enqueue_dma source(%dma_start3A_79 : memref<1x128xi32, #tpu.memory_space<hbm>>) target(%dma_start3A_77 : memref<1x128xi32, #tpu.memory_space<vmem>>) target_semaphore(%dma_start3A_73 : memref<!tpu.dma_semaphore, #tpu.memory_space<semaphore_mem>>)
        %add3A_80 = arith.constant 0 : i32
        %add3A_81 = arith.constant 1 : i32
        %add3A_82 = arith.addi %add3A_80, %add3A_81 : i32
        %select_n3A_83 = arith.constant true
        %select_n3A_84 = arith.constant 0 : i32
        %select_n3A_85 = arith.select %select_n3A_83, %add3A_82, %select_n3A_84 : i32
        %while3A = arith.constant 0 : i32
        %while3A_86 = arith.constant 0 : i32
        %while3A_87 = arith.constant 0 : i32
        %while3A_88 = arith.constant 0 : i32
        %while3A_89 = arith.constant 0 : i32
        "tpu.trace_stop"() : () -> ()
        %while3A_90 = arith.subi %mul3A_25, %while3A : i32
        %while3A_91 = arith.addi %while3A, %while3A_90 : i32
        %while3A_92 = arith.constant 1 : i32
        %while3A_93 = arith.divsi %while3A_90, %while3A_92 : i32
        %while3A_94 = arith.muli %while3A_93, %while3A_92 : i32
        %while3A_95 = arith.addi %while3A, %while3A_94 : i32
        %while3A_96 = arith.constant 1 : i32
        %while3A_97:5 = scf.for %while3A_151 = %while3A to %while3A_95 step %while3A_96 iter_args(%while3A_152 = %select_n3A_85, %while3A_153 = %while3A_86, %while3A_154 = %while3A_87, %while3A_155 = %while3A_88, %while3A_156 = %while3A_89) -> (i32, i32, i32, i32, i32)  : i32 {
          %mul3A_157 = arith.constant 1 : i32
          %mul3A_158 = arith.muli %mul3A_157, %select_n3A : i32
          %eq3A_159 = arith.constant 0 : i32
          %eq3A_160 = arith.cmpi eq, %while3A_151, %eq3A_159 : i32
          %sub3A_161 = arith.constant 1 : i32
          %sub3A_162 = arith.subi %mul3A_158, %sub3A_161 : i32
          %eq3A_163 = arith.cmpi eq, %while3A_151, %sub3A_162 : i32
          %add3A_164 = arith.addi %while3A_156, %select_n3A_23 : i32
          %sub3A_165 = arith.constant 1 : i32
          %sub3A_166 = arith.subi %while3A_156, %sub3A_165 : i32
          %select_n3A_167 = arith.constant true
          %select_n3A_168 = arith.select %select_n3A_167, %sub3A_166, %while3A_156 : i32
          %eq3A_169 = arith.constant -1 : i32
          %eq3A_170 = arith.cmpi eq, %select_n3A_168, %eq3A_169 : i32
          %sub3A_171 = arith.constant 1 : i32
          %sub3A_172 = arith.subi %select_n3A, %sub3A_171 : i32
          %select_n3A_173 = arith.select %eq3A_170, %sub3A_172, %select_n3A_168 : i32
          %add3A_174 = arith.addi %select_n3A_173, %select_n3A_23 : i32
          %add3A_175 = arith.constant 1 : i32
          %add3A_176 = arith.addi %while3A_156, %add3A_175 : i32
          %select_n3A_177 = arith.constant true
          %select_n3A_178 = arith.select %select_n3A_177, %add3A_176, %while3A_156 : i32
          %eq3A_179 = arith.cmpi eq, %select_n3A_178, %select_n3A : i32
          %select_n3A_180 = arith.constant 0 : i32
          %select_n3A_181 = arith.select %eq3A_179, %select_n3A_180, %select_n3A_178 : i32
          %add3A_182 = arith.addi %select_n3A_181, %select_n3A_23 : i32
          %add3A_183 = arith.constant 1 : i32
          %add3A_184 = arith.addi %select_n3A_181, %add3A_183 : i32
          %select_n3A_185 = arith.constant true
          %select_n3A_186 = arith.select %select_n3A_185, %add3A_184, %select_n3A_181 : i32
          %eq3A_187 = arith.cmpi eq, %select_n3A_186, %select_n3A : i32
          %select_n3A_188 = arith.constant 0 : i32
          %select_n3A_189 = arith.select %eq3A_187, %select_n3A_188, %select_n3A_186 : i32
          %add3A_190 = arith.addi %select_n3A_189, %select_n3A_23 : i32
          %ne3A = arith.cmpi ne, %add3A_164, %add3A_182 : i32
          %or3A = arith.constant false
          %or3A_191 = arith.ori %or3A, %ne3A : i1
          %sub3A_192 = arith.constant 2 : i32
          %sub3A_193 = arith.subi %mul3A_158, %sub3A_192 : i32
          %add3A_194 = arith.constant 1 : i32
          %add3A_195 = arith.addi %sub3A_193, %add3A_194 : i32
          %ge3A = arith.cmpi sge, %while3A_151, %add3A_195 : i32
          %not3A = arith.constant true
          %not3A_196 = arith.xori %ge3A, %not3A : i1
          %and3A = arith.andi %or3A_191, %not3A_196 : i1
          %convert_element_type3A_197 = arith.extui %and3A : i1 to i32
          %cond3A_198 = arith.constant 0 : i32
          %cond3A_199 = arith.cmpi ne, %convert_element_type3A_197, %cond3A_198 : i32
          scf.if %cond3A_199 {
            "tpu.trace_start"() <{level = 10 : i32, message = "ep_copy_in"}> : () -> ()
            %rem3A_303 = arith.constant 2 : i32
            %rem3A_304 = arith.remui %while3A_152, %rem3A_303 : i32
            %mul3A_305 = arith.constant 128 : i32
            %mul3A_306 = arith.muli %mul3A_305, %add3A_182 : i32
            %dma_start3A_307 = arith.constant 0 : i32
            %dma_start3A_308 = arith.constant 0 : i32
            %dma_start3A_309 = tpu.memref_slice %run_scoped3A[%rem3A_304, %dma_start3A_307, %dma_start3A_308] : memref<2x1x128xi32, #tpu.memory_space<vmem>> -> memref<1x1x128xi32, #tpu.memory_space<vmem>>
            %dma_start3A_310 = tpu.memref_squeeze %dma_start3A_309 : memref<1x1x128xi32, #tpu.memory_space<vmem>> -> memref<1x128xi32, #tpu.memory_space<vmem>>
            %dma_start3A_311 = arith.constant 0 : i32
            %dma_start3A_312 = tpu.memref_slice %arg4[%dma_start3A_311, %mul3A_306] : memref<1x2048xi32, #tpu.memory_space<hbm>> -> memref<1x128xi32, #tpu.memory_space<hbm>>
            %dma_start3A_313 = tpu.memref_slice %run_scoped3A_26[%rem3A_304] : memref<2x!tpu.dma_semaphore, #tpu.memory_space<semaphore_mem>> -> memref<1x!tpu.dma_semaphore, #tpu.memory_space<semaphore_mem>>
            %dma_start3A_314 = tpu.memref_squeeze %dma_start3A_313 : memref<1x!tpu.dma_semaphore, #tpu.memory_space<semaphore_mem>> -> memref<!tpu.dma_semaphore, #tpu.memory_space<semaphore_mem>>
            %dma_start3A_315 = arith.constant 0 : i32
            %dma_start3A_316 = arith.constant 0 : i32
            %dma_start3A_317 = tpu.memref_slice %run_scoped3A[%rem3A_304, %dma_start3A_315, %dma_start3A_316] : memref<2x1x128xi32, #tpu.memory_space<vmem>> -> memref<1x1x128xi32, #tpu.memory_space<vmem>>
            %dma_start3A_318 = tpu.memref_squeeze %dma_start3A_317 : memref<1x1x128xi32, #tpu.memory_space<vmem>> -> memref<1x128xi32, #tpu.memory_space<vmem>>
            %dma_start3A_319 = arith.constant 0 : i32
            %dma_start3A_320 = tpu.memref_slice %arg4[%dma_start3A_319, %mul3A_306] : memref<1x2048xi32, #tpu.memory_space<hbm>> -> memref<1x128xi32, #tpu.memory_space<hbm>>
            tpu.enqueue_dma source(%dma_start3A_320 : memref<1x128xi32, #tpu.memory_space<hbm>>) target(%dma_start3A_318 : memref<1x128xi32, #tpu.memory_space<vmem>>) target_semaphore(%dma_start3A_314 : memref<!tpu.dma_semaphore, #tpu.memory_space<semaphore_mem>>)
            "tpu.trace_stop"() : () -> ()
          } else {
          }
          %and3A_200 = arith.constant true
          %and3A_201 = arith.andi %and3A, %and3A_200 : i1
          %add3A_202 = arith.constant 1 : i32
          %add3A_203 = arith.addi %while3A_152, %add3A_202 : i32
          %select_n3A_204 = arith.select %and3A_201, %add3A_203, %while3A_152 : i32
          %ne3A_205 = arith.cmpi ne, %add3A_164, %add3A_182 : i32
          %or3A_206 = arith.constant false
          %or3A_207 = arith.ori %or3A_206, %ne3A_205 : i1
          %or3A_208 = arith.constant false
          %or3A_209 = arith.ori %or3A_207, %or3A_208 : i1
          %sub3A_210 = arith.constant 2 : i32
          %sub3A_211 = arith.subi %mul3A_158, %sub3A_210 : i32
          %add3A_212 = arith.constant 1 : i32
          %add3A_213 = arith.addi %sub3A_211, %add3A_212 : i32
          %ge3A_214 = arith.cmpi sge, %while3A_151, %add3A_213 : i32
          %not3A_215 = arith.constant true
          %not3A_216 = arith.xori %ge3A_214, %not3A_215 : i1
          %and3A_217 = arith.andi %or3A_209, %not3A_216 : i1
          %ne3A_218 = arith.cmpi ne, %add3A_164, %add3A_174 : i32
          %or3A_219 = arith.constant false
          %or3A_220 = arith.ori %or3A_219, %ne3A_218 : i1
          %or3A_221 = arith.ori %or3A_220, %eq3A_160 : i1
          %convert_element_type3A_222 = arith.extui %or3A_221 : i1 to i32
          %cond3A_223 = arith.constant 0 : i32
          %cond3A_224 = arith.cmpi ne, %convert_element_type3A_222, %cond3A_223 : i32
          scf.if %cond3A_224 {
            "tpu.trace_start"() <{level = 10 : i32, message = "ep_wait_in"}> : () -> ()
            %mul3A_303 = arith.constant 128 : i32
            %mul3A_304 = arith.muli %mul3A_303, %add3A_164 : i32
            %rem3A_305 = arith.constant 2 : i32
            %rem3A_306 = arith.remui %while3A_153, %rem3A_305 : i32
            %dma_wait3A = arith.constant 0 : i32
            %dma_wait3A_307 = arith.constant 0 : i32
            %dma_wait3A_308 = tpu.memref_slice %run_scoped3A[%rem3A_306, %dma_wait3A, %dma_wait3A_307] : memref<2x1x128xi32, #tpu.memory_space<vmem>> -> memref<1x1x128xi32, #tpu.memory_space<vmem>>
            %dma_wait3A_309 = tpu.memref_squeeze %dma_wait3A_308 : memref<1x1x128xi32, #tpu.memory_space<vmem>> -> memref<1x128xi32, #tpu.memory_space<vmem>>
            %dma_wait3A_310 = arith.constant 0 : i32
            %dma_wait3A_311 = tpu.memref_slice %arg4[%dma_wait3A_310, %mul3A_304] : memref<1x2048xi32, #tpu.memory_space<hbm>> -> memref<1x128xi32, #tpu.memory_space<hbm>>
            %dma_wait3A_312 = tpu.memref_slice %run_scoped3A_26[%rem3A_306] : memref<2x!tpu.dma_semaphore, #tpu.memory_space<semaphore_mem>> -> memref<1x!tpu.dma_semaphore, #tpu.memory_space<semaphore_mem>>
            %dma_wait3A_313 = tpu.memref_squeeze %dma_wait3A_312 : memref<1x!tpu.dma_semaphore, #tpu.memory_space<semaphore_mem>> -> memref<!tpu.dma_semaphore, #tpu.memory_space<semaphore_mem>>
            %dma_wait3A_314 = arith.constant 0 : i32
            %dma_wait3A_315 = arith.constant 0 : i32
            %dma_wait3A_316 = tpu.memref_slice %run_scoped3A[%rem3A_306, %dma_wait3A_314, %dma_wait3A_315] : memref<2x1x128xi32, #tpu.memory_space<vmem>> -> memref<1x1x128xi32, #tpu.memory_space<vmem>>
            %dma_wait3A_317 = tpu.memref_squeeze %dma_wait3A_316 : memref<1x1x128xi32, #tpu.memory_space<vmem>> -> memref<1x128xi32, #tpu.memory_space<vmem>>
            %dma_wait3A_318 = arith.constant 0 : i32
            %dma_wait3A_319 = tpu.memref_slice %arg4[%dma_wait3A_318, %mul3A_304] : memref<1x2048xi32, #tpu.memory_space<hbm>> -> memref<1x128xi32, #tpu.memory_space<hbm>>
            tpu.wait_dma2 semaphore(%dma_wait3A_313 : memref<!tpu.dma_semaphore, #tpu.memory_space<semaphore_mem>>) src(%dma_wait3A_319 : memref<1x128xi32, #tpu.memory_space<hbm>>) dst(%dma_wait3A_317 : memref<1x128xi32, #tpu.memory_space<vmem>>)
            "tpu.trace_stop"() : () -> ()
          } else {
          }
          %ne3A_225 = arith.cmpi ne, %add3A_164, %add3A_174 : i32
          %or3A_226 = arith.constant false
          %or3A_227 = arith.ori %or3A_226, %ne3A_225 : i1
          %or3A_228 = arith.constant false
          %or3A_229 = arith.ori %or3A_227, %or3A_228 : i1
          %or3A_230 = arith.ori %or3A_229, %eq3A_160 : i1
          %convert_element_type3A_231 = arith.extui %or3A_230 : i1 to i32
          %cond3A_232 = arith.constant 0 : i32
          %cond3A_233 = arith.cmpi ne, %convert_element_type3A_231, %cond3A_232 : i32
          scf.if %cond3A_233 {
          } else {
          }
          %rem3A_234 = arith.constant 2 : i32
          %rem3A_235 = arith.remui %while3A_153, %rem3A_234 : i32
          %rem3A_236 = arith.constant 2 : i32
          %rem3A_237 = arith.remui %while3A_154, %rem3A_236 : i32
          %run_scoped3A_238 = arith.constant 0 : i32
          "tpu.trace_start"() <{level = 10 : i32, message = "ep_run_kernel"}> : () -> ()
          "tpu.region"() ({
            %run_scoped3A_303 = tpu.sem_alloc : memref<!tpu.dma_semaphore, #tpu.memory_space<semaphore_mem>>
            %dma_start3A_304 = arith.constant 0 : i32
            %dma_start3A_305 = arith.constant 0 : i32
            %dma_start3A_306 = tpu.memref_slice %run_scoped3A_27[%rem3A_237, %dma_start3A_304, %dma_start3A_305] : memref<2x128x128xf32, #tpu.memory_space<vmem>> -> memref<1x128x128xf32, #tpu.memory_space<vmem>>
            %dma_start3A_307 = tpu.memref_squeeze %dma_start3A_306 : memref<1x128x128xf32, #tpu.memory_space<vmem>> -> memref<128x128xf32, #tpu.memory_space<vmem>>
            %dma_start3A_308 = arith.constant 0 : i32
            %dma_start3A_309 = arith.constant 0 : i32
            %dma_start3A_310 = tpu.memref_slice %run_scoped3A[%rem3A_235, %dma_start3A_308, %dma_start3A_309] : memref<2x1x128xi32, #tpu.memory_space<vmem>> -> memref<1x1x128xi32, #tpu.memory_space<vmem>>
            %dma_start3A_311 = tpu.memref_squeeze %dma_start3A_310 : memref<1x1x128xi32, #tpu.memory_space<vmem>> -> memref<1x128xi32, #tpu.memory_space<vmem>>
            %dma_start3A_312 = arith.constant 0 : i32
            %dma_start3A_313 = tpu.memref_slice %dma_start3A_311[%run_scoped3A_238, %dma_start3A_312] : memref<1x128xi32, #tpu.memory_space<vmem>> -> memref<1x128xi32, #tpu.memory_space<vmem>>
            %dma_start3A_314 = tpu.memref_squeeze %dma_start3A_313 : memref<1x128xi32, #tpu.memory_space<vmem>> -> memref<128xi32, #tpu.memory_space<vmem>>
            %dma_start3A_315 = arith.constant 0 : i32
            %dma_start3A_316 = arith.constant 0 : i32
            %dma_start3A_317 = tpu.memref_slice %arg2[%dma_start3A_315, %dma_start3A_316] : memref<10000x128xf32, #tpu.memory_space<hbm>> -> memref<10000x128xf32, #tpu.memory_space<hbm>>
            tpu.enqueue_indirect_dma source(%dma_start3A_317 : memref<10000x128xf32, #tpu.memory_space<hbm>>) target(%dma_start3A_307 : memref<128x128xf32, #tpu.memory_space<vmem>>) offsets(%dma_start3A_314 : memref<128xi32, #tpu.memory_space<vmem>>) semaphore(%run_scoped3A_303 : memref<!tpu.dma_semaphore, #tpu.memory_space<semaphore_mem>>)
            %dma_wait3A = arith.constant 0 : i32
            %dma_wait3A_318 = arith.constant 0 : i32
            %dma_wait3A_319 = tpu.memref_slice %run_scoped3A_27[%rem3A_237, %dma_wait3A, %dma_wait3A_318] : memref<2x128x128xf32, #tpu.memory_space<vmem>> -> memref<1x128x128xf32, #tpu.memory_space<vmem>>
            %dma_wait3A_320 = tpu.memref_squeeze %dma_wait3A_319 : memref<1x128x128xf32, #tpu.memory_space<vmem>> -> memref<128x128xf32, #tpu.memory_space<vmem>>
            %dma_wait3A_321 = arith.constant 0 : i32
            %dma_wait3A_322 = arith.constant 0 : i32
            %dma_wait3A_323 = tpu.memref_slice %run_scoped3A[%rem3A_235, %dma_wait3A_321, %dma_wait3A_322] : memref<2x1x128xi32, #tpu.memory_space<vmem>> -> memref<1x1x128xi32, #tpu.memory_space<vmem>>
            %dma_wait3A_324 = tpu.memref_squeeze %dma_wait3A_323 : memref<1x1x128xi32, #tpu.memory_space<vmem>> -> memref<1x128xi32, #tpu.memory_space<vmem>>
            %dma_wait3A_325 = arith.constant 0 : i32
            %dma_wait3A_326 = tpu.memref_slice %dma_wait3A_324[%run_scoped3A_238, %dma_wait3A_325] : memref<1x128xi32, #tpu.memory_space<vmem>> -> memref<1x128xi32, #tpu.memory_space<vmem>>
            %dma_wait3A_327 = tpu.memref_squeeze %dma_wait3A_326 : memref<1x128xi32, #tpu.memory_space<vmem>> -> memref<128xi32, #tpu.memory_space<vmem>>
            %dma_wait3A_328 = arith.constant 0 : i32
            %dma_wait3A_329 = arith.constant 0 : i32
            %dma_wait3A_330 = tpu.memref_slice %arg2[%dma_wait3A_328, %dma_wait3A_329] : memref<10000x128xf32, #tpu.memory_space<hbm>> -> memref<10000x128xf32, #tpu.memory_space<hbm>>
            tpu.wait_indirect_dma semaphore(%run_scoped3A_303 : memref<!tpu.dma_semaphore, #tpu.memory_space<semaphore_mem>>) src(%dma_wait3A_330 : memref<10000x128xf32, #tpu.memory_space<hbm>>) dst(%dma_wait3A_320 : memref<128x128xf32, #tpu.memory_space<vmem>>)
            tpu.yield
          }) : () -> ()
          "tpu.trace_stop"() : () -> ()
          %ne3A_239 = arith.cmpi ne, %add3A_164, %add3A_182 : i32
          %or3A_240 = arith.constant false
          %or3A_241 = arith.ori %or3A_240, %ne3A_239 : i1
          %or3A_242 = arith.ori %or3A_241, %eq3A_163 : i1
          %convert_element_type3A_243 = arith.extui %or3A_242 : i1 to i32
          %cond3A_244 = arith.constant 0 : i32
          %cond3A_245 = arith.cmpi ne, %convert_element_type3A_243, %cond3A_244 : i32
          scf.if %cond3A_245 {
          } else {
          }
          %and3A_246 = arith.constant false
          %and3A_247 = arith.andi %or3A_242, %and3A_246 : i1
          %ne3A_248 = arith.cmpi ne, %add3A_164, %add3A_182 : i32
          %or3A_249 = arith.constant false
          %or3A_250 = arith.ori %or3A_249, %ne3A_248 : i1
          %or3A_251 = arith.constant false
          %or3A_252 = arith.ori %or3A_250, %or3A_251 : i1
          %or3A_253 = arith.ori %or3A_252, %eq3A_163 : i1
          %convert_element_type3A_254 = arith.extui %or3A_253 : i1 to i32
          %cond3A_255 = arith.constant 0 : i32
          %cond3A_256 = arith.cmpi ne, %convert_element_type3A_254, %cond3A_255 : i32
          scf.if %cond3A_256 {
            "tpu.trace_start"() <{level = 10 : i32, message = "ep_copy_out"}> : () -> ()
            %rem3A_303 = arith.constant 2 : i32
            %rem3A_304 = arith.remui %while3A_154, %rem3A_303 : i32
            %mul3A_305 = arith.constant 128 : i32
            %mul3A_306 = arith.muli %mul3A_305, %add3A_164 : i32
            %dma_start3A_307 = arith.constant 0 : i32
            %dma_start3A_308 = arith.constant 0 : i32
            %dma_start3A_309 = tpu.memref_slice %run_scoped3A_27[%rem3A_304, %dma_start3A_307, %dma_start3A_308] : memref<2x128x128xf32, #tpu.memory_space<vmem>> -> memref<1x128x128xf32, #tpu.memory_space<vmem>>
            %dma_start3A_310 = tpu.memref_squeeze %dma_start3A_309 : memref<1x128x128xf32, #tpu.memory_space<vmem>> -> memref<128x128xf32, #tpu.memory_space<vmem>>
            %dma_start3A_311 = arith.constant 0 : i32
            %dma_start3A_312 = tpu.memref_slice %arg6[%mul3A_306, %dma_start3A_311] : memref<2048x128xf32, #tpu.memory_space<hbm>> -> memref<128x128xf32, #tpu.memory_space<hbm>>
            %dma_start3A_313 = tpu.memref_slice %run_scoped3A_28[%rem3A_304] : memref<2x!tpu.dma_semaphore, #tpu.memory_space<semaphore_mem>> -> memref<1x!tpu.dma_semaphore, #tpu.memory_space<semaphore_mem>>
            %dma_start3A_314 = tpu.memref_squeeze %dma_start3A_313 : memref<1x!tpu.dma_semaphore, #tpu.memory_space<semaphore_mem>> -> memref<!tpu.dma_semaphore, #tpu.memory_space<semaphore_mem>>
            %dma_start3A_315 = arith.constant 0 : i32
            %dma_start3A_316 = tpu.memref_slice %arg6[%mul3A_306, %dma_start3A_315] : memref<2048x128xf32, #tpu.memory_space<hbm>> -> memref<128x128xf32, #tpu.memory_space<hbm>>
            %dma_start3A_317 = arith.constant 0 : i32
            %dma_start3A_318 = arith.constant 0 : i32
            %dma_start3A_319 = tpu.memref_slice %run_scoped3A_27[%rem3A_304, %dma_start3A_317, %dma_start3A_318] : memref<2x128x128xf32, #tpu.memory_space<vmem>> -> memref<1x128x128xf32, #tpu.memory_space<vmem>>
            %dma_start3A_320 = tpu.memref_squeeze %dma_start3A_319 : memref<1x128x128xf32, #tpu.memory_space<vmem>> -> memref<128x128xf32, #tpu.memory_space<vmem>>
            tpu.enqueue_dma source(%dma_start3A_320 : memref<128x128xf32, #tpu.memory_space<vmem>>) target(%dma_start3A_316 : memref<128x128xf32, #tpu.memory_space<hbm>>) target_semaphore(%dma_start3A_314 : memref<!tpu.dma_semaphore, #tpu.memory_space<semaphore_mem>>)
            "tpu.trace_stop"() : () -> ()
          } else {
          }
          %and3A_257 = arith.constant true
          %and3A_258 = arith.andi %or3A_253, %and3A_257 : i1
          %add3A_259 = arith.constant 1 : i32
          %add3A_260 = arith.addi %while3A_154, %add3A_259 : i32
          %select_n3A_261 = arith.select %and3A_258, %add3A_260, %while3A_154 : i32
          %ne3A_262 = arith.cmpi ne, %add3A_164, %add3A_174 : i32
          %or3A_263 = arith.constant false
          %or3A_264 = arith.ori %or3A_263, %ne3A_262 : i1
          %not3A_265 = arith.constant true
          %not3A_266 = arith.xori %eq3A_160, %not3A_265 : i1
          %and3A_267 = arith.andi %or3A_264, %not3A_266 : i1
          %convert_element_type3A_268 = arith.extui %and3A_267 : i1 to i32
          %cond3A_269 = arith.constant 0 : i32
          %cond3A_270 = arith.cmpi ne, %convert_element_type3A_268, %cond3A_269 : i32
          scf.if %cond3A_270 {
          } else {
          }
          %and3A_271 = arith.constant false
          %and3A_272 = arith.andi %and3A_267, %and3A_271 : i1
          %ne3A_273 = arith.cmpi ne, %add3A_164, %add3A_174 : i32
          %or3A_274 = arith.constant false
          %or3A_275 = arith.ori %or3A_274, %ne3A_273 : i1
          %or3A_276 = arith.constant false
          %or3A_277 = arith.ori %or3A_275, %or3A_276 : i1
          %not3A_278 = arith.constant true
          %not3A_279 = arith.xori %eq3A_160, %not3A_278 : i1
          %and3A_280 = arith.andi %or3A_277, %not3A_279 : i1
          %convert_element_type3A_281 = arith.extui %and3A_280 : i1 to i32
          %cond3A_282 = arith.constant 0 : i32
          %cond3A_283 = arith.cmpi ne, %convert_element_type3A_281, %cond3A_282 : i32
          scf.if %cond3A_283 {
            "tpu.trace_start"() <{level = 10 : i32, message = "ep_wait_out"}> : () -> ()
            %rem3A_303 = arith.constant 2 : i32
            %rem3A_304 = arith.remui %while3A_155, %rem3A_303 : i32
            %mul3A_305 = arith.constant 128 : i32
            %mul3A_306 = arith.muli %mul3A_305, %add3A_174 : i32
            %dma_wait3A = arith.constant 0 : i32
            %dma_wait3A_307 = arith.constant 0 : i32
            %dma_wait3A_308 = tpu.memref_slice %run_scoped3A_27[%rem3A_304, %dma_wait3A, %dma_wait3A_307] : memref<2x128x128xf32, #tpu.memory_space<vmem>> -> memref<1x128x128xf32, #tpu.memory_space<vmem>>
            %dma_wait3A_309 = tpu.memref_squeeze %dma_wait3A_308 : memref<1x128x128xf32, #tpu.memory_space<vmem>> -> memref<128x128xf32, #tpu.memory_space<vmem>>
            %dma_wait3A_310 = arith.constant 0 : i32
            %dma_wait3A_311 = tpu.memref_slice %arg6[%mul3A_306, %dma_wait3A_310] : memref<2048x128xf32, #tpu.memory_space<hbm>> -> memref<128x128xf32, #tpu.memory_space<hbm>>
            %dma_wait3A_312 = tpu.memref_slice %run_scoped3A_28[%rem3A_304] : memref<2x!tpu.dma_semaphore, #tpu.memory_space<semaphore_mem>> -> memref<1x!tpu.dma_semaphore, #tpu.memory_space<semaphore_mem>>
            %dma_wait3A_313 = tpu.memref_squeeze %dma_wait3A_312 : memref<1x!tpu.dma_semaphore, #tpu.memory_space<semaphore_mem>> -> memref<!tpu.dma_semaphore, #tpu.memory_space<semaphore_mem>>
            %dma_wait3A_314 = arith.constant 0 : i32
            %dma_wait3A_315 = tpu.memref_slice %arg6[%mul3A_306, %dma_wait3A_314] : memref<2048x128xf32, #tpu.memory_space<hbm>> -> memref<128x128xf32, #tpu.memory_space<hbm>>
            %dma_wait3A_316 = arith.constant 0 : i32
            %dma_wait3A_317 = arith.constant 0 : i32
            %dma_wait3A_318 = tpu.memref_slice %run_scoped3A_27[%rem3A_304, %dma_wait3A_316, %dma_wait3A_317] : memref<2x128x128xf32, #tpu.memory_space<vmem>> -> memref<1x128x128xf32, #tpu.memory_space<vmem>>
            %dma_wait3A_319 = tpu.memref_squeeze %dma_wait3A_318 : memref<1x128x128xf32, #tpu.memory_space<vmem>> -> memref<128x128xf32, #tpu.memory_space<vmem>>
            tpu.wait_dma2 semaphore(%dma_wait3A_313 : memref<!tpu.dma_semaphore, #tpu.memory_space<semaphore_mem>>) src(%dma_wait3A_319 : memref<128x128xf32, #tpu.memory_space<vmem>>) dst(%dma_wait3A_315 : memref<128x128xf32, #tpu.memory_space<hbm>>)
            "tpu.trace_stop"() : () -> ()
          } else {
          }
          %and3A_284 = arith.constant true
          %and3A_285 = arith.andi %and3A_280, %and3A_284 : i1
          %add3A_286 = arith.constant 1 : i32
          %add3A_287 = arith.addi %while3A_155, %add3A_286 : i32
          %select_n3A_288 = arith.select %and3A_285, %add3A_287, %while3A_155 : i32
          %ne3A_289 = arith.cmpi ne, %add3A_164, %add3A_182 : i32
          %or3A_290 = arith.constant false
          %or3A_291 = arith.ori %or3A_290, %ne3A_289 : i1
          %or3A_292 = arith.ori %or3A_291, %eq3A_163 : i1
          %add3A_293 = arith.constant 1 : i32
          %add3A_294 = arith.addi %while3A_153, %add3A_293 : i32
          %select_n3A_295 = arith.select %or3A_292, %add3A_294, %while3A_153 : i32
          %add3A_296 = arith.constant 1 : i32
          %add3A_297 = arith.addi %while3A_156, %add3A_296 : i32
          %select_n3A_298 = arith.constant true
          %select_n3A_299 = arith.select %select_n3A_298, %add3A_297, %while3A_156 : i32
          %eq3A_300 = arith.cmpi eq, %select_n3A_299, %select_n3A : i32
          %select_n3A_301 = arith.constant 0 : i32
          %select_n3A_302 = arith.select %eq3A_300, %select_n3A_301, %select_n3A_299 : i32
          scf.yield %select_n3A_204, %select_n3A_295, %select_n3A_261, %select_n3A_288, %select_n3A_302 : i32, i32, i32, i32, i32
        }
        %while3A_98 = arith.constant 1 : i32
        %while3A_99:5 = scf.for %while3A_151 = %while3A_95 to %while3A_91 step %while3A_98 iter_args(%while3A_152 = %while3A_97#0, %while3A_153 = %while3A_97#1, %while3A_154 = %while3A_97#2, %while3A_155 = %while3A_97#3, %while3A_156 = %while3A_97#4) -> (i32, i32, i32, i32, i32)  : i32 {
          %mul3A_157 = arith.constant 1 : i32
          %mul3A_158 = arith.muli %mul3A_157, %select_n3A : i32
          %eq3A_159 = arith.constant 0 : i32
          %eq3A_160 = arith.cmpi eq, %while3A_151, %eq3A_159 : i32
          %sub3A_161 = arith.constant 1 : i32
          %sub3A_162 = arith.subi %mul3A_158, %sub3A_161 : i32
          %eq3A_163 = arith.cmpi eq, %while3A_151, %sub3A_162 : i32
          %add3A_164 = arith.addi %while3A_156, %select_n3A_23 : i32
          %sub3A_165 = arith.constant 1 : i32
          %sub3A_166 = arith.subi %while3A_156, %sub3A_165 : i32
          %select_n3A_167 = arith.constant true
          %select_n3A_168 = arith.select %select_n3A_167, %sub3A_166, %while3A_156 : i32
          %eq3A_169 = arith.constant -1 : i32
          %eq3A_170 = arith.cmpi eq, %select_n3A_168, %eq3A_169 : i32
          %sub3A_171 = arith.constant 1 : i32
          %sub3A_172 = arith.subi %select_n3A, %sub3A_171 : i32
          %select_n3A_173 = arith.select %eq3A_170, %sub3A_172, %select_n3A_168 : i32
          %add3A_174 = arith.addi %select_n3A_173, %select_n3A_23 : i32
          %add3A_175 = arith.constant 1 : i32
          %add3A_176 = arith.addi %while3A_156, %add3A_175 : i32
          %select_n3A_177 = arith.constant true
          %select_n3A_178 = arith.select %select_n3A_177, %add3A_176, %while3A_156 : i32
          %eq3A_179 = arith.cmpi eq, %select_n3A_178, %select_n3A : i32
          %select_n3A_180 = arith.constant 0 : i32
          %select_n3A_181 = arith.select %eq3A_179, %select_n3A_180, %select_n3A_178 : i32
          %add3A_182 = arith.addi %select_n3A_181, %select_n3A_23 : i32
          %add3A_183 = arith.constant 1 : i32
          %add3A_184 = arith.addi %select_n3A_181, %add3A_183 : i32
          %select_n3A_185 = arith.constant true
          %select_n3A_186 = arith.select %select_n3A_185, %add3A_184, %select_n3A_181 : i32
          %eq3A_187 = arith.cmpi eq, %select_n3A_186, %select_n3A : i32
          %select_n3A_188 = arith.constant 0 : i32
          %select_n3A_189 = arith.select %eq3A_187, %select_n3A_188, %select_n3A_186 : i32
          %add3A_190 = arith.addi %select_n3A_189, %select_n3A_23 : i32
          %ne3A = arith.cmpi ne, %add3A_164, %add3A_182 : i32
          %or3A = arith.constant false
          %or3A_191 = arith.ori %or3A, %ne3A : i1
          %sub3A_192 = arith.constant 2 : i32
          %sub3A_193 = arith.subi %mul3A_158, %sub3A_192 : i32
          %add3A_194 = arith.constant 1 : i32
          %add3A_195 = arith.addi %sub3A_193, %add3A_194 : i32
          %ge3A = arith.cmpi sge, %while3A_151, %add3A_195 : i32
          %not3A = arith.constant true
          %not3A_196 = arith.xori %ge3A, %not3A : i1
          %and3A = arith.andi %or3A_191, %not3A_196 : i1
          %convert_element_type3A_197 = arith.extui %and3A : i1 to i32
          %cond3A_198 = arith.constant 0 : i32
          %cond3A_199 = arith.cmpi ne, %convert_element_type3A_197, %cond3A_198 : i32
          scf.if %cond3A_199 {
            "tpu.trace_start"() <{level = 10 : i32, message = "ep_copy_in"}> : () -> ()
            %rem3A_303 = arith.constant 2 : i32
            %rem3A_304 = arith.remui %while3A_152, %rem3A_303 : i32
            %mul3A_305 = arith.constant 128 : i32
            %mul3A_306 = arith.muli %mul3A_305, %add3A_182 : i32
            %dma_start3A_307 = arith.constant 0 : i32
            %dma_start3A_308 = arith.constant 0 : i32
            %dma_start3A_309 = tpu.memref_slice %run_scoped3A[%rem3A_304, %dma_start3A_307, %dma_start3A_308] : memref<2x1x128xi32, #tpu.memory_space<vmem>> -> memref<1x1x128xi32, #tpu.memory_space<vmem>>
            %dma_start3A_310 = tpu.memref_squeeze %dma_start3A_309 : memref<1x1x128xi32, #tpu.memory_space<vmem>> -> memref<1x128xi32, #tpu.memory_space<vmem>>
            %dma_start3A_311 = arith.constant 0 : i32
            %dma_start3A_312 = tpu.memref_slice %arg4[%dma_start3A_311, %mul3A_306] : memref<1x2048xi32, #tpu.memory_space<hbm>> -> memref<1x128xi32, #tpu.memory_space<hbm>>
            %dma_start3A_313 = tpu.memref_slice %run_scoped3A_26[%rem3A_304] : memref<2x!tpu.dma_semaphore, #tpu.memory_space<semaphore_mem>> -> memref<1x!tpu.dma_semaphore, #tpu.memory_space<semaphore_mem>>
            %dma_start3A_314 = tpu.memref_squeeze %dma_start3A_313 : memref<1x!tpu.dma_semaphore, #tpu.memory_space<semaphore_mem>> -> memref<!tpu.dma_semaphore, #tpu.memory_space<semaphore_mem>>
            %dma_start3A_315 = arith.constant 0 : i32
            %dma_start3A_316 = arith.constant 0 : i32
            %dma_start3A_317 = tpu.memref_slice %run_scoped3A[%rem3A_304, %dma_start3A_315, %dma_start3A_316] : memref<2x1x128xi32, #tpu.memory_space<vmem>> -> memref<1x1x128xi32, #tpu.memory_space<vmem>>
            %dma_start3A_318 = tpu.memref_squeeze %dma_start3A_317 : memref<1x1x128xi32, #tpu.memory_space<vmem>> -> memref<1x128xi32, #tpu.memory_space<vmem>>
            %dma_start3A_319 = arith.constant 0 : i32
            %dma_start3A_320 = tpu.memref_slice %arg4[%dma_start3A_319, %mul3A_306] : memref<1x2048xi32, #tpu.memory_space<hbm>> -> memref<1x128xi32, #tpu.memory_space<hbm>>
            tpu.enqueue_dma source(%dma_start3A_320 : memref<1x128xi32, #tpu.memory_space<hbm>>) target(%dma_start3A_318 : memref<1x128xi32, #tpu.memory_space<vmem>>) target_semaphore(%dma_start3A_314 : memref<!tpu.dma_semaphore, #tpu.memory_space<semaphore_mem>>)
            "tpu.trace_stop"() : () -> ()
          } else {
          }
          %and3A_200 = arith.constant true
          %and3A_201 = arith.andi %and3A, %and3A_200 : i1
          %add3A_202 = arith.constant 1 : i32
          %add3A_203 = arith.addi %while3A_152, %add3A_202 : i32
          %select_n3A_204 = arith.select %and3A_201, %add3A_203, %while3A_152 : i32
          %ne3A_205 = arith.cmpi ne, %add3A_164, %add3A_182 : i32
          %or3A_206 = arith.constant false
          %or3A_207 = arith.ori %or3A_206, %ne3A_205 : i1
          %or3A_208 = arith.constant false
          %or3A_209 = arith.ori %or3A_207, %or3A_208 : i1
          %sub3A_210 = arith.constant 2 : i32
          %sub3A_211 = arith.subi %mul3A_158, %sub3A_210 : i32
          %add3A_212 = arith.constant 1 : i32
          %add3A_213 = arith.addi %sub3A_211, %add3A_212 : i32
          %ge3A_214 = arith.cmpi sge, %while3A_151, %add3A_213 : i32
          %not3A_215 = arith.constant true
          %not3A_216 = arith.xori %ge3A_214, %not3A_215 : i1
          %and3A_217 = arith.andi %or3A_209, %not3A_216 : i1
          %ne3A_218 = arith.cmpi ne, %add3A_164, %add3A_174 : i32
          %or3A_219 = arith.constant false
          %or3A_220 = arith.ori %or3A_219, %ne3A_218 : i1
          %or3A_221 = arith.ori %or3A_220, %eq3A_160 : i1
          %convert_element_type3A_222 = arith.extui %or3A_221 : i1 to i32
          %cond3A_223 = arith.constant 0 : i32
          %cond3A_224 = arith.cmpi ne, %convert_element_type3A_222, %cond3A_223 : i32
          scf.if %cond3A_224 {
            "tpu.trace_start"() <{level = 10 : i32, message = "ep_wait_in"}> : () -> ()
            %mul3A_303 = arith.constant 128 : i32
            %mul3A_304 = arith.muli %mul3A_303, %add3A_164 : i32
            %rem3A_305 = arith.constant 2 : i32
            %rem3A_306 = arith.remui %while3A_153, %rem3A_305 : i32
            %dma_wait3A = arith.constant 0 : i32
            %dma_wait3A_307 = arith.constant 0 : i32
            %dma_wait3A_308 = tpu.memref_slice %run_scoped3A[%rem3A_306, %dma_wait3A, %dma_wait3A_307] : memref<2x1x128xi32, #tpu.memory_space<vmem>> -> memref<1x1x128xi32, #tpu.memory_space<vmem>>
            %dma_wait3A_309 = tpu.memref_squeeze %dma_wait3A_308 : memref<1x1x128xi32, #tpu.memory_space<vmem>> -> memref<1x128xi32, #tpu.memory_space<vmem>>
            %dma_wait3A_310 = arith.constant 0 : i32
            %dma_wait3A_311 = tpu.memref_slice %arg4[%dma_wait3A_310, %mul3A_304] : memref<1x2048xi32, #tpu.memory_space<hbm>> -> memref<1x128xi32, #tpu.memory_space<hbm>>
            %dma_wait3A_312 = tpu.memref_slice %run_scoped3A_26[%rem3A_306] : memref<2x!tpu.dma_semaphore, #tpu.memory_space<semaphore_mem>> -> memref<1x!tpu.dma_semaphore, #tpu.memory_space<semaphore_mem>>
            %dma_wait3A_313 = tpu.memref_squeeze %dma_wait3A_312 : memref<1x!tpu.dma_semaphore, #tpu.memory_space<semaphore_mem>> -> memref<!tpu.dma_semaphore, #tpu.memory_space<semaphore_mem>>
            %dma_wait3A_314 = arith.constant 0 : i32
            %dma_wait3A_315 = arith.constant 0 : i32
            %dma_wait3A_316 = tpu.memref_slice %run_scoped3A[%rem3A_306, %dma_wait3A_314, %dma_wait3A_315] : memref<2x1x128xi32, #tpu.memory_space<vmem>> -> memref<1x1x128xi32, #tpu.memory_space<vmem>>
            %dma_wait3A_317 = tpu.memref_squeeze %dma_wait3A_316 : memref<1x1x128xi32, #tpu.memory_space<vmem>> -> memref<1x128xi32, #tpu.memory_space<vmem>>
            %dma_wait3A_318 = arith.constant 0 : i32
            %dma_wait3A_319 = tpu.memref_slice %arg4[%dma_wait3A_318, %mul3A_304] : memref<1x2048xi32, #tpu.memory_space<hbm>> -> memref<1x128xi32, #tpu.memory_space<hbm>>
            tpu.wait_dma2 semaphore(%dma_wait3A_313 : memref<!tpu.dma_semaphore, #tpu.memory_space<semaphore_mem>>) src(%dma_wait3A_319 : memref<1x128xi32, #tpu.memory_space<hbm>>) dst(%dma_wait3A_317 : memref<1x128xi32, #tpu.memory_space<vmem>>)
            "tpu.trace_stop"() : () -> ()
          } else {
          }
          %ne3A_225 = arith.cmpi ne, %add3A_164, %add3A_174 : i32
          %or3A_226 = arith.constant false
          %or3A_227 = arith.ori %or3A_226, %ne3A_225 : i1
          %or3A_228 = arith.constant false
          %or3A_229 = arith.ori %or3A_227, %or3A_228 : i1
          %or3A_230 = arith.ori %or3A_229, %eq3A_160 : i1
          %convert_element_type3A_231 = arith.extui %or3A_230 : i1 to i32
          %cond3A_232 = arith.constant 0 : i32
          %cond3A_233 = arith.cmpi ne, %convert_element_type3A_231, %cond3A_232 : i32
          scf.if %cond3A_233 {
          } else {
          }
          %rem3A_234 = arith.constant 2 : i32
          %rem3A_235 = arith.remui %while3A_153, %rem3A_234 : i32
          %rem3A_236 = arith.constant 2 : i32
          %rem3A_237 = arith.remui %while3A_154, %rem3A_236 : i32
          %run_scoped3A_238 = arith.constant 0 : i32
          "tpu.trace_start"() <{level = 10 : i32, message = "ep_run_kernel"}> : () -> ()
          "tpu.region"() ({
            %run_scoped3A_303 = tpu.sem_alloc : memref<!tpu.dma_semaphore, #tpu.memory_space<semaphore_mem>>
            %dma_start3A_304 = arith.constant 0 : i32
            %dma_start3A_305 = arith.constant 0 : i32
            %dma_start3A_306 = tpu.memref_slice %run_scoped3A_27[%rem3A_237, %dma_start3A_304, %dma_start3A_305] : memref<2x128x128xf32, #tpu.memory_space<vmem>> -> memref<1x128x128xf32, #tpu.memory_space<vmem>>
            %dma_start3A_307 = tpu.memref_squeeze %dma_start3A_306 : memref<1x128x128xf32, #tpu.memory_space<vmem>> -> memref<128x128xf32, #tpu.memory_space<vmem>>
            %dma_start3A_308 = arith.constant 0 : i32
            %dma_start3A_309 = arith.constant 0 : i32
            %dma_start3A_310 = tpu.memref_slice %run_scoped3A[%rem3A_235, %dma_start3A_308, %dma_start3A_309] : memref<2x1x128xi32, #tpu.memory_space<vmem>> -> memref<1x1x128xi32, #tpu.memory_space<vmem>>
            %dma_start3A_311 = tpu.memref_squeeze %dma_start3A_310 : memref<1x1x128xi32, #tpu.memory_space<vmem>> -> memref<1x128xi32, #tpu.memory_space<vmem>>
            %dma_start3A_312 = arith.constant 0 : i32
            %dma_start3A_313 = tpu.memref_slice %dma_start3A_311[%run_scoped3A_238, %dma_start3A_312] : memref<1x128xi32, #tpu.memory_space<vmem>> -> memref<1x128xi32, #tpu.memory_space<vmem>>
            %dma_start3A_314 = tpu.memref_squeeze %dma_start3A_313 : memref<1x128xi32, #tpu.memory_space<vmem>> -> memref<128xi32, #tpu.memory_space<vmem>>
            %dma_start3A_315 = arith.constant 0 : i32
            %dma_start3A_316 = arith.constant 0 : i32
            %dma_start3A_317 = tpu.memref_slice %arg2[%dma_start3A_315, %dma_start3A_316] : memref<10000x128xf32, #tpu.memory_space<hbm>> -> memref<10000x128xf32, #tpu.memory_space<hbm>>
            tpu.enqueue_indirect_dma source(%dma_start3A_317 : memref<10000x128xf32, #tpu.memory_space<hbm>>) target(%dma_start3A_307 : memref<128x128xf32, #tpu.memory_space<vmem>>) offsets(%dma_start3A_314 : memref<128xi32, #tpu.memory_space<vmem>>) semaphore(%run_scoped3A_303 : memref<!tpu.dma_semaphore, #tpu.memory_space<semaphore_mem>>)
            %dma_wait3A = arith.constant 0 : i32
            %dma_wait3A_318 = arith.constant 0 : i32
            %dma_wait3A_319 = tpu.memref_slice %run_scoped3A_27[%rem3A_237, %dma_wait3A, %dma_wait3A_318] : memref<2x128x128xf32, #tpu.memory_space<vmem>> -> memref<1x128x128xf32, #tpu.memory_space<vmem>>
            %dma_wait3A_320 = tpu.memref_squeeze %dma_wait3A_319 : memref<1x128x128xf32, #tpu.memory_space<vmem>> -> memref<128x128xf32, #tpu.memory_space<vmem>>
            %dma_wait3A_321 = arith.constant 0 : i32
            %dma_wait3A_322 = arith.constant 0 : i32
            %dma_wait3A_323 = tpu.memref_slice %run_scoped3A[%rem3A_235, %dma_wait3A_321, %dma_wait3A_322] : memref<2x1x128xi32, #tpu.memory_space<vmem>> -> memref<1x1x128xi32, #tpu.memory_space<vmem>>
            %dma_wait3A_324 = tpu.memref_squeeze %dma_wait3A_323 : memref<1x1x128xi32, #tpu.memory_space<vmem>> -> memref<1x128xi32, #tpu.memory_space<vmem>>
            %dma_wait3A_325 = arith.constant 0 : i32
            %dma_wait3A_326 = tpu.memref_slice %dma_wait3A_324[%run_scoped3A_238, %dma_wait3A_325] : memref<1x128xi32, #tpu.memory_space<vmem>> -> memref<1x128xi32, #tpu.memory_space<vmem>>
            %dma_wait3A_327 = tpu.memref_squeeze %dma_wait3A_326 : memref<1x128xi32, #tpu.memory_space<vmem>> -> memref<128xi32, #tpu.memory_space<vmem>>
            %dma_wait3A_328 = arith.constant 0 : i32
            %dma_wait3A_329 = arith.constant 0 : i32
            %dma_wait3A_330 = tpu.memref_slice %arg2[%dma_wait3A_328, %dma_wait3A_329] : memref<10000x128xf32, #tpu.memory_space<hbm>> -> memref<10000x128xf32, #tpu.memory_space<hbm>>
            tpu.wait_indirect_dma semaphore(%run_scoped3A_303 : memref<!tpu.dma_semaphore, #tpu.memory_space<semaphore_mem>>) src(%dma_wait3A_330 : memref<10000x128xf32, #tpu.memory_space<hbm>>) dst(%dma_wait3A_320 : memref<128x128xf32, #tpu.memory_space<vmem>>)
            tpu.yield
          }) : () -> ()
          "tpu.trace_stop"() : () -> ()
          %ne3A_239 = arith.cmpi ne, %add3A_164, %add3A_182 : i32
          %or3A_240 = arith.constant false
          %or3A_241 = arith.ori %or3A_240, %ne3A_239 : i1
          %or3A_242 = arith.ori %or3A_241, %eq3A_163 : i1
          %convert_element_type3A_243 = arith.extui %or3A_242 : i1 to i32
          %cond3A_244 = arith.constant 0 : i32
          %cond3A_245 = arith.cmpi ne, %convert_element_type3A_243, %cond3A_244 : i32
          scf.if %cond3A_245 {
          } else {
          }
          %and3A_246 = arith.constant false
          %and3A_247 = arith.andi %or3A_242, %and3A_246 : i1
          %ne3A_248 = arith.cmpi ne, %add3A_164, %add3A_182 : i32
          %or3A_249 = arith.constant false
          %or3A_250 = arith.ori %or3A_249, %ne3A_248 : i1
          %or3A_251 = arith.constant false
          %or3A_252 = arith.ori %or3A_250, %or3A_251 : i1
          %or3A_253 = arith.ori %or3A_252, %eq3A_163 : i1
          %convert_element_type3A_254 = arith.extui %or3A_253 : i1 to i32
          %cond3A_255 = arith.constant 0 : i32
          %cond3A_256 = arith.cmpi ne, %convert_element_type3A_254, %cond3A_255 : i32
          scf.if %cond3A_256 {
            "tpu.trace_start"() <{level = 10 : i32, message = "ep_copy_out"}> : () -> ()
            %rem3A_303 = arith.constant 2 : i32
            %rem3A_304 = arith.remui %while3A_154, %rem3A_303 : i32
            %mul3A_305 = arith.constant 128 : i32
            %mul3A_306 = arith.muli %mul3A_305, %add3A_164 : i32
            %dma_start3A_307 = arith.constant 0 : i32
            %dma_start3A_308 = arith.constant 0 : i32
            %dma_start3A_309 = tpu.memref_slice %run_scoped3A_27[%rem3A_304, %dma_start3A_307, %dma_start3A_308] : memref<2x128x128xf32, #tpu.memory_space<vmem>> -> memref<1x128x128xf32, #tpu.memory_space<vmem>>
            %dma_start3A_310 = tpu.memref_squeeze %dma_start3A_309 : memref<1x128x128xf32, #tpu.memory_space<vmem>> -> memref<128x128xf32, #tpu.memory_space<vmem>>
            %dma_start3A_311 = arith.constant 0 : i32
            %dma_start3A_312 = tpu.memref_slice %arg6[%mul3A_306, %dma_start3A_311] : memref<2048x128xf32, #tpu.memory_space<hbm>> -> memref<128x128xf32, #tpu.memory_space<hbm>>
            %dma_start3A_313 = tpu.memref_slice %run_scoped3A_28[%rem3A_304] : memref<2x!tpu.dma_semaphore, #tpu.memory_space<semaphore_mem>> -> memref<1x!tpu.dma_semaphore, #tpu.memory_space<semaphore_mem>>
            %dma_start3A_314 = tpu.memref_squeeze %dma_start3A_313 : memref<1x!tpu.dma_semaphore, #tpu.memory_space<semaphore_mem>> -> memref<!tpu.dma_semaphore, #tpu.memory_space<semaphore_mem>>
            %dma_start3A_315 = arith.constant 0 : i32
            %dma_start3A_316 = tpu.memref_slice %arg6[%mul3A_306, %dma_start3A_315] : memref<2048x128xf32, #tpu.memory_space<hbm>> -> memref<128x128xf32, #tpu.memory_space<hbm>>
            %dma_start3A_317 = arith.constant 0 : i32
            %dma_start3A_318 = arith.constant 0 : i32
            %dma_start3A_319 = tpu.memref_slice %run_scoped3A_27[%rem3A_304, %dma_start3A_317, %dma_start3A_318] : memref<2x128x128xf32, #tpu.memory_space<vmem>> -> memref<1x128x128xf32, #tpu.memory_space<vmem>>
            %dma_start3A_320 = tpu.memref_squeeze %dma_start3A_319 : memref<1x128x128xf32, #tpu.memory_space<vmem>> -> memref<128x128xf32, #tpu.memory_space<vmem>>
            tpu.enqueue_dma source(%dma_start3A_320 : memref<128x128xf32, #tpu.memory_space<vmem>>) target(%dma_start3A_316 : memref<128x128xf32, #tpu.memory_space<hbm>>) target_semaphore(%dma_start3A_314 : memref<!tpu.dma_semaphore, #tpu.memory_space<semaphore_mem>>)
            "tpu.trace_stop"() : () -> ()
          } else {
          }
          %and3A_257 = arith.constant true
          %and3A_258 = arith.andi %or3A_253, %and3A_257 : i1
          %add3A_259 = arith.constant 1 : i32
          %add3A_260 = arith.addi %while3A_154, %add3A_259 : i32
          %select_n3A_261 = arith.select %and3A_258, %add3A_260, %while3A_154 : i32
          %ne3A_262 = arith.cmpi ne, %add3A_164, %add3A_174 : i32
          %or3A_263 = arith.constant false
          %or3A_264 = arith.ori %or3A_263, %ne3A_262 : i1
          %not3A_265 = arith.constant true
          %not3A_266 = arith.xori %eq3A_160, %not3A_265 : i1
          %and3A_267 = arith.andi %or3A_264, %not3A_266 : i1
          %convert_element_type3A_268 = arith.extui %and3A_267 : i1 to i32
          %cond3A_269 = arith.constant 0 : i32
          %cond3A_270 = arith.cmpi ne, %convert_element_type3A_268, %cond3A_269 : i32
          scf.if %cond3A_270 {
          } else {
          }
          %and3A_271 = arith.constant false
          %and3A_272 = arith.andi %and3A_267, %and3A_271 : i1
          %ne3A_273 = arith.cmpi ne, %add3A_164, %add3A_174 : i32
          %or3A_274 = arith.constant false
          %or3A_275 = arith.ori %or3A_274, %ne3A_273 : i1
          %or3A_276 = arith.constant false
          %or3A_277 = arith.ori %or3A_275, %or3A_276 : i1
          %not3A_278 = arith.constant true
          %not3A_279 = arith.xori %eq3A_160, %not3A_278 : i1
          %and3A_280 = arith.andi %or3A_277, %not3A_279 : i1
          %convert_element_type3A_281 = arith.extui %and3A_280 : i1 to i32
          %cond3A_282 = arith.constant 0 : i32
          %cond3A_283 = arith.cmpi ne, %convert_element_type3A_281, %cond3A_282 : i32
          scf.if %cond3A_283 {
            "tpu.trace_start"() <{level = 10 : i32, message = "ep_wait_out"}> : () -> ()
            %rem3A_303 = arith.constant 2 : i32
            %rem3A_304 = arith.remui %while3A_155, %rem3A_303 : i32
            %mul3A_305 = arith.constant 128 : i32
            %mul3A_306 = arith.muli %mul3A_305, %add3A_174 : i32
            %dma_wait3A = arith.constant 0 : i32
            %dma_wait3A_307 = arith.constant 0 : i32
            %dma_wait3A_308 = tpu.memref_slice %run_scoped3A_27[%rem3A_304, %dma_wait3A, %dma_wait3A_307] : memref<2x128x128xf32, #tpu.memory_space<vmem>> -> memref<1x128x128xf32, #tpu.memory_space<vmem>>
            %dma_wait3A_309 = tpu.memref_squeeze %dma_wait3A_308 : memref<1x128x128xf32, #tpu.memory_space<vmem>> -> memref<128x128xf32, #tpu.memory_space<vmem>>
            %dma_wait3A_310 = arith.constant 0 : i32
            %dma_wait3A_311 = tpu.memref_slice %arg6[%mul3A_306, %dma_wait3A_310] : memref<2048x128xf32, #tpu.memory_space<hbm>> -> memref<128x128xf32, #tpu.memory_space<hbm>>
            %dma_wait3A_312 = tpu.memref_slice %run_scoped3A_28[%rem3A_304] : memref<2x!tpu.dma_semaphore, #tpu.memory_space<semaphore_mem>> -> memref<1x!tpu.dma_semaphore, #tpu.memory_space<semaphore_mem>>
            %dma_wait3A_313 = tpu.memref_squeeze %dma_wait3A_312 : memref<1x!tpu.dma_semaphore, #tpu.memory_space<semaphore_mem>> -> memref<!tpu.dma_semaphore, #tpu.memory_space<semaphore_mem>>
            %dma_wait3A_314 = arith.constant 0 : i32
            %dma_wait3A_315 = tpu.memref_slice %arg6[%mul3A_306, %dma_wait3A_314] : memref<2048x128xf32, #tpu.memory_space<hbm>> -> memref<128x128xf32, #tpu.memory_space<hbm>>
            %dma_wait3A_316 = arith.constant 0 : i32
            %dma_wait3A_317 = arith.constant 0 : i32
            %dma_wait3A_318 = tpu.memref_slice %run_scoped3A_27[%rem3A_304, %dma_wait3A_316, %dma_wait3A_317] : memref<2x128x128xf32, #tpu.memory_space<vmem>> -> memref<1x128x128xf32, #tpu.memory_space<vmem>>
            %dma_wait3A_319 = tpu.memref_squeeze %dma_wait3A_318 : memref<1x128x128xf32, #tpu.memory_space<vmem>> -> memref<128x128xf32, #tpu.memory_space<vmem>>
            tpu.wait_dma2 semaphore(%dma_wait3A_313 : memref<!tpu.dma_semaphore, #tpu.memory_space<semaphore_mem>>) src(%dma_wait3A_319 : memref<128x128xf32, #tpu.memory_space<vmem>>) dst(%dma_wait3A_315 : memref<128x128xf32, #tpu.memory_space<hbm>>)
            "tpu.trace_stop"() : () -> ()
          } else {
          }
          %and3A_284 = arith.constant true
          %and3A_285 = arith.andi %and3A_280, %and3A_284 : i1
          %add3A_286 = arith.constant 1 : i32
          %add3A_287 = arith.addi %while3A_155, %add3A_286 : i32
          %select_n3A_288 = arith.select %and3A_285, %add3A_287, %while3A_155 : i32
          %ne3A_289 = arith.cmpi ne, %add3A_164, %add3A_182 : i32
          %or3A_290 = arith.constant false
          %or3A_291 = arith.ori %or3A_290, %ne3A_289 : i1
          %or3A_292 = arith.ori %or3A_291, %eq3A_163 : i1
          %add3A_293 = arith.constant 1 : i32
          %add3A_294 = arith.addi %while3A_153, %add3A_293 : i32
          %select_n3A_295 = arith.select %or3A_292, %add3A_294, %while3A_153 : i32
          %add3A_296 = arith.constant 1 : i32
          %add3A_297 = arith.addi %while3A_156, %add3A_296 : i32
          %select_n3A_298 = arith.constant true
          %select_n3A_299 = arith.select %select_n3A_298, %add3A_297, %while3A_156 : i32
          %eq3A_300 = arith.cmpi eq, %select_n3A_299, %select_n3A : i32
          %select_n3A_301 = arith.constant 0 : i32
          %select_n3A_302 = arith.select %eq3A_300, %select_n3A_301, %select_n3A_299 : i32
          scf.yield %select_n3A_204, %select_n3A_295, %select_n3A_261, %select_n3A_288, %select_n3A_302 : i32, i32, i32, i32, i32
        }
        %sub3A_100 = arith.constant 1 : i32
        %sub3A_101 = arith.subi %while3A_99#4, %sub3A_100 : i32
        %select_n3A_102 = arith.constant true
        %select_n3A_103 = arith.select %select_n3A_102, %sub3A_101, %while3A_99#4 : i32
        %eq3A_104 = arith.constant -1 : i32
        %eq3A_105 = arith.cmpi eq, %select_n3A_103, %eq3A_104 : i32
        %sub3A_106 = arith.constant 1 : i32
        %sub3A_107 = arith.subi %select_n3A, %sub3A_106 : i32
        %select_n3A_108 = arith.select %eq3A_105, %sub3A_107, %select_n3A_103 : i32
        %sub3A_109 = arith.constant 1 : i32
        %sub3A_110 = arith.subi %mul3A_25, %sub3A_109 : i32
        %mul3A_111 = arith.constant 1 : i32
        %mul3A_112 = arith.muli %mul3A_111, %select_n3A : i32
        %eq3A_113 = arith.constant 0 : i32
        %eq3A_114 = arith.cmpi eq, %sub3A_110, %eq3A_113 : i32
        %sub3A_115 = arith.constant 1 : i32
        %sub3A_116 = arith.subi %mul3A_112, %sub3A_115 : i32
        %eq3A_117 = arith.cmpi eq, %sub3A_110, %sub3A_116 : i32
        %add3A_118 = arith.addi %select_n3A_108, %select_n3A_23 : i32
        %sub3A_119 = arith.constant 1 : i32
        %sub3A_120 = arith.subi %select_n3A_108, %sub3A_119 : i32
        %select_n3A_121 = arith.constant true
        %select_n3A_122 = arith.select %select_n3A_121, %sub3A_120, %select_n3A_108 : i32
        %eq3A_123 = arith.constant -1 : i32
        %eq3A_124 = arith.cmpi eq, %select_n3A_122, %eq3A_123 : i32
        %sub3A_125 = arith.constant 1 : i32
        %sub3A_126 = arith.subi %select_n3A, %sub3A_125 : i32
        %select_n3A_127 = arith.select %eq3A_124, %sub3A_126, %select_n3A_122 : i32
        %add3A_128 = arith.addi %select_n3A_127, %select_n3A_23 : i32
        %add3A_129 = arith.constant 1 : i32
        %add3A_130 = arith.addi %select_n3A_108, %add3A_129 : i32
        %select_n3A_131 = arith.constant true
        %select_n3A_132 = arith.select %select_n3A_131, %add3A_130, %select_n3A_108 : i32
        %eq3A_133 = arith.cmpi eq, %select_n3A_132, %select_n3A : i32
        %select_n3A_134 = arith.constant 0 : i32
        %select_n3A_135 = arith.select %eq3A_133, %select_n3A_134, %select_n3A_132 : i32
        %add3A_136 = arith.addi %select_n3A_135, %select_n3A_23 : i32
        %add3A_137 = arith.constant 1 : i32
        %add3A_138 = arith.addi %select_n3A_135, %add3A_137 : i32
        %select_n3A_139 = arith.constant true
        %select_n3A_140 = arith.select %select_n3A_139, %add3A_138, %select_n3A_135 : i32
        %eq3A_141 = arith.cmpi eq, %select_n3A_140, %select_n3A : i32
        %select_n3A_142 = arith.constant 0 : i32
        %select_n3A_143 = arith.select %eq3A_141, %select_n3A_142, %select_n3A_140 : i32
        %add3A_144 = arith.addi %select_n3A_143, %select_n3A_23 : i32
        %convert_element_type3A_145 = arith.extui %eq3A_117 : i1 to i32
        %cond3A_146 = arith.constant 0 : i32
        %cond3A_147 = arith.cmpi ne, %convert_element_type3A_145, %cond3A_146 : i32
        scf.if %cond3A_147 {
        } else {
        }
        %convert_element_type3A_148 = arith.extui %eq3A_117 : i1 to i32
        %cond3A_149 = arith.constant 0 : i32
        %cond3A_150 = arith.cmpi ne, %convert_element_type3A_148, %cond3A_149 : i32
        scf.if %cond3A_150 {
          "tpu.trace_start"() <{level = 10 : i32, message = "ep_finalize"}> : () -> ()
          %rem3A_151 = arith.constant 2 : i32
          %rem3A_152 = arith.remui %while3A_99#3, %rem3A_151 : i32
          %mul3A_153 = arith.constant 128 : i32
          %mul3A_154 = arith.muli %mul3A_153, %add3A_118 : i32
          %dma_wait3A = arith.constant 0 : i32
          %dma_wait3A_155 = arith.constant 0 : i32
          %dma_wait3A_156 = tpu.memref_slice %run_scoped3A_27[%rem3A_152, %dma_wait3A, %dma_wait3A_155] : memref<2x128x128xf32, #tpu.memory_space<vmem>> -> memref<1x128x128xf32, #tpu.memory_space<vmem>>
          %dma_wait3A_157 = tpu.memref_squeeze %dma_wait3A_156 : memref<1x128x128xf32, #tpu.memory_space<vmem>> -> memref<128x128xf32, #tpu.memory_space<vmem>>
          %dma_wait3A_158 = arith.constant 0 : i32
          %dma_wait3A_159 = tpu.memref_slice %arg6[%mul3A_154, %dma_wait3A_158] : memref<2048x128xf32, #tpu.memory_space<hbm>> -> memref<128x128xf32, #tpu.memory_space<hbm>>
          %dma_wait3A_160 = tpu.memref_slice %run_scoped3A_28[%rem3A_152] : memref<2x!tpu.dma_semaphore, #tpu.memory_space<semaphore_mem>> -> memref<1x!tpu.dma_semaphore, #tpu.memory_space<semaphore_mem>>
          %dma_wait3A_161 = tpu.memref_squeeze %dma_wait3A_160 : memref<1x!tpu.dma_semaphore, #tpu.memory_space<semaphore_mem>> -> memref<!tpu.dma_semaphore, #tpu.memory_space<semaphore_mem>>
          %dma_wait3A_162 = arith.constant 0 : i32
          %dma_wait3A_163 = tpu.memref_slice %arg6[%mul3A_154, %dma_wait3A_162] : memref<2048x128xf32, #tpu.memory_space<hbm>> -> memref<128x128xf32, #tpu.memory_space<hbm>>
          %dma_wait3A_164 = arith.constant 0 : i32
          %dma_wait3A_165 = arith.constant 0 : i32
          %dma_wait3A_166 = tpu.memref_slice %run_scoped3A_27[%rem3A_152, %dma_wait3A_164, %dma_wait3A_165] : memref<2x128x128xf32, #tpu.memory_space<vmem>> -> memref<1x128x128xf32, #tpu.memory_space<vmem>>
          %dma_wait3A_167 = tpu.memref_squeeze %dma_wait3A_166 : memref<1x128x128xf32, #tpu.memory_space<vmem>> -> memref<128x128xf32, #tpu.memory_space<vmem>>
          tpu.wait_dma2 semaphore(%dma_wait3A_161 : memref<!tpu.dma_semaphore, #tpu.memory_space<semaphore_mem>>) src(%dma_wait3A_167 : memref<128x128xf32, #tpu.memory_space<vmem>>) dst(%dma_wait3A_163 : memref<128x128xf32, #tpu.memory_space<hbm>>)
          "tpu.trace_stop"() : () -> ()
        } else {
        }
      } else {
      }
      tpu.yield
    }) : () -> ()
    return
  }
}

module attributes {stable_mosaic.version = 14 : i64} {
  func.func @_mega_body(%arg0: i32, %arg1: memref<256x2048xf32, #tpu.memory_space<vmem>>, %arg2: memref<256x256xf32, #tpu.memory_space<vmem>>, %arg3: memref<256x512xf32, #tpu.memory_space<vmem>>, %arg4: memref<2048x128xf32, #tpu.memory_space<vmem>>, %arg5: memref<160x128xbf16, #tpu.memory_space<vmem>>, %arg6: memref<160x2048xbf16, #tpu.memory_space<vmem>>, %arg7: memref<160x256xbf16, #tpu.memory_space<vmem>>, %arg8: memref<160x512xbf16, #tpu.memory_space<vmem>>, %arg9: memref<160x2048xbf16, #tpu.memory_space<vmem>>, %arg10: memref<160x256xbf16, #tpu.memory_space<vmem>>, %arg11: memref<160x512xbf16, #tpu.memory_space<vmem>>, %arg12: memref<1x160xf32, #tpu.memory_space<vmem>>, %arg13: memref<1x160xf32, #tpu.memory_space<vmem>>, %arg14: memref<1x160xf32, #tpu.memory_space<vmem>>, %arg15: memref<1x512xf32, #tpu.memory_space<vmem>>, %arg16: memref<512x160xbf16, #tpu.memory_space<vmem>>, %arg17: memref<1x160xf32, #tpu.memory_space<vmem>>, %arg18: memref<128x128xbf16, #tpu.memory_space<vmem>>, %arg19: memref<160x128xbf16, #tpu.memory_space<vmem>>, %arg20: memref<1x128xf32, #tpu.memory_space<vmem>>, %arg21: memref<128x128xbf16, #tpu.memory_space<vmem>>, %arg22: memref<1x128xf32, #tpu.memory_space<vmem>>, %arg23: memref<2048x128xf32, #tpu.memory_space<vmem>>, %arg24: memref<2048x512xbf16, #tpu.memory_space<vmem>>, %arg25: memref<2048x512xf32, #tpu.memory_space<vmem>>, %arg26: memref<256x512xbf16, #tpu.memory_space<vmem>>, %arg27: memref<256x512xbf16, #tpu.memory_space<vmem>>) attributes {dimension_semantics = [#tpu.dimension_semantics<arbitrary>], iteration_bounds = array<i64: 8>, scalar_prefetch = 0 : i64, scratch_operands = 4 : i64, tpu.core_type = #tpu.core_type<tc>, window_params = [{transform_indices = @transform_0, window_bounds = array<i64: 256, 2048>}, {transform_indices = @transform_1, window_bounds = array<i64: 256, 256>}, {transform_indices = @transform_2, window_bounds = array<i64: 256, 512>}, {pipeline_mode = #tpu.pipeline_mode<synchronous>, transform_indices = @transform_3, window_bounds = array<i64: 2048, 128>}, {pipeline_mode = #tpu.pipeline_mode<synchronous>, transform_indices = @transform_4, window_bounds = array<i64: 160, 128>}, {pipeline_mode = #tpu.pipeline_mode<synchronous>, transform_indices = @transform_5, window_bounds = array<i64: 160, 2048>}, {pipeline_mode = #tpu.pipeline_mode<synchronous>, transform_indices = @transform_6, window_bounds = array<i64: 160, 256>}, {pipeline_mode = #tpu.pipeline_mode<synchronous>, transform_indices = @transform_7, window_bounds = array<i64: 160, 512>}, {pipeline_mode = #tpu.pipeline_mode<synchronous>, transform_indices = @transform_8, window_bounds = array<i64: 160, 2048>}, {pipeline_mode = #tpu.pipeline_mode<synchronous>, transform_indices = @transform_9, window_bounds = array<i64: 160, 256>}, {pipeline_mode = #tpu.pipeline_mode<synchronous>, transform_indices = @transform_10, window_bounds = array<i64: 160, 512>}, {pipeline_mode = #tpu.pipeline_mode<synchronous>, transform_indices = @transform_11, window_bounds = array<i64: 1, 160>}, {pipeline_mode = #tpu.pipeline_mode<synchronous>, transform_indices = @transform_12, window_bounds = array<i64: 1, 160>}, {pipeline_mode = #tpu.pipeline_mode<synchronous>, transform_indices = @transform_13, window_bounds = array<i64: 1, 160>}, {pipeline_mode = #tpu.pipeline_mode<synchronous>, transform_indices = @transform_14, window_bounds = array<i64: 1, 512>}, {pipeline_mode = #tpu.pipeline_mode<synchronous>, transform_indices = @transform_15, window_bounds = array<i64: 512, 160>}, {pipeline_mode = #tpu.pipeline_mode<synchronous>, transform_indices = @transform_16, window_bounds = array<i64: 1, 160>}, {pipeline_mode = #tpu.pipeline_mode<synchronous>, transform_indices = @transform_17, window_bounds = array<i64: 128, 128>}, {pipeline_mode = #tpu.pipeline_mode<synchronous>, transform_indices = @transform_18, window_bounds = array<i64: 160, 128>}, {pipeline_mode = #tpu.pipeline_mode<synchronous>, transform_indices = @transform_19, window_bounds = array<i64: 1, 128>}, {pipeline_mode = #tpu.pipeline_mode<synchronous>, transform_indices = @transform_20, window_bounds = array<i64: 128, 128>}, {pipeline_mode = #tpu.pipeline_mode<synchronous>, transform_indices = @transform_21, window_bounds = array<i64: 1, 128>}, {pipeline_mode = #tpu.pipeline_mode<synchronous>, transform_indices = @transform_22, window_bounds = array<i64: 2048, 128>}]} {
    %eq3A = arith.constant 0 : i32
    %eq3A_0 = arith.cmpi eq, %arg0, %eq3A : i32
    %convert_element_type3A = arith.extui %eq3A_0 : i1 to i32
    %cond3A = arith.constant 0 : i32
    %cond3A_1 = arith.cmpi ne, %convert_element_type3A, %cond3A : i32
    scf.if %cond3A_1 {
      %broadcast_in_dim3A_654 = arith.constant 0.000000e+00 : f32
      %broadcast_in_dim3A_655 = vector.broadcast %broadcast_in_dim3A_654 : f32 to vector<2048x512xf32>
      %swap3A_656 = arith.constant 0 : index
      %swap3A_657 = arith.constant 0 : index
      %swap3A_658 = vector.load %arg25[%swap3A_656, %swap3A_657] : memref<2048x512xf32, #tpu.memory_space<vmem>>, vector<2048x512xf32>
      tpu.vector_store %arg25[%swap3A_656, %swap3A_657], %broadcast_in_dim3A_655 {strides = array<i32>} : memref<2048x512xf32, #tpu.memory_space<vmem>>, vector<2048x512xf32>,
      %get3A_659 = arith.constant 0 : index
      %get3A_660 = arith.constant 0 : index
      %get3A_661 = vector.load %arg4[%get3A_659, %get3A_660] : memref<2048x128xf32, #tpu.memory_space<vmem>>, vector<256x128xf32>
      %convert_element_type3A_662 = arith.truncf %get3A_661 : vector<256x128xf32> to vector<256x128xbf16>
      %get3A_663 = arith.constant 0 : index
      %get3A_664 = arith.constant 0 : index
      %get3A_665 = vector.load %arg5[%get3A_663, %get3A_664] : memref<160x128xbf16, #tpu.memory_space<vmem>>, vector<160x128xbf16>
      %dot_general3A_666 = arith.constant dense<0.000000e+00> : vector<256x160xf32>
      %dot_general3A_667 = tpu.matmul %convert_element_type3A_662, %get3A_665, %dot_general3A_666 {dimension_numbers = #tpu.dot_dimension_numbers<[1], [1], [0], [0], [0, 0, 1, 0], [], []>, transpose_lhs_hint = false} : vector<256x128xbf16>, vector<160x128xbf16>, vector<256x160xf32> -> vector<256x160xf32>
      %mul3A = arith.constant 0.158113882 : f32
      %mul3A_668 = vector.broadcast %mul3A : f32 to vector<256x160xf32>
      %mul3A_669 = arith.mulf %dot_general3A_667, %mul3A_668 : vector<256x160xf32>
      %get3A_670 = arith.constant 0 : index
      %get3A_671 = arith.constant 0 : index
      %get3A_672 = vector.load %arg12[%get3A_670, %get3A_671] : memref<1x160xf32, #tpu.memory_space<vmem>>, vector<1x160xf32>
      %add3A_673 = vector.broadcast %get3A_672 : vector<1x160xf32> to vector<256x160xf32>
      %add3A_674 = arith.addf %mul3A_669, %add3A_673 : vector<256x160xf32>
      %broadcast_in_dim3A_675 = arith.constant 0.000000e+00 : bf16
      %broadcast_in_dim3A_676 = vector.broadcast %broadcast_in_dim3A_675 : bf16 to vector<256x512xbf16>
      %swap3A_677 = arith.constant 0 : index
      %swap3A_678 = arith.constant 0 : index
      %swap3A_679 = vector.load %arg24[%swap3A_677, %swap3A_678] : memref<2048x512xbf16, #tpu.memory_space<vmem>>, vector<256x512xbf16>
      tpu.vector_store %arg24[%swap3A_677, %swap3A_678], %broadcast_in_dim3A_676 {strides = array<i32>} : memref<2048x512xbf16, #tpu.memory_space<vmem>>, vector<256x512xbf16>,
      %slice3A_680 = vector.extract_strided_slice %add3A_674 {offsets = [0, 0], sizes = [256, 40], strides = [1, 1]} : vector<256x160xf32> to vector<256x40xf32>
      %convert_element_type3A_681 = arith.truncf %slice3A_680 : vector<256x40xf32> to vector<256x40xbf16>
      %swap3A_682 = arith.constant 0 : index
      %swap3A_683 = arith.constant 0 : index
      %swap3A_684 = vector.load %arg24[%swap3A_682, %swap3A_683] : memref<2048x512xbf16, #tpu.memory_space<vmem>>, vector<256x40xbf16>
      tpu.vector_store %arg24[%swap3A_682, %swap3A_683], %convert_element_type3A_681 {strides = array<i32>} : memref<2048x512xbf16, #tpu.memory_space<vmem>>, vector<256x40xbf16>,
      %slice3A_685 = vector.extract_strided_slice %add3A_674 {offsets = [0, 40], sizes = [256, 40], strides = [1, 1]} : vector<256x160xf32> to vector<256x40xf32>
      %convert_element_type3A_686 = arith.truncf %slice3A_685 : vector<256x40xf32> to vector<256x40xbf16>
      %swap3A_687 = arith.constant 0 : index
      %swap3A_688 = arith.constant 128 : index
      %swap3A_689 = vector.load %arg24[%swap3A_687, %swap3A_688] : memref<2048x512xbf16, #tpu.memory_space<vmem>>, vector<256x40xbf16>
      tpu.vector_store %arg24[%swap3A_687, %swap3A_688], %convert_element_type3A_686 {strides = array<i32>} : memref<2048x512xbf16, #tpu.memory_space<vmem>>, vector<256x40xbf16>,
      %slice3A_690 = vector.extract_strided_slice %add3A_674 {offsets = [0, 80], sizes = [256, 40], strides = [1, 1]} : vector<256x160xf32> to vector<256x40xf32>
      %convert_element_type3A_691 = arith.truncf %slice3A_690 : vector<256x40xf32> to vector<256x40xbf16>
      %swap3A_692 = arith.constant 0 : index
      %swap3A_693 = arith.constant 256 : index
      %swap3A_694 = vector.load %arg24[%swap3A_692, %swap3A_693] : memref<2048x512xbf16, #tpu.memory_space<vmem>>, vector<256x40xbf16>
      tpu.vector_store %arg24[%swap3A_692, %swap3A_693], %convert_element_type3A_691 {strides = array<i32>} : memref<2048x512xbf16, #tpu.memory_space<vmem>>, vector<256x40xbf16>,
      %slice3A_695 = vector.extract_strided_slice %add3A_674 {offsets = [0, 120], sizes = [256, 40], strides = [1, 1]} : vector<256x160xf32> to vector<256x40xf32>
      %convert_element_type3A_696 = arith.truncf %slice3A_695 : vector<256x40xf32> to vector<256x40xbf16>
      %swap3A_697 = arith.constant 0 : index
      %swap3A_698 = arith.constant 384 : index
      %swap3A_699 = vector.load %arg24[%swap3A_697, %swap3A_698] : memref<2048x512xbf16, #tpu.memory_space<vmem>>, vector<256x40xbf16>
      tpu.vector_store %arg24[%swap3A_697, %swap3A_698], %convert_element_type3A_696 {strides = array<i32>} : memref<2048x512xbf16, #tpu.memory_space<vmem>>, vector<256x40xbf16>,
      %get3A_700 = arith.constant 256 : index
      %get3A_701 = arith.constant 0 : index
      %get3A_702 = vector.load %arg4[%get3A_700, %get3A_701] : memref<2048x128xf32, #tpu.memory_space<vmem>>, vector<256x128xf32>
      %convert_element_type3A_703 = arith.truncf %get3A_702 : vector<256x128xf32> to vector<256x128xbf16>
      %get3A_704 = arith.constant 0 : index
      %get3A_705 = arith.constant 0 : index
      %get3A_706 = vector.load %arg5[%get3A_704, %get3A_705] : memref<160x128xbf16, #tpu.memory_space<vmem>>, vector<160x128xbf16>
      %dot_general3A_707 = arith.constant dense<0.000000e+00> : vector<256x160xf32>
      %dot_general3A_708 = tpu.matmul %convert_element_type3A_703, %get3A_706, %dot_general3A_707 {dimension_numbers = #tpu.dot_dimension_numbers<[1], [1], [0], [0], [0, 0, 1, 0], [], []>, transpose_lhs_hint = false} : vector<256x128xbf16>, vector<160x128xbf16>, vector<256x160xf32> -> vector<256x160xf32>
      %mul3A_709 = arith.constant 0.158113882 : f32
      %mul3A_710 = vector.broadcast %mul3A_709 : f32 to vector<256x160xf32>
      %mul3A_711 = arith.mulf %dot_general3A_708, %mul3A_710 : vector<256x160xf32>
      %get3A_712 = arith.constant 0 : index
      %get3A_713 = arith.constant 0 : index
      %get3A_714 = vector.load %arg12[%get3A_712, %get3A_713] : memref<1x160xf32, #tpu.memory_space<vmem>>, vector<1x160xf32>
      %add3A_715 = vector.broadcast %get3A_714 : vector<1x160xf32> to vector<256x160xf32>
      %add3A_716 = arith.addf %mul3A_711, %add3A_715 : vector<256x160xf32>
      %broadcast_in_dim3A_717 = arith.constant 0.000000e+00 : bf16
      %broadcast_in_dim3A_718 = vector.broadcast %broadcast_in_dim3A_717 : bf16 to vector<256x512xbf16>
      %swap3A_719 = arith.constant 256 : index
      %swap3A_720 = arith.constant 0 : index
      %swap3A_721 = vector.load %arg24[%swap3A_719, %swap3A_720] : memref<2048x512xbf16, #tpu.memory_space<vmem>>, vector<256x512xbf16>
      tpu.vector_store %arg24[%swap3A_719, %swap3A_720], %broadcast_in_dim3A_718 {strides = array<i32>} : memref<2048x512xbf16, #tpu.memory_space<vmem>>, vector<256x512xbf16>,
      %slice3A_722 = vector.extract_strided_slice %add3A_716 {offsets = [0, 0], sizes = [256, 40], strides = [1, 1]} : vector<256x160xf32> to vector<256x40xf32>
      %convert_element_type3A_723 = arith.truncf %slice3A_722 : vector<256x40xf32> to vector<256x40xbf16>
      %swap3A_724 = arith.constant 256 : index
      %swap3A_725 = arith.constant 0 : index
      %swap3A_726 = vector.load %arg24[%swap3A_724, %swap3A_725] : memref<2048x512xbf16, #tpu.memory_space<vmem>>, vector<256x40xbf16>
      tpu.vector_store %arg24[%swap3A_724, %swap3A_725], %convert_element_type3A_723 {strides = array<i32>} : memref<2048x512xbf16, #tpu.memory_space<vmem>>, vector<256x40xbf16>,
      %slice3A_727 = vector.extract_strided_slice %add3A_716 {offsets = [0, 40], sizes = [256, 40], strides = [1, 1]} : vector<256x160xf32> to vector<256x40xf32>
      %convert_element_type3A_728 = arith.truncf %slice3A_727 : vector<256x40xf32> to vector<256x40xbf16>
      %swap3A_729 = arith.constant 256 : index
      %swap3A_730 = arith.constant 128 : index
      %swap3A_731 = vector.load %arg24[%swap3A_729, %swap3A_730] : memref<2048x512xbf16, #tpu.memory_space<vmem>>, vector<256x40xbf16>
      tpu.vector_store %arg24[%swap3A_729, %swap3A_730], %convert_element_type3A_728 {strides = array<i32>} : memref<2048x512xbf16, #tpu.memory_space<vmem>>, vector<256x40xbf16>,
      %slice3A_732 = vector.extract_strided_slice %add3A_716 {offsets = [0, 80], sizes = [256, 40], strides = [1, 1]} : vector<256x160xf32> to vector<256x40xf32>
      %convert_element_type3A_733 = arith.truncf %slice3A_732 : vector<256x40xf32> to vector<256x40xbf16>
      %swap3A_734 = arith.constant 256 : index
      %swap3A_735 = arith.constant 256 : index
      %swap3A_736 = vector.load %arg24[%swap3A_734, %swap3A_735] : memref<2048x512xbf16, #tpu.memory_space<vmem>>, vector<256x40xbf16>
      tpu.vector_store %arg24[%swap3A_734, %swap3A_735], %convert_element_type3A_733 {strides = array<i32>} : memref<2048x512xbf16, #tpu.memory_space<vmem>>, vector<256x40xbf16>,
      %slice3A_737 = vector.extract_strided_slice %add3A_716 {offsets = [0, 120], sizes = [256, 40], strides = [1, 1]} : vector<256x160xf32> to vector<256x40xf32>
      %convert_element_type3A_738 = arith.truncf %slice3A_737 : vector<256x40xf32> to vector<256x40xbf16>
      %swap3A_739 = arith.constant 256 : index
      %swap3A_740 = arith.constant 384 : index
      %swap3A_741 = vector.load %arg24[%swap3A_739, %swap3A_740] : memref<2048x512xbf16, #tpu.memory_space<vmem>>, vector<256x40xbf16>
      tpu.vector_store %arg24[%swap3A_739, %swap3A_740], %convert_element_type3A_738 {strides = array<i32>} : memref<2048x512xbf16, #tpu.memory_space<vmem>>, vector<256x40xbf16>,
      %get3A_742 = arith.constant 512 : index
      %get3A_743 = arith.constant 0 : index
      %get3A_744 = vector.load %arg4[%get3A_742, %get3A_743] : memref<2048x128xf32, #tpu.memory_space<vmem>>, vector<256x128xf32>
      %convert_element_type3A_745 = arith.truncf %get3A_744 : vector<256x128xf32> to vector<256x128xbf16>
      %get3A_746 = arith.constant 0 : index
      %get3A_747 = arith.constant 0 : index
      %get3A_748 = vector.load %arg5[%get3A_746, %get3A_747] : memref<160x128xbf16, #tpu.memory_space<vmem>>, vector<160x128xbf16>
      %dot_general3A_749 = arith.constant dense<0.000000e+00> : vector<256x160xf32>
      %dot_general3A_750 = tpu.matmul %convert_element_type3A_745, %get3A_748, %dot_general3A_749 {dimension_numbers = #tpu.dot_dimension_numbers<[1], [1], [0], [0], [0, 0, 1, 0], [], []>, transpose_lhs_hint = false} : vector<256x128xbf16>, vector<160x128xbf16>, vector<256x160xf32> -> vector<256x160xf32>
      %mul3A_751 = arith.constant 0.158113882 : f32
      %mul3A_752 = vector.broadcast %mul3A_751 : f32 to vector<256x160xf32>
      %mul3A_753 = arith.mulf %dot_general3A_750, %mul3A_752 : vector<256x160xf32>
      %get3A_754 = arith.constant 0 : index
      %get3A_755 = arith.constant 0 : index
      %get3A_756 = vector.load %arg12[%get3A_754, %get3A_755] : memref<1x160xf32, #tpu.memory_space<vmem>>, vector<1x160xf32>
      %add3A_757 = vector.broadcast %get3A_756 : vector<1x160xf32> to vector<256x160xf32>
      %add3A_758 = arith.addf %mul3A_753, %add3A_757 : vector<256x160xf32>
      %broadcast_in_dim3A_759 = arith.constant 0.000000e+00 : bf16
      %broadcast_in_dim3A_760 = vector.broadcast %broadcast_in_dim3A_759 : bf16 to vector<256x512xbf16>
      %swap3A_761 = arith.constant 512 : index
      %swap3A_762 = arith.constant 0 : index
      %swap3A_763 = vector.load %arg24[%swap3A_761, %swap3A_762] : memref<2048x512xbf16, #tpu.memory_space<vmem>>, vector<256x512xbf16>
      tpu.vector_store %arg24[%swap3A_761, %swap3A_762], %broadcast_in_dim3A_760 {strides = array<i32>} : memref<2048x512xbf16, #tpu.memory_space<vmem>>, vector<256x512xbf16>,
      %slice3A_764 = vector.extract_strided_slice %add3A_758 {offsets = [0, 0], sizes = [256, 40], strides = [1, 1]} : vector<256x160xf32> to vector<256x40xf32>
      %convert_element_type3A_765 = arith.truncf %slice3A_764 : vector<256x40xf32> to vector<256x40xbf16>
      %swap3A_766 = arith.constant 512 : index
      %swap3A_767 = arith.constant 0 : index
      %swap3A_768 = vector.load %arg24[%swap3A_766, %swap3A_767] : memref<2048x512xbf16, #tpu.memory_space<vmem>>, vector<256x40xbf16>
      tpu.vector_store %arg24[%swap3A_766, %swap3A_767], %convert_element_type3A_765 {strides = array<i32>} : memref<2048x512xbf16, #tpu.memory_space<vmem>>, vector<256x40xbf16>,
      %slice3A_769 = vector.extract_strided_slice %add3A_758 {offsets = [0, 40], sizes = [256, 40], strides = [1, 1]} : vector<256x160xf32> to vector<256x40xf32>
      %convert_element_type3A_770 = arith.truncf %slice3A_769 : vector<256x40xf32> to vector<256x40xbf16>
      %swap3A_771 = arith.constant 512 : index
      %swap3A_772 = arith.constant 128 : index
      %swap3A_773 = vector.load %arg24[%swap3A_771, %swap3A_772] : memref<2048x512xbf16, #tpu.memory_space<vmem>>, vector<256x40xbf16>
      tpu.vector_store %arg24[%swap3A_771, %swap3A_772], %convert_element_type3A_770 {strides = array<i32>} : memref<2048x512xbf16, #tpu.memory_space<vmem>>, vector<256x40xbf16>,
      %slice3A_774 = vector.extract_strided_slice %add3A_758 {offsets = [0, 80], sizes = [256, 40], strides = [1, 1]} : vector<256x160xf32> to vector<256x40xf32>
      %convert_element_type3A_775 = arith.truncf %slice3A_774 : vector<256x40xf32> to vector<256x40xbf16>
      %swap3A_776 = arith.constant 512 : index
      %swap3A_777 = arith.constant 256 : index
      %swap3A_778 = vector.load %arg24[%swap3A_776, %swap3A_777] : memref<2048x512xbf16, #tpu.memory_space<vmem>>, vector<256x40xbf16>
      tpu.vector_store %arg24[%swap3A_776, %swap3A_777], %convert_element_type3A_775 {strides = array<i32>} : memref<2048x512xbf16, #tpu.memory_space<vmem>>, vector<256x40xbf16>,
      %slice3A_779 = vector.extract_strided_slice %add3A_758 {offsets = [0, 120], sizes = [256, 40], strides = [1, 1]} : vector<256x160xf32> to vector<256x40xf32>
      %convert_element_type3A_780 = arith.truncf %slice3A_779 : vector<256x40xf32> to vector<256x40xbf16>
      %swap3A_781 = arith.constant 512 : index
      %swap3A_782 = arith.constant 384 : index
      %swap3A_783 = vector.load %arg24[%swap3A_781, %swap3A_782] : memref<2048x512xbf16, #tpu.memory_space<vmem>>, vector<256x40xbf16>
      tpu.vector_store %arg24[%swap3A_781, %swap3A_782], %convert_element_type3A_780 {strides = array<i32>} : memref<2048x512xbf16, #tpu.memory_space<vmem>>, vector<256x40xbf16>,
      %get3A_784 = arith.constant 768 : index
      %get3A_785 = arith.constant 0 : index
      %get3A_786 = vector.load %arg4[%get3A_784, %get3A_785] : memref<2048x128xf32, #tpu.memory_space<vmem>>, vector<256x128xf32>
      %convert_element_type3A_787 = arith.truncf %get3A_786 : vector<256x128xf32> to vector<256x128xbf16>
      %get3A_788 = arith.constant 0 : index
      %get3A_789 = arith.constant 0 : index
      %get3A_790 = vector.load %arg5[%get3A_788, %get3A_789] : memref<160x128xbf16, #tpu.memory_space<vmem>>, vector<160x128xbf16>
      %dot_general3A_791 = arith.constant dense<0.000000e+00> : vector<256x160xf32>
      %dot_general3A_792 = tpu.matmul %convert_element_type3A_787, %get3A_790, %dot_general3A_791 {dimension_numbers = #tpu.dot_dimension_numbers<[1], [1], [0], [0], [0, 0, 1, 0], [], []>, transpose_lhs_hint = false} : vector<256x128xbf16>, vector<160x128xbf16>, vector<256x160xf32> -> vector<256x160xf32>
      %mul3A_793 = arith.constant 0.158113882 : f32
      %mul3A_794 = vector.broadcast %mul3A_793 : f32 to vector<256x160xf32>
      %mul3A_795 = arith.mulf %dot_general3A_792, %mul3A_794 : vector<256x160xf32>
      %get3A_796 = arith.constant 0 : index
      %get3A_797 = arith.constant 0 : index
      %get3A_798 = vector.load %arg12[%get3A_796, %get3A_797] : memref<1x160xf32, #tpu.memory_space<vmem>>, vector<1x160xf32>
      %add3A_799 = vector.broadcast %get3A_798 : vector<1x160xf32> to vector<256x160xf32>
      %add3A_800 = arith.addf %mul3A_795, %add3A_799 : vector<256x160xf32>
      %broadcast_in_dim3A_801 = arith.constant 0.000000e+00 : bf16
      %broadcast_in_dim3A_802 = vector.broadcast %broadcast_in_dim3A_801 : bf16 to vector<256x512xbf16>
      %swap3A_803 = arith.constant 768 : index
      %swap3A_804 = arith.constant 0 : index
      %swap3A_805 = vector.load %arg24[%swap3A_803, %swap3A_804] : memref<2048x512xbf16, #tpu.memory_space<vmem>>, vector<256x512xbf16>
      tpu.vector_store %arg24[%swap3A_803, %swap3A_804], %broadcast_in_dim3A_802 {strides = array<i32>} : memref<2048x512xbf16, #tpu.memory_space<vmem>>, vector<256x512xbf16>,
      %slice3A_806 = vector.extract_strided_slice %add3A_800 {offsets = [0, 0], sizes = [256, 40], strides = [1, 1]} : vector<256x160xf32> to vector<256x40xf32>
      %convert_element_type3A_807 = arith.truncf %slice3A_806 : vector<256x40xf32> to vector<256x40xbf16>
      %swap3A_808 = arith.constant 768 : index
      %swap3A_809 = arith.constant 0 : index
      %swap3A_810 = vector.load %arg24[%swap3A_808, %swap3A_809] : memref<2048x512xbf16, #tpu.memory_space<vmem>>, vector<256x40xbf16>
      tpu.vector_store %arg24[%swap3A_808, %swap3A_809], %convert_element_type3A_807 {strides = array<i32>} : memref<2048x512xbf16, #tpu.memory_space<vmem>>, vector<256x40xbf16>,
      %slice3A_811 = vector.extract_strided_slice %add3A_800 {offsets = [0, 40], sizes = [256, 40], strides = [1, 1]} : vector<256x160xf32> to vector<256x40xf32>
      %convert_element_type3A_812 = arith.truncf %slice3A_811 : vector<256x40xf32> to vector<256x40xbf16>
      %swap3A_813 = arith.constant 768 : index
      %swap3A_814 = arith.constant 128 : index
      %swap3A_815 = vector.load %arg24[%swap3A_813, %swap3A_814] : memref<2048x512xbf16, #tpu.memory_space<vmem>>, vector<256x40xbf16>
      tpu.vector_store %arg24[%swap3A_813, %swap3A_814], %convert_element_type3A_812 {strides = array<i32>} : memref<2048x512xbf16, #tpu.memory_space<vmem>>, vector<256x40xbf16>,
      %slice3A_816 = vector.extract_strided_slice %add3A_800 {offsets = [0, 80], sizes = [256, 40], strides = [1, 1]} : vector<256x160xf32> to vector<256x40xf32>
      %convert_element_type3A_817 = arith.truncf %slice3A_816 : vector<256x40xf32> to vector<256x40xbf16>
      %swap3A_818 = arith.constant 768 : index
      %swap3A_819 = arith.constant 256 : index
      %swap3A_820 = vector.load %arg24[%swap3A_818, %swap3A_819] : memref<2048x512xbf16, #tpu.memory_space<vmem>>, vector<256x40xbf16>
      tpu.vector_store %arg24[%swap3A_818, %swap3A_819], %convert_element_type3A_817 {strides = array<i32>} : memref<2048x512xbf16, #tpu.memory_space<vmem>>, vector<256x40xbf16>,
      %slice3A_821 = vector.extract_strided_slice %add3A_800 {offsets = [0, 120], sizes = [256, 40], strides = [1, 1]} : vector<256x160xf32> to vector<256x40xf32>
      %convert_element_type3A_822 = arith.truncf %slice3A_821 : vector<256x40xf32> to vector<256x40xbf16>
      %swap3A_823 = arith.constant 768 : index
      %swap3A_824 = arith.constant 384 : index
      %swap3A_825 = vector.load %arg24[%swap3A_823, %swap3A_824] : memref<2048x512xbf16, #tpu.memory_space<vmem>>, vector<256x40xbf16>
      tpu.vector_store %arg24[%swap3A_823, %swap3A_824], %convert_element_type3A_822 {strides = array<i32>} : memref<2048x512xbf16, #tpu.memory_space<vmem>>, vector<256x40xbf16>,
      %get3A_826 = arith.constant 1024 : index
      %get3A_827 = arith.constant 0 : index
      %get3A_828 = vector.load %arg4[%get3A_826, %get3A_827] : memref<2048x128xf32, #tpu.memory_space<vmem>>, vector<256x128xf32>
      %convert_element_type3A_829 = arith.truncf %get3A_828 : vector<256x128xf32> to vector<256x128xbf16>
      %get3A_830 = arith.constant 0 : index
      %get3A_831 = arith.constant 0 : index
      %get3A_832 = vector.load %arg5[%get3A_830, %get3A_831] : memref<160x128xbf16, #tpu.memory_space<vmem>>, vector<160x128xbf16>
      %dot_general3A_833 = arith.constant dense<0.000000e+00> : vector<256x160xf32>
      %dot_general3A_834 = tpu.matmul %convert_element_type3A_829, %get3A_832, %dot_general3A_833 {dimension_numbers = #tpu.dot_dimension_numbers<[1], [1], [0], [0], [0, 0, 1, 0], [], []>, transpose_lhs_hint = false} : vector<256x128xbf16>, vector<160x128xbf16>, vector<256x160xf32> -> vector<256x160xf32>
      %mul3A_835 = arith.constant 0.158113882 : f32
      %mul3A_836 = vector.broadcast %mul3A_835 : f32 to vector<256x160xf32>
      %mul3A_837 = arith.mulf %dot_general3A_834, %mul3A_836 : vector<256x160xf32>
      %get3A_838 = arith.constant 0 : index
      %get3A_839 = arith.constant 0 : index
      %get3A_840 = vector.load %arg12[%get3A_838, %get3A_839] : memref<1x160xf32, #tpu.memory_space<vmem>>, vector<1x160xf32>
      %add3A_841 = vector.broadcast %get3A_840 : vector<1x160xf32> to vector<256x160xf32>
      %add3A_842 = arith.addf %mul3A_837, %add3A_841 : vector<256x160xf32>
      %broadcast_in_dim3A_843 = arith.constant 0.000000e+00 : bf16
      %broadcast_in_dim3A_844 = vector.broadcast %broadcast_in_dim3A_843 : bf16 to vector<256x512xbf16>
      %swap3A_845 = arith.constant 1024 : index
      %swap3A_846 = arith.constant 0 : index
      %swap3A_847 = vector.load %arg24[%swap3A_845, %swap3A_846] : memref<2048x512xbf16, #tpu.memory_space<vmem>>, vector<256x512xbf16>
      tpu.vector_store %arg24[%swap3A_845, %swap3A_846], %broadcast_in_dim3A_844 {strides = array<i32>} : memref<2048x512xbf16, #tpu.memory_space<vmem>>, vector<256x512xbf16>,
      %slice3A_848 = vector.extract_strided_slice %add3A_842 {offsets = [0, 0], sizes = [256, 40], strides = [1, 1]} : vector<256x160xf32> to vector<256x40xf32>
      %convert_element_type3A_849 = arith.truncf %slice3A_848 : vector<256x40xf32> to vector<256x40xbf16>
      %swap3A_850 = arith.constant 1024 : index
      %swap3A_851 = arith.constant 0 : index
      %swap3A_852 = vector.load %arg24[%swap3A_850, %swap3A_851] : memref<2048x512xbf16, #tpu.memory_space<vmem>>, vector<256x40xbf16>
      tpu.vector_store %arg24[%swap3A_850, %swap3A_851], %convert_element_type3A_849 {strides = array<i32>} : memref<2048x512xbf16, #tpu.memory_space<vmem>>, vector<256x40xbf16>,
      %slice3A_853 = vector.extract_strided_slice %add3A_842 {offsets = [0, 40], sizes = [256, 40], strides = [1, 1]} : vector<256x160xf32> to vector<256x40xf32>
      %convert_element_type3A_854 = arith.truncf %slice3A_853 : vector<256x40xf32> to vector<256x40xbf16>
      %swap3A_855 = arith.constant 1024 : index
      %swap3A_856 = arith.constant 128 : index
      %swap3A_857 = vector.load %arg24[%swap3A_855, %swap3A_856] : memref<2048x512xbf16, #tpu.memory_space<vmem>>, vector<256x40xbf16>
      tpu.vector_store %arg24[%swap3A_855, %swap3A_856], %convert_element_type3A_854 {strides = array<i32>} : memref<2048x512xbf16, #tpu.memory_space<vmem>>, vector<256x40xbf16>,
      %slice3A_858 = vector.extract_strided_slice %add3A_842 {offsets = [0, 80], sizes = [256, 40], strides = [1, 1]} : vector<256x160xf32> to vector<256x40xf32>
      %convert_element_type3A_859 = arith.truncf %slice3A_858 : vector<256x40xf32> to vector<256x40xbf16>
      %swap3A_860 = arith.constant 1024 : index
      %swap3A_861 = arith.constant 256 : index
      %swap3A_862 = vector.load %arg24[%swap3A_860, %swap3A_861] : memref<2048x512xbf16, #tpu.memory_space<vmem>>, vector<256x40xbf16>
      tpu.vector_store %arg24[%swap3A_860, %swap3A_861], %convert_element_type3A_859 {strides = array<i32>} : memref<2048x512xbf16, #tpu.memory_space<vmem>>, vector<256x40xbf16>,
      %slice3A_863 = vector.extract_strided_slice %add3A_842 {offsets = [0, 120], sizes = [256, 40], strides = [1, 1]} : vector<256x160xf32> to vector<256x40xf32>
      %convert_element_type3A_864 = arith.truncf %slice3A_863 : vector<256x40xf32> to vector<256x40xbf16>
      %swap3A_865 = arith.constant 1024 : index
      %swap3A_866 = arith.constant 384 : index
      %swap3A_867 = vector.load %arg24[%swap3A_865, %swap3A_866] : memref<2048x512xbf16, #tpu.memory_space<vmem>>, vector<256x40xbf16>
      tpu.vector_store %arg24[%swap3A_865, %swap3A_866], %convert_element_type3A_864 {strides = array<i32>} : memref<2048x512xbf16, #tpu.memory_space<vmem>>, vector<256x40xbf16>,
      %get3A_868 = arith.constant 1280 : index
      %get3A_869 = arith.constant 0 : index
      %get3A_870 = vector.load %arg4[%get3A_868, %get3A_869] : memref<2048x128xf32, #tpu.memory_space<vmem>>, vector<256x128xf32>
      %convert_element_type3A_871 = arith.truncf %get3A_870 : vector<256x128xf32> to vector<256x128xbf16>
      %get3A_872 = arith.constant 0 : index
      %get3A_873 = arith.constant 0 : index
      %get3A_874 = vector.load %arg5[%get3A_872, %get3A_873] : memref<160x128xbf16, #tpu.memory_space<vmem>>, vector<160x128xbf16>
      %dot_general3A_875 = arith.constant dense<0.000000e+00> : vector<256x160xf32>
      %dot_general3A_876 = tpu.matmul %convert_element_type3A_871, %get3A_874, %dot_general3A_875 {dimension_numbers = #tpu.dot_dimension_numbers<[1], [1], [0], [0], [0, 0, 1, 0], [], []>, transpose_lhs_hint = false} : vector<256x128xbf16>, vector<160x128xbf16>, vector<256x160xf32> -> vector<256x160xf32>
      %mul3A_877 = arith.constant 0.158113882 : f32
      %mul3A_878 = vector.broadcast %mul3A_877 : f32 to vector<256x160xf32>
      %mul3A_879 = arith.mulf %dot_general3A_876, %mul3A_878 : vector<256x160xf32>
      %get3A_880 = arith.constant 0 : index
      %get3A_881 = arith.constant 0 : index
      %get3A_882 = vector.load %arg12[%get3A_880, %get3A_881] : memref<1x160xf32, #tpu.memory_space<vmem>>, vector<1x160xf32>
      %add3A_883 = vector.broadcast %get3A_882 : vector<1x160xf32> to vector<256x160xf32>
      %add3A_884 = arith.addf %mul3A_879, %add3A_883 : vector<256x160xf32>
      %broadcast_in_dim3A_885 = arith.constant 0.000000e+00 : bf16
      %broadcast_in_dim3A_886 = vector.broadcast %broadcast_in_dim3A_885 : bf16 to vector<256x512xbf16>
      %swap3A_887 = arith.constant 1280 : index
      %swap3A_888 = arith.constant 0 : index
      %swap3A_889 = vector.load %arg24[%swap3A_887, %swap3A_888] : memref<2048x512xbf16, #tpu.memory_space<vmem>>, vector<256x512xbf16>
      tpu.vector_store %arg24[%swap3A_887, %swap3A_888], %broadcast_in_dim3A_886 {strides = array<i32>} : memref<2048x512xbf16, #tpu.memory_space<vmem>>, vector<256x512xbf16>,
      %slice3A_890 = vector.extract_strided_slice %add3A_884 {offsets = [0, 0], sizes = [256, 40], strides = [1, 1]} : vector<256x160xf32> to vector<256x40xf32>
      %convert_element_type3A_891 = arith.truncf %slice3A_890 : vector<256x40xf32> to vector<256x40xbf16>
      %swap3A_892 = arith.constant 1280 : index
      %swap3A_893 = arith.constant 0 : index
      %swap3A_894 = vector.load %arg24[%swap3A_892, %swap3A_893] : memref<2048x512xbf16, #tpu.memory_space<vmem>>, vector<256x40xbf16>
      tpu.vector_store %arg24[%swap3A_892, %swap3A_893], %convert_element_type3A_891 {strides = array<i32>} : memref<2048x512xbf16, #tpu.memory_space<vmem>>, vector<256x40xbf16>,
      %slice3A_895 = vector.extract_strided_slice %add3A_884 {offsets = [0, 40], sizes = [256, 40], strides = [1, 1]} : vector<256x160xf32> to vector<256x40xf32>
      %convert_element_type3A_896 = arith.truncf %slice3A_895 : vector<256x40xf32> to vector<256x40xbf16>
      %swap3A_897 = arith.constant 1280 : index
      %swap3A_898 = arith.constant 128 : index
      %swap3A_899 = vector.load %arg24[%swap3A_897, %swap3A_898] : memref<2048x512xbf16, #tpu.memory_space<vmem>>, vector<256x40xbf16>
      tpu.vector_store %arg24[%swap3A_897, %swap3A_898], %convert_element_type3A_896 {strides = array<i32>} : memref<2048x512xbf16, #tpu.memory_space<vmem>>, vector<256x40xbf16>,
      %slice3A_900 = vector.extract_strided_slice %add3A_884 {offsets = [0, 80], sizes = [256, 40], strides = [1, 1]} : vector<256x160xf32> to vector<256x40xf32>
      %convert_element_type3A_901 = arith.truncf %slice3A_900 : vector<256x40xf32> to vector<256x40xbf16>
      %swap3A_902 = arith.constant 1280 : index
      %swap3A_903 = arith.constant 256 : index
      %swap3A_904 = vector.load %arg24[%swap3A_902, %swap3A_903] : memref<2048x512xbf16, #tpu.memory_space<vmem>>, vector<256x40xbf16>
      tpu.vector_store %arg24[%swap3A_902, %swap3A_903], %convert_element_type3A_901 {strides = array<i32>} : memref<2048x512xbf16, #tpu.memory_space<vmem>>, vector<256x40xbf16>,
      %slice3A_905 = vector.extract_strided_slice %add3A_884 {offsets = [0, 120], sizes = [256, 40], strides = [1, 1]} : vector<256x160xf32> to vector<256x40xf32>
      %convert_element_type3A_906 = arith.truncf %slice3A_905 : vector<256x40xf32> to vector<256x40xbf16>
      %swap3A_907 = arith.constant 1280 : index
      %swap3A_908 = arith.constant 384 : index
      %swap3A_909 = vector.load %arg24[%swap3A_907, %swap3A_908] : memref<2048x512xbf16, #tpu.memory_space<vmem>>, vector<256x40xbf16>
      tpu.vector_store %arg24[%swap3A_907, %swap3A_908], %convert_element_type3A_906 {strides = array<i32>} : memref<2048x512xbf16, #tpu.memory_space<vmem>>, vector<256x40xbf16>,
      %get3A_910 = arith.constant 1536 : index
      %get3A_911 = arith.constant 0 : index
      %get3A_912 = vector.load %arg4[%get3A_910, %get3A_911] : memref<2048x128xf32, #tpu.memory_space<vmem>>, vector<256x128xf32>
      %convert_element_type3A_913 = arith.truncf %get3A_912 : vector<256x128xf32> to vector<256x128xbf16>
      %get3A_914 = arith.constant 0 : index
      %get3A_915 = arith.constant 0 : index
      %get3A_916 = vector.load %arg5[%get3A_914, %get3A_915] : memref<160x128xbf16, #tpu.memory_space<vmem>>, vector<160x128xbf16>
      %dot_general3A_917 = arith.constant dense<0.000000e+00> : vector<256x160xf32>
      %dot_general3A_918 = tpu.matmul %convert_element_type3A_913, %get3A_916, %dot_general3A_917 {dimension_numbers = #tpu.dot_dimension_numbers<[1], [1], [0], [0], [0, 0, 1, 0], [], []>, transpose_lhs_hint = false} : vector<256x128xbf16>, vector<160x128xbf16>, vector<256x160xf32> -> vector<256x160xf32>
      %mul3A_919 = arith.constant 0.158113882 : f32
      %mul3A_920 = vector.broadcast %mul3A_919 : f32 to vector<256x160xf32>
      %mul3A_921 = arith.mulf %dot_general3A_918, %mul3A_920 : vector<256x160xf32>
      %get3A_922 = arith.constant 0 : index
      %get3A_923 = arith.constant 0 : index
      %get3A_924 = vector.load %arg12[%get3A_922, %get3A_923] : memref<1x160xf32, #tpu.memory_space<vmem>>, vector<1x160xf32>
      %add3A_925 = vector.broadcast %get3A_924 : vector<1x160xf32> to vector<256x160xf32>
      %add3A_926 = arith.addf %mul3A_921, %add3A_925 : vector<256x160xf32>
      %broadcast_in_dim3A_927 = arith.constant 0.000000e+00 : bf16
      %broadcast_in_dim3A_928 = vector.broadcast %broadcast_in_dim3A_927 : bf16 to vector<256x512xbf16>
      %swap3A_929 = arith.constant 1536 : index
      %swap3A_930 = arith.constant 0 : index
      %swap3A_931 = vector.load %arg24[%swap3A_929, %swap3A_930] : memref<2048x512xbf16, #tpu.memory_space<vmem>>, vector<256x512xbf16>
      tpu.vector_store %arg24[%swap3A_929, %swap3A_930], %broadcast_in_dim3A_928 {strides = array<i32>} : memref<2048x512xbf16, #tpu.memory_space<vmem>>, vector<256x512xbf16>,
      %slice3A_932 = vector.extract_strided_slice %add3A_926 {offsets = [0, 0], sizes = [256, 40], strides = [1, 1]} : vector<256x160xf32> to vector<256x40xf32>
      %convert_element_type3A_933 = arith.truncf %slice3A_932 : vector<256x40xf32> to vector<256x40xbf16>
      %swap3A_934 = arith.constant 1536 : index
      %swap3A_935 = arith.constant 0 : index
      %swap3A_936 = vector.load %arg24[%swap3A_934, %swap3A_935] : memref<2048x512xbf16, #tpu.memory_space<vmem>>, vector<256x40xbf16>
      tpu.vector_store %arg24[%swap3A_934, %swap3A_935], %convert_element_type3A_933 {strides = array<i32>} : memref<2048x512xbf16, #tpu.memory_space<vmem>>, vector<256x40xbf16>,
      %slice3A_937 = vector.extract_strided_slice %add3A_926 {offsets = [0, 40], sizes = [256, 40], strides = [1, 1]} : vector<256x160xf32> to vector<256x40xf32>
      %convert_element_type3A_938 = arith.truncf %slice3A_937 : vector<256x40xf32> to vector<256x40xbf16>
      %swap3A_939 = arith.constant 1536 : index
      %swap3A_940 = arith.constant 128 : index
      %swap3A_941 = vector.load %arg24[%swap3A_939, %swap3A_940] : memref<2048x512xbf16, #tpu.memory_space<vmem>>, vector<256x40xbf16>
      tpu.vector_store %arg24[%swap3A_939, %swap3A_940], %convert_element_type3A_938 {strides = array<i32>} : memref<2048x512xbf16, #tpu.memory_space<vmem>>, vector<256x40xbf16>,
      %slice3A_942 = vector.extract_strided_slice %add3A_926 {offsets = [0, 80], sizes = [256, 40], strides = [1, 1]} : vector<256x160xf32> to vector<256x40xf32>
      %convert_element_type3A_943 = arith.truncf %slice3A_942 : vector<256x40xf32> to vector<256x40xbf16>
      %swap3A_944 = arith.constant 1536 : index
      %swap3A_945 = arith.constant 256 : index
      %swap3A_946 = vector.load %arg24[%swap3A_944, %swap3A_945] : memref<2048x512xbf16, #tpu.memory_space<vmem>>, vector<256x40xbf16>
      tpu.vector_store %arg24[%swap3A_944, %swap3A_945], %convert_element_type3A_943 {strides = array<i32>} : memref<2048x512xbf16, #tpu.memory_space<vmem>>, vector<256x40xbf16>,
      %slice3A_947 = vector.extract_strided_slice %add3A_926 {offsets = [0, 120], sizes = [256, 40], strides = [1, 1]} : vector<256x160xf32> to vector<256x40xf32>
      %convert_element_type3A_948 = arith.truncf %slice3A_947 : vector<256x40xf32> to vector<256x40xbf16>
      %swap3A_949 = arith.constant 1536 : index
      %swap3A_950 = arith.constant 384 : index
      %swap3A_951 = vector.load %arg24[%swap3A_949, %swap3A_950] : memref<2048x512xbf16, #tpu.memory_space<vmem>>, vector<256x40xbf16>
      tpu.vector_store %arg24[%swap3A_949, %swap3A_950], %convert_element_type3A_948 {strides = array<i32>} : memref<2048x512xbf16, #tpu.memory_space<vmem>>, vector<256x40xbf16>,
      %get3A_952 = arith.constant 1792 : index
      %get3A_953 = arith.constant 0 : index
      %get3A_954 = vector.load %arg4[%get3A_952, %get3A_953] : memref<2048x128xf32, #tpu.memory_space<vmem>>, vector<256x128xf32>
      %convert_element_type3A_955 = arith.truncf %get3A_954 : vector<256x128xf32> to vector<256x128xbf16>
      %get3A_956 = arith.constant 0 : index
      %get3A_957 = arith.constant 0 : index
      %get3A_958 = vector.load %arg5[%get3A_956, %get3A_957] : memref<160x128xbf16, #tpu.memory_space<vmem>>, vector<160x128xbf16>
      %dot_general3A_959 = arith.constant dense<0.000000e+00> : vector<256x160xf32>
      %dot_general3A_960 = tpu.matmul %convert_element_type3A_955, %get3A_958, %dot_general3A_959 {dimension_numbers = #tpu.dot_dimension_numbers<[1], [1], [0], [0], [0, 0, 1, 0], [], []>, transpose_lhs_hint = false} : vector<256x128xbf16>, vector<160x128xbf16>, vector<256x160xf32> -> vector<256x160xf32>
      %mul3A_961 = arith.constant 0.158113882 : f32
      %mul3A_962 = vector.broadcast %mul3A_961 : f32 to vector<256x160xf32>
      %mul3A_963 = arith.mulf %dot_general3A_960, %mul3A_962 : vector<256x160xf32>
      %get3A_964 = arith.constant 0 : index
      %get3A_965 = arith.constant 0 : index
      %get3A_966 = vector.load %arg12[%get3A_964, %get3A_965] : memref<1x160xf32, #tpu.memory_space<vmem>>, vector<1x160xf32>
      %add3A_967 = vector.broadcast %get3A_966 : vector<1x160xf32> to vector<256x160xf32>
      %add3A_968 = arith.addf %mul3A_963, %add3A_967 : vector<256x160xf32>
      %broadcast_in_dim3A_969 = arith.constant 0.000000e+00 : bf16
      %broadcast_in_dim3A_970 = vector.broadcast %broadcast_in_dim3A_969 : bf16 to vector<256x512xbf16>
      %swap3A_971 = arith.constant 1792 : index
      %swap3A_972 = arith.constant 0 : index
      %swap3A_973 = vector.load %arg24[%swap3A_971, %swap3A_972] : memref<2048x512xbf16, #tpu.memory_space<vmem>>, vector<256x512xbf16>
      tpu.vector_store %arg24[%swap3A_971, %swap3A_972], %broadcast_in_dim3A_970 {strides = array<i32>} : memref<2048x512xbf16, #tpu.memory_space<vmem>>, vector<256x512xbf16>,
      %slice3A_974 = vector.extract_strided_slice %add3A_968 {offsets = [0, 0], sizes = [256, 40], strides = [1, 1]} : vector<256x160xf32> to vector<256x40xf32>
      %convert_element_type3A_975 = arith.truncf %slice3A_974 : vector<256x40xf32> to vector<256x40xbf16>
      %swap3A_976 = arith.constant 1792 : index
      %swap3A_977 = arith.constant 0 : index
      %swap3A_978 = vector.load %arg24[%swap3A_976, %swap3A_977] : memref<2048x512xbf16, #tpu.memory_space<vmem>>, vector<256x40xbf16>
      tpu.vector_store %arg24[%swap3A_976, %swap3A_977], %convert_element_type3A_975 {strides = array<i32>} : memref<2048x512xbf16, #tpu.memory_space<vmem>>, vector<256x40xbf16>,
      %slice3A_979 = vector.extract_strided_slice %add3A_968 {offsets = [0, 40], sizes = [256, 40], strides = [1, 1]} : vector<256x160xf32> to vector<256x40xf32>
      %convert_element_type3A_980 = arith.truncf %slice3A_979 : vector<256x40xf32> to vector<256x40xbf16>
      %swap3A_981 = arith.constant 1792 : index
      %swap3A_982 = arith.constant 128 : index
      %swap3A_983 = vector.load %arg24[%swap3A_981, %swap3A_982] : memref<2048x512xbf16, #tpu.memory_space<vmem>>, vector<256x40xbf16>
      tpu.vector_store %arg24[%swap3A_981, %swap3A_982], %convert_element_type3A_980 {strides = array<i32>} : memref<2048x512xbf16, #tpu.memory_space<vmem>>, vector<256x40xbf16>,
      %slice3A_984 = vector.extract_strided_slice %add3A_968 {offsets = [0, 80], sizes = [256, 40], strides = [1, 1]} : vector<256x160xf32> to vector<256x40xf32>
      %convert_element_type3A_985 = arith.truncf %slice3A_984 : vector<256x40xf32> to vector<256x40xbf16>
      %swap3A_986 = arith.constant 1792 : index
      %swap3A_987 = arith.constant 256 : index
      %swap3A_988 = vector.load %arg24[%swap3A_986, %swap3A_987] : memref<2048x512xbf16, #tpu.memory_space<vmem>>, vector<256x40xbf16>
      tpu.vector_store %arg24[%swap3A_986, %swap3A_987], %convert_element_type3A_985 {strides = array<i32>} : memref<2048x512xbf16, #tpu.memory_space<vmem>>, vector<256x40xbf16>,
      %slice3A_989 = vector.extract_strided_slice %add3A_968 {offsets = [0, 120], sizes = [256, 40], strides = [1, 1]} : vector<256x160xf32> to vector<256x40xf32>
      %convert_element_type3A_990 = arith.truncf %slice3A_989 : vector<256x40xf32> to vector<256x40xbf16>
      %swap3A_991 = arith.constant 1792 : index
      %swap3A_992 = arith.constant 384 : index
      %swap3A_993 = vector.load %arg24[%swap3A_991, %swap3A_992] : memref<2048x512xbf16, #tpu.memory_space<vmem>>, vector<256x40xbf16>
      tpu.vector_store %arg24[%swap3A_991, %swap3A_992], %convert_element_type3A_990 {strides = array<i32>} : memref<2048x512xbf16, #tpu.memory_space<vmem>>, vector<256x40xbf16>,
    } else {
    }
    %get3A = arith.constant 0 : index
    %get3A_2 = arith.constant 0 : index
    %get3A_3 = vector.load %arg1[%get3A, %get3A_2] : memref<256x2048xf32, #tpu.memory_space<vmem>>, vector<256x2048xf32>
    %convert_element_type3A_4 = arith.truncf %get3A_3 : vector<256x2048xf32> to vector<256x2048xbf16>
    %get3A_5 = arith.constant 0 : index
    %get3A_6 = arith.constant 0 : index
    %get3A_7 = vector.load %arg2[%get3A_5, %get3A_6] : memref<256x256xf32, #tpu.memory_space<vmem>>, vector<256x256xf32>
    %convert_element_type3A_8 = arith.truncf %get3A_7 : vector<256x256xf32> to vector<256x256xbf16>
    %get3A_9 = arith.constant 0 : index
    %get3A_10 = arith.constant 0 : index
    %get3A_11 = vector.load %arg3[%get3A_9, %get3A_10] : memref<256x512xf32, #tpu.memory_space<vmem>>, vector<256x512xf32>
    %convert_element_type3A_12 = arith.truncf %get3A_11 : vector<256x512xf32> to vector<256x512xbf16>
    %get3A_13 = arith.constant 0 : index
    %get3A_14 = arith.constant 0 : index
    %get3A_15 = vector.load %arg6[%get3A_13, %get3A_14] : memref<160x2048xbf16, #tpu.memory_space<vmem>>, vector<160x2048xbf16>
    %dot_general3A = arith.constant dense<0.000000e+00> : vector<256x160xf32>
    %dot_general3A_16 = tpu.matmul %convert_element_type3A_4, %get3A_15, %dot_general3A {dimension_numbers = #tpu.dot_dimension_numbers<[1], [1], [0], [0], [0, 0, 1, 0], [], []>, transpose_lhs_hint = false} : vector<256x2048xbf16>, vector<160x2048xbf16>, vector<256x160xf32> -> vector<256x160xf32>
    %get3A_17 = arith.constant 0 : index
    %get3A_18 = arith.constant 0 : index
    %get3A_19 = vector.load %arg7[%get3A_17, %get3A_18] : memref<160x256xbf16, #tpu.memory_space<vmem>>, vector<160x256xbf16>
    %dot_general3A_20 = arith.constant dense<0.000000e+00> : vector<256x160xf32>
    %dot_general3A_21 = tpu.matmul %convert_element_type3A_8, %get3A_19, %dot_general3A_20 {dimension_numbers = #tpu.dot_dimension_numbers<[1], [1], [0], [0], [0, 0, 1, 0], [], []>, transpose_lhs_hint = false} : vector<256x256xbf16>, vector<160x256xbf16>, vector<256x160xf32> -> vector<256x160xf32>
    %add3A = arith.addf %dot_general3A_16, %dot_general3A_21 : vector<256x160xf32>
    %get3A_22 = arith.constant 0 : index
    %get3A_23 = arith.constant 0 : index
    %get3A_24 = vector.load %arg8[%get3A_22, %get3A_23] : memref<160x512xbf16, #tpu.memory_space<vmem>>, vector<160x512xbf16>
    %dot_general3A_25 = arith.constant dense<0.000000e+00> : vector<256x160xf32>
    %dot_general3A_26 = tpu.matmul %convert_element_type3A_12, %get3A_24, %dot_general3A_25 {dimension_numbers = #tpu.dot_dimension_numbers<[1], [1], [0], [0], [0, 0, 1, 0], [], []>, transpose_lhs_hint = false} : vector<256x512xbf16>, vector<160x512xbf16>, vector<256x160xf32> -> vector<256x160xf32>
    %add3A_27 = arith.addf %add3A, %dot_general3A_26 : vector<256x160xf32>
    %get3A_28 = arith.constant 0 : index
    %get3A_29 = arith.constant 0 : index
    %get3A_30 = vector.load %arg13[%get3A_28, %get3A_29] : memref<1x160xf32, #tpu.memory_space<vmem>>, vector<1x160xf32>
    %add3A_31 = vector.broadcast %get3A_30 : vector<1x160xf32> to vector<256x160xf32>
    %add3A_32 = arith.addf %add3A_27, %add3A_31 : vector<256x160xf32>
    %get3A_33 = arith.constant 0 : index
    %get3A_34 = arith.constant 0 : index
    %get3A_35 = vector.load %arg9[%get3A_33, %get3A_34] : memref<160x2048xbf16, #tpu.memory_space<vmem>>, vector<160x2048xbf16>
    %dot_general3A_36 = arith.constant dense<0.000000e+00> : vector<256x160xf32>
    %dot_general3A_37 = tpu.matmul %convert_element_type3A_4, %get3A_35, %dot_general3A_36 {dimension_numbers = #tpu.dot_dimension_numbers<[1], [1], [0], [0], [0, 0, 1, 0], [], []>, transpose_lhs_hint = false} : vector<256x2048xbf16>, vector<160x2048xbf16>, vector<256x160xf32> -> vector<256x160xf32>
    %get3A_38 = arith.constant 0 : index
    %get3A_39 = arith.constant 0 : index
    %get3A_40 = vector.load %arg10[%get3A_38, %get3A_39] : memref<160x256xbf16, #tpu.memory_space<vmem>>, vector<160x256xbf16>
    %dot_general3A_41 = arith.constant dense<0.000000e+00> : vector<256x160xf32>
    %dot_general3A_42 = tpu.matmul %convert_element_type3A_8, %get3A_40, %dot_general3A_41 {dimension_numbers = #tpu.dot_dimension_numbers<[1], [1], [0], [0], [0, 0, 1, 0], [], []>, transpose_lhs_hint = false} : vector<256x256xbf16>, vector<160x256xbf16>, vector<256x160xf32> -> vector<256x160xf32>
    %add3A_43 = arith.addf %dot_general3A_37, %dot_general3A_42 : vector<256x160xf32>
    %get3A_44 = arith.constant 0 : index
    %get3A_45 = arith.constant 0 : index
    %get3A_46 = vector.load %arg11[%get3A_44, %get3A_45] : memref<160x512xbf16, #tpu.memory_space<vmem>>, vector<160x512xbf16>
    %dot_general3A_47 = arith.constant dense<0.000000e+00> : vector<256x160xf32>
    %dot_general3A_48 = tpu.matmul %convert_element_type3A_12, %get3A_46, %dot_general3A_47 {dimension_numbers = #tpu.dot_dimension_numbers<[1], [1], [0], [0], [0, 0, 1, 0], [], []>, transpose_lhs_hint = false} : vector<256x512xbf16>, vector<160x512xbf16>, vector<256x160xf32> -> vector<256x160xf32>
    %add3A_49 = arith.addf %add3A_43, %dot_general3A_48 : vector<256x160xf32>
    %get3A_50 = arith.constant 0 : index
    %get3A_51 = arith.constant 0 : index
    %get3A_52 = vector.load %arg14[%get3A_50, %get3A_51] : memref<1x160xf32, #tpu.memory_space<vmem>>, vector<1x160xf32>
    %add3A_53 = vector.broadcast %get3A_52 : vector<1x160xf32> to vector<256x160xf32>
    %add3A_54 = arith.addf %add3A_49, %add3A_53 : vector<256x160xf32>
    %broadcast_in_dim3A = arith.constant 0.000000e+00 : bf16
    %broadcast_in_dim3A_55 = vector.broadcast %broadcast_in_dim3A : bf16 to vector<256x512xbf16>
    %swap3A = arith.constant 0 : index
    %swap3A_56 = arith.constant 0 : index
    %swap3A_57 = vector.load %arg26[%swap3A, %swap3A_56] : memref<256x512xbf16, #tpu.memory_space<vmem>>, vector<256x512xbf16>
    tpu.vector_store %arg26[%swap3A, %swap3A_56], %broadcast_in_dim3A_55 {strides = array<i32>} : memref<256x512xbf16, #tpu.memory_space<vmem>>, vector<256x512xbf16>,
    %slice3A = vector.extract_strided_slice %add3A_32 {offsets = [0, 0], sizes = [256, 40], strides = [1, 1]} : vector<256x160xf32> to vector<256x40xf32>
    %convert_element_type3A_58 = arith.truncf %slice3A : vector<256x40xf32> to vector<256x40xbf16>
    %swap3A_59 = arith.constant 0 : index
    %swap3A_60 = arith.constant 0 : index
    %swap3A_61 = vector.load %arg26[%swap3A_59, %swap3A_60] : memref<256x512xbf16, #tpu.memory_space<vmem>>, vector<256x40xbf16>
    tpu.vector_store %arg26[%swap3A_59, %swap3A_60], %convert_element_type3A_58 {strides = array<i32>} : memref<256x512xbf16, #tpu.memory_space<vmem>>, vector<256x40xbf16>,
    %slice3A_62 = vector.extract_strided_slice %add3A_32 {offsets = [0, 40], sizes = [256, 40], strides = [1, 1]} : vector<256x160xf32> to vector<256x40xf32>
    %convert_element_type3A_63 = arith.truncf %slice3A_62 : vector<256x40xf32> to vector<256x40xbf16>
    %swap3A_64 = arith.constant 0 : index
    %swap3A_65 = arith.constant 128 : index
    %swap3A_66 = vector.load %arg26[%swap3A_64, %swap3A_65] : memref<256x512xbf16, #tpu.memory_space<vmem>>, vector<256x40xbf16>
    tpu.vector_store %arg26[%swap3A_64, %swap3A_65], %convert_element_type3A_63 {strides = array<i32>} : memref<256x512xbf16, #tpu.memory_space<vmem>>, vector<256x40xbf16>,
    %slice3A_67 = vector.extract_strided_slice %add3A_32 {offsets = [0, 80], sizes = [256, 40], strides = [1, 1]} : vector<256x160xf32> to vector<256x40xf32>
    %convert_element_type3A_68 = arith.truncf %slice3A_67 : vector<256x40xf32> to vector<256x40xbf16>
    %swap3A_69 = arith.constant 0 : index
    %swap3A_70 = arith.constant 256 : index
    %swap3A_71 = vector.load %arg26[%swap3A_69, %swap3A_70] : memref<256x512xbf16, #tpu.memory_space<vmem>>, vector<256x40xbf16>
    tpu.vector_store %arg26[%swap3A_69, %swap3A_70], %convert_element_type3A_68 {strides = array<i32>} : memref<256x512xbf16, #tpu.memory_space<vmem>>, vector<256x40xbf16>,
    %slice3A_72 = vector.extract_strided_slice %add3A_32 {offsets = [0, 120], sizes = [256, 40], strides = [1, 1]} : vector<256x160xf32> to vector<256x40xf32>
    %convert_element_type3A_73 = arith.truncf %slice3A_72 : vector<256x40xf32> to vector<256x40xbf16>
    %swap3A_74 = arith.constant 0 : index
    %swap3A_75 = arith.constant 384 : index
    %swap3A_76 = vector.load %arg26[%swap3A_74, %swap3A_75] : memref<256x512xbf16, #tpu.memory_space<vmem>>, vector<256x40xbf16>
    tpu.vector_store %arg26[%swap3A_74, %swap3A_75], %convert_element_type3A_73 {strides = array<i32>} : memref<256x512xbf16, #tpu.memory_space<vmem>>, vector<256x40xbf16>,
    %broadcast_in_dim3A_77 = arith.constant 0.000000e+00 : bf16
    %broadcast_in_dim3A_78 = vector.broadcast %broadcast_in_dim3A_77 : bf16 to vector<256x512xbf16>
    %swap3A_79 = arith.constant 0 : index
    %swap3A_80 = arith.constant 0 : index
    %swap3A_81 = vector.load %arg27[%swap3A_79, %swap3A_80] : memref<256x512xbf16, #tpu.memory_space<vmem>>, vector<256x512xbf16>
    tpu.vector_store %arg27[%swap3A_79, %swap3A_80], %broadcast_in_dim3A_78 {strides = array<i32>} : memref<256x512xbf16, #tpu.memory_space<vmem>>, vector<256x512xbf16>,
    %slice3A_82 = vector.extract_strided_slice %add3A_54 {offsets = [0, 0], sizes = [256, 40], strides = [1, 1]} : vector<256x160xf32> to vector<256x40xf32>
    %convert_element_type3A_83 = arith.truncf %slice3A_82 : vector<256x40xf32> to vector<256x40xbf16>
    %swap3A_84 = arith.constant 0 : index
    %swap3A_85 = arith.constant 0 : index
    %swap3A_86 = vector.load %arg27[%swap3A_84, %swap3A_85] : memref<256x512xbf16, #tpu.memory_space<vmem>>, vector<256x40xbf16>
    tpu.vector_store %arg27[%swap3A_84, %swap3A_85], %convert_element_type3A_83 {strides = array<i32>} : memref<256x512xbf16, #tpu.memory_space<vmem>>, vector<256x40xbf16>,
    %slice3A_87 = vector.extract_strided_slice %add3A_54 {offsets = [0, 40], sizes = [256, 40], strides = [1, 1]} : vector<256x160xf32> to vector<256x40xf32>
    %convert_element_type3A_88 = arith.truncf %slice3A_87 : vector<256x40xf32> to vector<256x40xbf16>
    %swap3A_89 = arith.constant 0 : index
    %swap3A_90 = arith.constant 128 : index
    %swap3A_91 = vector.load %arg27[%swap3A_89, %swap3A_90] : memref<256x512xbf16, #tpu.memory_space<vmem>>, vector<256x40xbf16>
    tpu.vector_store %arg27[%swap3A_89, %swap3A_90], %convert_element_type3A_88 {strides = array<i32>} : memref<256x512xbf16, #tpu.memory_space<vmem>>, vector<256x40xbf16>,
    %slice3A_92 = vector.extract_strided_slice %add3A_54 {offsets = [0, 80], sizes = [256, 40], strides = [1, 1]} : vector<256x160xf32> to vector<256x40xf32>
    %convert_element_type3A_93 = arith.truncf %slice3A_92 : vector<256x40xf32> to vector<256x40xbf16>
    %swap3A_94 = arith.constant 0 : index
    %swap3A_95 = arith.constant 256 : index
    %swap3A_96 = vector.load %arg27[%swap3A_94, %swap3A_95] : memref<256x512xbf16, #tpu.memory_space<vmem>>, vector<256x40xbf16>
    tpu.vector_store %arg27[%swap3A_94, %swap3A_95], %convert_element_type3A_93 {strides = array<i32>} : memref<256x512xbf16, #tpu.memory_space<vmem>>, vector<256x40xbf16>,
    %slice3A_97 = vector.extract_strided_slice %add3A_54 {offsets = [0, 120], sizes = [256, 40], strides = [1, 1]} : vector<256x160xf32> to vector<256x40xf32>
    %convert_element_type3A_98 = arith.truncf %slice3A_97 : vector<256x40xf32> to vector<256x40xbf16>
    %swap3A_99 = arith.constant 0 : index
    %swap3A_100 = arith.constant 384 : index
    %swap3A_101 = vector.load %arg27[%swap3A_99, %swap3A_100] : memref<256x512xbf16, #tpu.memory_space<vmem>>, vector<256x40xbf16>
    tpu.vector_store %arg27[%swap3A_99, %swap3A_100], %convert_element_type3A_98 {strides = array<i32>} : memref<256x512xbf16, #tpu.memory_space<vmem>>, vector<256x40xbf16>,
    %get3A_102 = arith.constant 0 : index
    %get3A_103 = arith.constant 0 : index
    %get3A_104 = vector.load %arg27[%get3A_102, %get3A_103] : memref<256x512xbf16, #tpu.memory_space<vmem>>, vector<256x512xbf16>
    %get3A_105 = arith.constant 0 : index
    %get3A_106 = arith.constant 0 : index
    %get3A_107 = vector.load %arg15[%get3A_105, %get3A_106] : memref<1x512xf32, #tpu.memory_space<vmem>>, vector<1x512xf32>
    %convert_element_type3A_108 = arith.truncf %get3A_107 : vector<1x512xf32> to vector<1x512xbf16>
    %add3A_109 = vector.broadcast %convert_element_type3A_108 : vector<1x512xbf16> to vector<256x512xbf16>
    %add3A_110 = arith.addf %get3A_104, %add3A_109 : vector<256x512xbf16>
    %swap3A_111 = arith.constant 0 : index
    %swap3A_112 = arith.constant 0 : index
    %swap3A_113 = vector.load %arg27[%swap3A_111, %swap3A_112] : memref<256x512xbf16, #tpu.memory_space<vmem>>, vector<256x512xbf16>
    tpu.vector_store %arg27[%swap3A_111, %swap3A_112], %add3A_110 {strides = array<i32>} : memref<256x512xbf16, #tpu.memory_space<vmem>>, vector<256x512xbf16>,
    %get3A_114 = arith.constant 0 : index
    %get3A_115 = arith.constant 0 : index
    %get3A_116 = vector.load %arg26[%get3A_114, %get3A_115] : memref<256x512xbf16, #tpu.memory_space<vmem>>, vector<256x128xbf16>
    %get3A_117 = arith.constant 0 : index
    %get3A_118 = arith.constant 0 : index
    %get3A_119 = vector.load %arg27[%get3A_117, %get3A_118] : memref<256x512xbf16, #tpu.memory_space<vmem>>, vector<256x128xbf16>
    %get3A_120 = arith.constant 0 : index
    %get3A_121 = arith.constant 0 : index
    %get3A_122 = vector.load %arg24[%get3A_120, %get3A_121] : memref<2048x512xbf16, #tpu.memory_space<vmem>>, vector<256x128xbf16>
    %dot_general3A_123 = arith.constant dense<0.000000e+00> : vector<256x256xf32>
    %dot_general3A_124 = tpu.matmul %get3A_122, %get3A_116, %dot_general3A_123 {dimension_numbers = #tpu.dot_dimension_numbers<[1], [1], [0], [0], [0, 0, 1, 0], [], []>, transpose_lhs_hint = false} : vector<256x128xbf16>, vector<256x128xbf16>, vector<256x256xf32> -> vector<256x256xf32>
    %exp3A = math.exp %dot_general3A_124 : vector<256x256xf32>
    %convert_element_type3A_125 = arith.truncf %exp3A : vector<256x256xf32> to vector<256x256xbf16>
    %get3A_126 = arith.constant 0 : index
    %get3A_127 = arith.constant 0 : index
    %get3A_128 = vector.load %arg25[%get3A_126, %get3A_127] : memref<2048x512xf32, #tpu.memory_space<vmem>>, vector<256x128xf32>
    %dot_general3A_129 = arith.constant dense<0.000000e+00> : vector<256x128xf32>
    %dot_general3A_130 = tpu.matmul %convert_element_type3A_125, %get3A_119, %dot_general3A_129 {dimension_numbers = #tpu.dot_dimension_numbers<[1], [0], [0], [1], [0, 0, 1, 1], [], []>, transpose_lhs_hint = false} : vector<256x256xbf16>, vector<256x128xbf16>, vector<256x128xf32> -> vector<256x128xf32>
    %add3A_131 = arith.addf %get3A_128, %dot_general3A_130 : vector<256x128xf32>
    %swap3A_132 = arith.constant 0 : index
    %swap3A_133 = arith.constant 0 : index
    %swap3A_134 = vector.load %arg25[%swap3A_132, %swap3A_133] : memref<2048x512xf32, #tpu.memory_space<vmem>>, vector<256x128xf32>
    tpu.vector_store %arg25[%swap3A_132, %swap3A_133], %add3A_131 {strides = array<i32>} : memref<2048x512xf32, #tpu.memory_space<vmem>>, vector<256x128xf32>,
    %get3A_135 = arith.constant 256 : index
    %get3A_136 = arith.constant 0 : index
    %get3A_137 = vector.load %arg24[%get3A_135, %get3A_136] : memref<2048x512xbf16, #tpu.memory_space<vmem>>, vector<256x128xbf16>
    %dot_general3A_138 = arith.constant dense<0.000000e+00> : vector<256x256xf32>
    %dot_general3A_139 = tpu.matmul %get3A_137, %get3A_116, %dot_general3A_138 {dimension_numbers = #tpu.dot_dimension_numbers<[1], [1], [0], [0], [0, 0, 1, 0], [], []>, transpose_lhs_hint = false} : vector<256x128xbf16>, vector<256x128xbf16>, vector<256x256xf32> -> vector<256x256xf32>
    %exp3A_140 = math.exp %dot_general3A_139 : vector<256x256xf32>
    %convert_element_type3A_141 = arith.truncf %exp3A_140 : vector<256x256xf32> to vector<256x256xbf16>
    %get3A_142 = arith.constant 256 : index
    %get3A_143 = arith.constant 0 : index
    %get3A_144 = vector.load %arg25[%get3A_142, %get3A_143] : memref<2048x512xf32, #tpu.memory_space<vmem>>, vector<256x128xf32>
    %dot_general3A_145 = arith.constant dense<0.000000e+00> : vector<256x128xf32>
    %dot_general3A_146 = tpu.matmul %convert_element_type3A_141, %get3A_119, %dot_general3A_145 {dimension_numbers = #tpu.dot_dimension_numbers<[1], [0], [0], [1], [0, 0, 1, 1], [], []>, transpose_lhs_hint = false} : vector<256x256xbf16>, vector<256x128xbf16>, vector<256x128xf32> -> vector<256x128xf32>
    %add3A_147 = arith.addf %get3A_144, %dot_general3A_146 : vector<256x128xf32>
    %swap3A_148 = arith.constant 256 : index
    %swap3A_149 = arith.constant 0 : index
    %swap3A_150 = vector.load %arg25[%swap3A_148, %swap3A_149] : memref<2048x512xf32, #tpu.memory_space<vmem>>, vector<256x128xf32>
    tpu.vector_store %arg25[%swap3A_148, %swap3A_149], %add3A_147 {strides = array<i32>} : memref<2048x512xf32, #tpu.memory_space<vmem>>, vector<256x128xf32>,
    %get3A_151 = arith.constant 512 : index
    %get3A_152 = arith.constant 0 : index
    %get3A_153 = vector.load %arg24[%get3A_151, %get3A_152] : memref<2048x512xbf16, #tpu.memory_space<vmem>>, vector<256x128xbf16>
    %dot_general3A_154 = arith.constant dense<0.000000e+00> : vector<256x256xf32>
    %dot_general3A_155 = tpu.matmul %get3A_153, %get3A_116, %dot_general3A_154 {dimension_numbers = #tpu.dot_dimension_numbers<[1], [1], [0], [0], [0, 0, 1, 0], [], []>, transpose_lhs_hint = false} : vector<256x128xbf16>, vector<256x128xbf16>, vector<256x256xf32> -> vector<256x256xf32>
    %exp3A_156 = math.exp %dot_general3A_155 : vector<256x256xf32>
    %convert_element_type3A_157 = arith.truncf %exp3A_156 : vector<256x256xf32> to vector<256x256xbf16>
    %get3A_158 = arith.constant 512 : index
    %get3A_159 = arith.constant 0 : index
    %get3A_160 = vector.load %arg25[%get3A_158, %get3A_159] : memref<2048x512xf32, #tpu.memory_space<vmem>>, vector<256x128xf32>
    %dot_general3A_161 = arith.constant dense<0.000000e+00> : vector<256x128xf32>
    %dot_general3A_162 = tpu.matmul %convert_element_type3A_157, %get3A_119, %dot_general3A_161 {dimension_numbers = #tpu.dot_dimension_numbers<[1], [0], [0], [1], [0, 0, 1, 1], [], []>, transpose_lhs_hint = false} : vector<256x256xbf16>, vector<256x128xbf16>, vector<256x128xf32> -> vector<256x128xf32>
    %add3A_163 = arith.addf %get3A_160, %dot_general3A_162 : vector<256x128xf32>
    %swap3A_164 = arith.constant 512 : index
    %swap3A_165 = arith.constant 0 : index
    %swap3A_166 = vector.load %arg25[%swap3A_164, %swap3A_165] : memref<2048x512xf32, #tpu.memory_space<vmem>>, vector<256x128xf32>
    tpu.vector_store %arg25[%swap3A_164, %swap3A_165], %add3A_163 {strides = array<i32>} : memref<2048x512xf32, #tpu.memory_space<vmem>>, vector<256x128xf32>,
    %get3A_167 = arith.constant 768 : index
    %get3A_168 = arith.constant 0 : index
    %get3A_169 = vector.load %arg24[%get3A_167, %get3A_168] : memref<2048x512xbf16, #tpu.memory_space<vmem>>, vector<256x128xbf16>
    %dot_general3A_170 = arith.constant dense<0.000000e+00> : vector<256x256xf32>
    %dot_general3A_171 = tpu.matmul %get3A_169, %get3A_116, %dot_general3A_170 {dimension_numbers = #tpu.dot_dimension_numbers<[1], [1], [0], [0], [0, 0, 1, 0], [], []>, transpose_lhs_hint = false} : vector<256x128xbf16>, vector<256x128xbf16>, vector<256x256xf32> -> vector<256x256xf32>
    %exp3A_172 = math.exp %dot_general3A_171 : vector<256x256xf32>
    %convert_element_type3A_173 = arith.truncf %exp3A_172 : vector<256x256xf32> to vector<256x256xbf16>
    %get3A_174 = arith.constant 768 : index
    %get3A_175 = arith.constant 0 : index
    %get3A_176 = vector.load %arg25[%get3A_174, %get3A_175] : memref<2048x512xf32, #tpu.memory_space<vmem>>, vector<256x128xf32>
    %dot_general3A_177 = arith.constant dense<0.000000e+00> : vector<256x128xf32>
    %dot_general3A_178 = tpu.matmul %convert_element_type3A_173, %get3A_119, %dot_general3A_177 {dimension_numbers = #tpu.dot_dimension_numbers<[1], [0], [0], [1], [0, 0, 1, 1], [], []>, transpose_lhs_hint = false} : vector<256x256xbf16>, vector<256x128xbf16>, vector<256x128xf32> -> vector<256x128xf32>
    %add3A_179 = arith.addf %get3A_176, %dot_general3A_178 : vector<256x128xf32>
    %swap3A_180 = arith.constant 768 : index
    %swap3A_181 = arith.constant 0 : index
    %swap3A_182 = vector.load %arg25[%swap3A_180, %swap3A_181] : memref<2048x512xf32, #tpu.memory_space<vmem>>, vector<256x128xf32>
    tpu.vector_store %arg25[%swap3A_180, %swap3A_181], %add3A_179 {strides = array<i32>} : memref<2048x512xf32, #tpu.memory_space<vmem>>, vector<256x128xf32>,
    %get3A_183 = arith.constant 1024 : index
    %get3A_184 = arith.constant 0 : index
    %get3A_185 = vector.load %arg24[%get3A_183, %get3A_184] : memref<2048x512xbf16, #tpu.memory_space<vmem>>, vector<256x128xbf16>
    %dot_general3A_186 = arith.constant dense<0.000000e+00> : vector<256x256xf32>
    %dot_general3A_187 = tpu.matmul %get3A_185, %get3A_116, %dot_general3A_186 {dimension_numbers = #tpu.dot_dimension_numbers<[1], [1], [0], [0], [0, 0, 1, 0], [], []>, transpose_lhs_hint = false} : vector<256x128xbf16>, vector<256x128xbf16>, vector<256x256xf32> -> vector<256x256xf32>
    %exp3A_188 = math.exp %dot_general3A_187 : vector<256x256xf32>
    %convert_element_type3A_189 = arith.truncf %exp3A_188 : vector<256x256xf32> to vector<256x256xbf16>
    %get3A_190 = arith.constant 1024 : index
    %get3A_191 = arith.constant 0 : index
    %get3A_192 = vector.load %arg25[%get3A_190, %get3A_191] : memref<2048x512xf32, #tpu.memory_space<vmem>>, vector<256x128xf32>
    %dot_general3A_193 = arith.constant dense<0.000000e+00> : vector<256x128xf32>
    %dot_general3A_194 = tpu.matmul %convert_element_type3A_189, %get3A_119, %dot_general3A_193 {dimension_numbers = #tpu.dot_dimension_numbers<[1], [0], [0], [1], [0, 0, 1, 1], [], []>, transpose_lhs_hint = false} : vector<256x256xbf16>, vector<256x128xbf16>, vector<256x128xf32> -> vector<256x128xf32>
    %add3A_195 = arith.addf %get3A_192, %dot_general3A_194 : vector<256x128xf32>
    %swap3A_196 = arith.constant 1024 : index
    %swap3A_197 = arith.constant 0 : index
    %swap3A_198 = vector.load %arg25[%swap3A_196, %swap3A_197] : memref<2048x512xf32, #tpu.memory_space<vmem>>, vector<256x128xf32>
    tpu.vector_store %arg25[%swap3A_196, %swap3A_197], %add3A_195 {strides = array<i32>} : memref<2048x512xf32, #tpu.memory_space<vmem>>, vector<256x128xf32>,
    %get3A_199 = arith.constant 1280 : index
    %get3A_200 = arith.constant 0 : index
    %get3A_201 = vector.load %arg24[%get3A_199, %get3A_200] : memref<2048x512xbf16, #tpu.memory_space<vmem>>, vector<256x128xbf16>
    %dot_general3A_202 = arith.constant dense<0.000000e+00> : vector<256x256xf32>
    %dot_general3A_203 = tpu.matmul %get3A_201, %get3A_116, %dot_general3A_202 {dimension_numbers = #tpu.dot_dimension_numbers<[1], [1], [0], [0], [0, 0, 1, 0], [], []>, transpose_lhs_hint = false} : vector<256x128xbf16>, vector<256x128xbf16>, vector<256x256xf32> -> vector<256x256xf32>
    %exp3A_204 = math.exp %dot_general3A_203 : vector<256x256xf32>
    %convert_element_type3A_205 = arith.truncf %exp3A_204 : vector<256x256xf32> to vector<256x256xbf16>
    %get3A_206 = arith.constant 1280 : index
    %get3A_207 = arith.constant 0 : index
    %get3A_208 = vector.load %arg25[%get3A_206, %get3A_207] : memref<2048x512xf32, #tpu.memory_space<vmem>>, vector<256x128xf32>
    %dot_general3A_209 = arith.constant dense<0.000000e+00> : vector<256x128xf32>
    %dot_general3A_210 = tpu.matmul %convert_element_type3A_205, %get3A_119, %dot_general3A_209 {dimension_numbers = #tpu.dot_dimension_numbers<[1], [0], [0], [1], [0, 0, 1, 1], [], []>, transpose_lhs_hint = false} : vector<256x256xbf16>, vector<256x128xbf16>, vector<256x128xf32> -> vector<256x128xf32>
    %add3A_211 = arith.addf %get3A_208, %dot_general3A_210 : vector<256x128xf32>
    %swap3A_212 = arith.constant 1280 : index
    %swap3A_213 = arith.constant 0 : index
    %swap3A_214 = vector.load %arg25[%swap3A_212, %swap3A_213] : memref<2048x512xf32, #tpu.memory_space<vmem>>, vector<256x128xf32>
    tpu.vector_store %arg25[%swap3A_212, %swap3A_213], %add3A_211 {strides = array<i32>} : memref<2048x512xf32, #tpu.memory_space<vmem>>, vector<256x128xf32>,
    %get3A_215 = arith.constant 1536 : index
    %get3A_216 = arith.constant 0 : index
    %get3A_217 = vector.load %arg24[%get3A_215, %get3A_216] : memref<2048x512xbf16, #tpu.memory_space<vmem>>, vector<256x128xbf16>
    %dot_general3A_218 = arith.constant dense<0.000000e+00> : vector<256x256xf32>
    %dot_general3A_219 = tpu.matmul %get3A_217, %get3A_116, %dot_general3A_218 {dimension_numbers = #tpu.dot_dimension_numbers<[1], [1], [0], [0], [0, 0, 1, 0], [], []>, transpose_lhs_hint = false} : vector<256x128xbf16>, vector<256x128xbf16>, vector<256x256xf32> -> vector<256x256xf32>
    %exp3A_220 = math.exp %dot_general3A_219 : vector<256x256xf32>
    %convert_element_type3A_221 = arith.truncf %exp3A_220 : vector<256x256xf32> to vector<256x256xbf16>
    %get3A_222 = arith.constant 1536 : index
    %get3A_223 = arith.constant 0 : index
    %get3A_224 = vector.load %arg25[%get3A_222, %get3A_223] : memref<2048x512xf32, #tpu.memory_space<vmem>>, vector<256x128xf32>
    %dot_general3A_225 = arith.constant dense<0.000000e+00> : vector<256x128xf32>
    %dot_general3A_226 = tpu.matmul %convert_element_type3A_221, %get3A_119, %dot_general3A_225 {dimension_numbers = #tpu.dot_dimension_numbers<[1], [0], [0], [1], [0, 0, 1, 1], [], []>, transpose_lhs_hint = false} : vector<256x256xbf16>, vector<256x128xbf16>, vector<256x128xf32> -> vector<256x128xf32>
    %add3A_227 = arith.addf %get3A_224, %dot_general3A_226 : vector<256x128xf32>
    %swap3A_228 = arith.constant 1536 : index
    %swap3A_229 = arith.constant 0 : index
    %swap3A_230 = vector.load %arg25[%swap3A_228, %swap3A_229] : memref<2048x512xf32, #tpu.memory_space<vmem>>, vector<256x128xf32>
    tpu.vector_store %arg25[%swap3A_228, %swap3A_229], %add3A_227 {strides = array<i32>} : memref<2048x512xf32, #tpu.memory_space<vmem>>, vector<256x128xf32>,
    %get3A_231 = arith.constant 1792 : index
    %get3A_232 = arith.constant 0 : index
    %get3A_233 = vector.load %arg24[%get3A_231, %get3A_232] : memref<2048x512xbf16, #tpu.memory_space<vmem>>, vector<256x128xbf16>
    %dot_general3A_234 = arith.constant dense<0.000000e+00> : vector<256x256xf32>
    %dot_general3A_235 = tpu.matmul %get3A_233, %get3A_116, %dot_general3A_234 {dimension_numbers = #tpu.dot_dimension_numbers<[1], [1], [0], [0], [0, 0, 1, 0], [], []>, transpose_lhs_hint = false} : vector<256x128xbf16>, vector<256x128xbf16>, vector<256x256xf32> -> vector<256x256xf32>
    %exp3A_236 = math.exp %dot_general3A_235 : vector<256x256xf32>
    %convert_element_type3A_237 = arith.truncf %exp3A_236 : vector<256x256xf32> to vector<256x256xbf16>
    %get3A_238 = arith.constant 1792 : index
    %get3A_239 = arith.constant 0 : index
    %get3A_240 = vector.load %arg25[%get3A_238, %get3A_239] : memref<2048x512xf32, #tpu.memory_space<vmem>>, vector<256x128xf32>
    %dot_general3A_241 = arith.constant dense<0.000000e+00> : vector<256x128xf32>
    %dot_general3A_242 = tpu.matmul %convert_element_type3A_237, %get3A_119, %dot_general3A_241 {dimension_numbers = #tpu.dot_dimension_numbers<[1], [0], [0], [1], [0, 0, 1, 1], [], []>, transpose_lhs_hint = false} : vector<256x256xbf16>, vector<256x128xbf16>, vector<256x128xf32> -> vector<256x128xf32>
    %add3A_243 = arith.addf %get3A_240, %dot_general3A_242 : vector<256x128xf32>
    %swap3A_244 = arith.constant 1792 : index
    %swap3A_245 = arith.constant 0 : index
    %swap3A_246 = vector.load %arg25[%swap3A_244, %swap3A_245] : memref<2048x512xf32, #tpu.memory_space<vmem>>, vector<256x128xf32>
    tpu.vector_store %arg25[%swap3A_244, %swap3A_245], %add3A_243 {strides = array<i32>} : memref<2048x512xf32, #tpu.memory_space<vmem>>, vector<256x128xf32>,
    %get3A_247 = arith.constant 0 : index
    %get3A_248 = arith.constant 128 : index
    %get3A_249 = vector.load %arg26[%get3A_247, %get3A_248] : memref<256x512xbf16, #tpu.memory_space<vmem>>, vector<256x128xbf16>
    %get3A_250 = arith.constant 0 : index
    %get3A_251 = arith.constant 128 : index
    %get3A_252 = vector.load %arg27[%get3A_250, %get3A_251] : memref<256x512xbf16, #tpu.memory_space<vmem>>, vector<256x128xbf16>
    %get3A_253 = arith.constant 0 : index
    %get3A_254 = arith.constant 128 : index
    %get3A_255 = vector.load %arg24[%get3A_253, %get3A_254] : memref<2048x512xbf16, #tpu.memory_space<vmem>>, vector<256x128xbf16>
    %dot_general3A_256 = arith.constant dense<0.000000e+00> : vector<256x256xf32>
    %dot_general3A_257 = tpu.matmul %get3A_255, %get3A_249, %dot_general3A_256 {dimension_numbers = #tpu.dot_dimension_numbers<[1], [1], [0], [0], [0, 0, 1, 0], [], []>, transpose_lhs_hint = false} : vector<256x128xbf16>, vector<256x128xbf16>, vector<256x256xf32> -> vector<256x256xf32>
    %exp3A_258 = math.exp %dot_general3A_257 : vector<256x256xf32>
    %convert_element_type3A_259 = arith.truncf %exp3A_258 : vector<256x256xf32> to vector<256x256xbf16>
    %get3A_260 = arith.constant 0 : index
    %get3A_261 = arith.constant 128 : index
    %get3A_262 = vector.load %arg25[%get3A_260, %get3A_261] : memref<2048x512xf32, #tpu.memory_space<vmem>>, vector<256x128xf32>
    %dot_general3A_263 = arith.constant dense<0.000000e+00> : vector<256x128xf32>
    %dot_general3A_264 = tpu.matmul %convert_element_type3A_259, %get3A_252, %dot_general3A_263 {dimension_numbers = #tpu.dot_dimension_numbers<[1], [0], [0], [1], [0, 0, 1, 1], [], []>, transpose_lhs_hint = false} : vector<256x256xbf16>, vector<256x128xbf16>, vector<256x128xf32> -> vector<256x128xf32>
    %add3A_265 = arith.addf %get3A_262, %dot_general3A_264 : vector<256x128xf32>
    %swap3A_266 = arith.constant 0 : index
    %swap3A_267 = arith.constant 128 : index
    %swap3A_268 = vector.load %arg25[%swap3A_266, %swap3A_267] : memref<2048x512xf32, #tpu.memory_space<vmem>>, vector<256x128xf32>
    tpu.vector_store %arg25[%swap3A_266, %swap3A_267], %add3A_265 {strides = array<i32>} : memref<2048x512xf32, #tpu.memory_space<vmem>>, vector<256x128xf32>,
    %get3A_269 = arith.constant 256 : index
    %get3A_270 = arith.constant 128 : index
    %get3A_271 = vector.load %arg24[%get3A_269, %get3A_270] : memref<2048x512xbf16, #tpu.memory_space<vmem>>, vector<256x128xbf16>
    %dot_general3A_272 = arith.constant dense<0.000000e+00> : vector<256x256xf32>
    %dot_general3A_273 = tpu.matmul %get3A_271, %get3A_249, %dot_general3A_272 {dimension_numbers = #tpu.dot_dimension_numbers<[1], [1], [0], [0], [0, 0, 1, 0], [], []>, transpose_lhs_hint = false} : vector<256x128xbf16>, vector<256x128xbf16>, vector<256x256xf32> -> vector<256x256xf32>
    %exp3A_274 = math.exp %dot_general3A_273 : vector<256x256xf32>
    %convert_element_type3A_275 = arith.truncf %exp3A_274 : vector<256x256xf32> to vector<256x256xbf16>
    %get3A_276 = arith.constant 256 : index
    %get3A_277 = arith.constant 128 : index
    %get3A_278 = vector.load %arg25[%get3A_276, %get3A_277] : memref<2048x512xf32, #tpu.memory_space<vmem>>, vector<256x128xf32>
    %dot_general3A_279 = arith.constant dense<0.000000e+00> : vector<256x128xf32>
    %dot_general3A_280 = tpu.matmul %convert_element_type3A_275, %get3A_252, %dot_general3A_279 {dimension_numbers = #tpu.dot_dimension_numbers<[1], [0], [0], [1], [0, 0, 1, 1], [], []>, transpose_lhs_hint = false} : vector<256x256xbf16>, vector<256x128xbf16>, vector<256x128xf32> -> vector<256x128xf32>
    %add3A_281 = arith.addf %get3A_278, %dot_general3A_280 : vector<256x128xf32>
    %swap3A_282 = arith.constant 256 : index
    %swap3A_283 = arith.constant 128 : index
    %swap3A_284 = vector.load %arg25[%swap3A_282, %swap3A_283] : memref<2048x512xf32, #tpu.memory_space<vmem>>, vector<256x128xf32>
    tpu.vector_store %arg25[%swap3A_282, %swap3A_283], %add3A_281 {strides = array<i32>} : memref<2048x512xf32, #tpu.memory_space<vmem>>, vector<256x128xf32>,
    %get3A_285 = arith.constant 512 : index
    %get3A_286 = arith.constant 128 : index
    %get3A_287 = vector.load %arg24[%get3A_285, %get3A_286] : memref<2048x512xbf16, #tpu.memory_space<vmem>>, vector<256x128xbf16>
    %dot_general3A_288 = arith.constant dense<0.000000e+00> : vector<256x256xf32>
    %dot_general3A_289 = tpu.matmul %get3A_287, %get3A_249, %dot_general3A_288 {dimension_numbers = #tpu.dot_dimension_numbers<[1], [1], [0], [0], [0, 0, 1, 0], [], []>, transpose_lhs_hint = false} : vector<256x128xbf16>, vector<256x128xbf16>, vector<256x256xf32> -> vector<256x256xf32>
    %exp3A_290 = math.exp %dot_general3A_289 : vector<256x256xf32>
    %convert_element_type3A_291 = arith.truncf %exp3A_290 : vector<256x256xf32> to vector<256x256xbf16>
    %get3A_292 = arith.constant 512 : index
    %get3A_293 = arith.constant 128 : index
    %get3A_294 = vector.load %arg25[%get3A_292, %get3A_293] : memref<2048x512xf32, #tpu.memory_space<vmem>>, vector<256x128xf32>
    %dot_general3A_295 = arith.constant dense<0.000000e+00> : vector<256x128xf32>
    %dot_general3A_296 = tpu.matmul %convert_element_type3A_291, %get3A_252, %dot_general3A_295 {dimension_numbers = #tpu.dot_dimension_numbers<[1], [0], [0], [1], [0, 0, 1, 1], [], []>, transpose_lhs_hint = false} : vector<256x256xbf16>, vector<256x128xbf16>, vector<256x128xf32> -> vector<256x128xf32>
    %add3A_297 = arith.addf %get3A_294, %dot_general3A_296 : vector<256x128xf32>
    %swap3A_298 = arith.constant 512 : index
    %swap3A_299 = arith.constant 128 : index
    %swap3A_300 = vector.load %arg25[%swap3A_298, %swap3A_299] : memref<2048x512xf32, #tpu.memory_space<vmem>>, vector<256x128xf32>
    tpu.vector_store %arg25[%swap3A_298, %swap3A_299], %add3A_297 {strides = array<i32>} : memref<2048x512xf32, #tpu.memory_space<vmem>>, vector<256x128xf32>,
    %get3A_301 = arith.constant 768 : index
    %get3A_302 = arith.constant 128 : index
    %get3A_303 = vector.load %arg24[%get3A_301, %get3A_302] : memref<2048x512xbf16, #tpu.memory_space<vmem>>, vector<256x128xbf16>
    %dot_general3A_304 = arith.constant dense<0.000000e+00> : vector<256x256xf32>
    %dot_general3A_305 = tpu.matmul %get3A_303, %get3A_249, %dot_general3A_304 {dimension_numbers = #tpu.dot_dimension_numbers<[1], [1], [0], [0], [0, 0, 1, 0], [], []>, transpose_lhs_hint = false} : vector<256x128xbf16>, vector<256x128xbf16>, vector<256x256xf32> -> vector<256x256xf32>
    %exp3A_306 = math.exp %dot_general3A_305 : vector<256x256xf32>
    %convert_element_type3A_307 = arith.truncf %exp3A_306 : vector<256x256xf32> to vector<256x256xbf16>
    %get3A_308 = arith.constant 768 : index
    %get3A_309 = arith.constant 128 : index
    %get3A_310 = vector.load %arg25[%get3A_308, %get3A_309] : memref<2048x512xf32, #tpu.memory_space<vmem>>, vector<256x128xf32>
    %dot_general3A_311 = arith.constant dense<0.000000e+00> : vector<256x128xf32>
    %dot_general3A_312 = tpu.matmul %convert_element_type3A_307, %get3A_252, %dot_general3A_311 {dimension_numbers = #tpu.dot_dimension_numbers<[1], [0], [0], [1], [0, 0, 1, 1], [], []>, transpose_lhs_hint = false} : vector<256x256xbf16>, vector<256x128xbf16>, vector<256x128xf32> -> vector<256x128xf32>
    %add3A_313 = arith.addf %get3A_310, %dot_general3A_312 : vector<256x128xf32>
    %swap3A_314 = arith.constant 768 : index
    %swap3A_315 = arith.constant 128 : index
    %swap3A_316 = vector.load %arg25[%swap3A_314, %swap3A_315] : memref<2048x512xf32, #tpu.memory_space<vmem>>, vector<256x128xf32>
    tpu.vector_store %arg25[%swap3A_314, %swap3A_315], %add3A_313 {strides = array<i32>} : memref<2048x512xf32, #tpu.memory_space<vmem>>, vector<256x128xf32>,
    %get3A_317 = arith.constant 1024 : index
    %get3A_318 = arith.constant 128 : index
    %get3A_319 = vector.load %arg24[%get3A_317, %get3A_318] : memref<2048x512xbf16, #tpu.memory_space<vmem>>, vector<256x128xbf16>
    %dot_general3A_320 = arith.constant dense<0.000000e+00> : vector<256x256xf32>
    %dot_general3A_321 = tpu.matmul %get3A_319, %get3A_249, %dot_general3A_320 {dimension_numbers = #tpu.dot_dimension_numbers<[1], [1], [0], [0], [0, 0, 1, 0], [], []>, transpose_lhs_hint = false} : vector<256x128xbf16>, vector<256x128xbf16>, vector<256x256xf32> -> vector<256x256xf32>
    %exp3A_322 = math.exp %dot_general3A_321 : vector<256x256xf32>
    %convert_element_type3A_323 = arith.truncf %exp3A_322 : vector<256x256xf32> to vector<256x256xbf16>
    %get3A_324 = arith.constant 1024 : index
    %get3A_325 = arith.constant 128 : index
    %get3A_326 = vector.load %arg25[%get3A_324, %get3A_325] : memref<2048x512xf32, #tpu.memory_space<vmem>>, vector<256x128xf32>
    %dot_general3A_327 = arith.constant dense<0.000000e+00> : vector<256x128xf32>
    %dot_general3A_328 = tpu.matmul %convert_element_type3A_323, %get3A_252, %dot_general3A_327 {dimension_numbers = #tpu.dot_dimension_numbers<[1], [0], [0], [1], [0, 0, 1, 1], [], []>, transpose_lhs_hint = false} : vector<256x256xbf16>, vector<256x128xbf16>, vector<256x128xf32> -> vector<256x128xf32>
    %add3A_329 = arith.addf %get3A_326, %dot_general3A_328 : vector<256x128xf32>
    %swap3A_330 = arith.constant 1024 : index
    %swap3A_331 = arith.constant 128 : index
    %swap3A_332 = vector.load %arg25[%swap3A_330, %swap3A_331] : memref<2048x512xf32, #tpu.memory_space<vmem>>, vector<256x128xf32>
    tpu.vector_store %arg25[%swap3A_330, %swap3A_331], %add3A_329 {strides = array<i32>} : memref<2048x512xf32, #tpu.memory_space<vmem>>, vector<256x128xf32>,
    %get3A_333 = arith.constant 1280 : index
    %get3A_334 = arith.constant 128 : index
    %get3A_335 = vector.load %arg24[%get3A_333, %get3A_334] : memref<2048x512xbf16, #tpu.memory_space<vmem>>, vector<256x128xbf16>
    %dot_general3A_336 = arith.constant dense<0.000000e+00> : vector<256x256xf32>
    %dot_general3A_337 = tpu.matmul %get3A_335, %get3A_249, %dot_general3A_336 {dimension_numbers = #tpu.dot_dimension_numbers<[1], [1], [0], [0], [0, 0, 1, 0], [], []>, transpose_lhs_hint = false} : vector<256x128xbf16>, vector<256x128xbf16>, vector<256x256xf32> -> vector<256x256xf32>
    %exp3A_338 = math.exp %dot_general3A_337 : vector<256x256xf32>
    %convert_element_type3A_339 = arith.truncf %exp3A_338 : vector<256x256xf32> to vector<256x256xbf16>
    %get3A_340 = arith.constant 1280 : index
    %get3A_341 = arith.constant 128 : index
    %get3A_342 = vector.load %arg25[%get3A_340, %get3A_341] : memref<2048x512xf32, #tpu.memory_space<vmem>>, vector<256x128xf32>
    %dot_general3A_343 = arith.constant dense<0.000000e+00> : vector<256x128xf32>
    %dot_general3A_344 = tpu.matmul %convert_element_type3A_339, %get3A_252, %dot_general3A_343 {dimension_numbers = #tpu.dot_dimension_numbers<[1], [0], [0], [1], [0, 0, 1, 1], [], []>, transpose_lhs_hint = false} : vector<256x256xbf16>, vector<256x128xbf16>, vector<256x128xf32> -> vector<256x128xf32>
    %add3A_345 = arith.addf %get3A_342, %dot_general3A_344 : vector<256x128xf32>
    %swap3A_346 = arith.constant 1280 : index
    %swap3A_347 = arith.constant 128 : index
    %swap3A_348 = vector.load %arg25[%swap3A_346, %swap3A_347] : memref<2048x512xf32, #tpu.memory_space<vmem>>, vector<256x128xf32>
    tpu.vector_store %arg25[%swap3A_346, %swap3A_347], %add3A_345 {strides = array<i32>} : memref<2048x512xf32, #tpu.memory_space<vmem>>, vector<256x128xf32>,
    %get3A_349 = arith.constant 1536 : index
    %get3A_350 = arith.constant 128 : index
    %get3A_351 = vector.load %arg24[%get3A_349, %get3A_350] : memref<2048x512xbf16, #tpu.memory_space<vmem>>, vector<256x128xbf16>
    %dot_general3A_352 = arith.constant dense<0.000000e+00> : vector<256x256xf32>
    %dot_general3A_353 = tpu.matmul %get3A_351, %get3A_249, %dot_general3A_352 {dimension_numbers = #tpu.dot_dimension_numbers<[1], [1], [0], [0], [0, 0, 1, 0], [], []>, transpose_lhs_hint = false} : vector<256x128xbf16>, vector<256x128xbf16>, vector<256x256xf32> -> vector<256x256xf32>
    %exp3A_354 = math.exp %dot_general3A_353 : vector<256x256xf32>
    %convert_element_type3A_355 = arith.truncf %exp3A_354 : vector<256x256xf32> to vector<256x256xbf16>
    %get3A_356 = arith.constant 1536 : index
    %get3A_357 = arith.constant 128 : index
    %get3A_358 = vector.load %arg25[%get3A_356, %get3A_357] : memref<2048x512xf32, #tpu.memory_space<vmem>>, vector<256x128xf32>
    %dot_general3A_359 = arith.constant dense<0.000000e+00> : vector<256x128xf32>
    %dot_general3A_360 = tpu.matmul %convert_element_type3A_355, %get3A_252, %dot_general3A_359 {dimension_numbers = #tpu.dot_dimension_numbers<[1], [0], [0], [1], [0, 0, 1, 1], [], []>, transpose_lhs_hint = false} : vector<256x256xbf16>, vector<256x128xbf16>, vector<256x128xf32> -> vector<256x128xf32>
    %add3A_361 = arith.addf %get3A_358, %dot_general3A_360 : vector<256x128xf32>
    %swap3A_362 = arith.constant 1536 : index
    %swap3A_363 = arith.constant 128 : index
    %swap3A_364 = vector.load %arg25[%swap3A_362, %swap3A_363] : memref<2048x512xf32, #tpu.memory_space<vmem>>, vector<256x128xf32>
    tpu.vector_store %arg25[%swap3A_362, %swap3A_363], %add3A_361 {strides = array<i32>} : memref<2048x512xf32, #tpu.memory_space<vmem>>, vector<256x128xf32>,
    %get3A_365 = arith.constant 1792 : index
    %get3A_366 = arith.constant 128 : index
    %get3A_367 = vector.load %arg24[%get3A_365, %get3A_366] : memref<2048x512xbf16, #tpu.memory_space<vmem>>, vector<256x128xbf16>
    %dot_general3A_368 = arith.constant dense<0.000000e+00> : vector<256x256xf32>
    %dot_general3A_369 = tpu.matmul %get3A_367, %get3A_249, %dot_general3A_368 {dimension_numbers = #tpu.dot_dimension_numbers<[1], [1], [0], [0], [0, 0, 1, 0], [], []>, transpose_lhs_hint = false} : vector<256x128xbf16>, vector<256x128xbf16>, vector<256x256xf32> -> vector<256x256xf32>
    %exp3A_370 = math.exp %dot_general3A_369 : vector<256x256xf32>
    %convert_element_type3A_371 = arith.truncf %exp3A_370 : vector<256x256xf32> to vector<256x256xbf16>
    %get3A_372 = arith.constant 1792 : index
    %get3A_373 = arith.constant 128 : index
    %get3A_374 = vector.load %arg25[%get3A_372, %get3A_373] : memref<2048x512xf32, #tpu.memory_space<vmem>>, vector<256x128xf32>
    %dot_general3A_375 = arith.constant dense<0.000000e+00> : vector<256x128xf32>
    %dot_general3A_376 = tpu.matmul %convert_element_type3A_371, %get3A_252, %dot_general3A_375 {dimension_numbers = #tpu.dot_dimension_numbers<[1], [0], [0], [1], [0, 0, 1, 1], [], []>, transpose_lhs_hint = false} : vector<256x256xbf16>, vector<256x128xbf16>, vector<256x128xf32> -> vector<256x128xf32>
    %add3A_377 = arith.addf %get3A_374, %dot_general3A_376 : vector<256x128xf32>
    %swap3A_378 = arith.constant 1792 : index
    %swap3A_379 = arith.constant 128 : index
    %swap3A_380 = vector.load %arg25[%swap3A_378, %swap3A_379] : memref<2048x512xf32, #tpu.memory_space<vmem>>, vector<256x128xf32>
    tpu.vector_store %arg25[%swap3A_378, %swap3A_379], %add3A_377 {strides = array<i32>} : memref<2048x512xf32, #tpu.memory_space<vmem>>, vector<256x128xf32>,
    %get3A_381 = arith.constant 0 : index
    %get3A_382 = arith.constant 256 : index
    %get3A_383 = vector.load %arg26[%get3A_381, %get3A_382] : memref<256x512xbf16, #tpu.memory_space<vmem>>, vector<256x128xbf16>
    %get3A_384 = arith.constant 0 : index
    %get3A_385 = arith.constant 256 : index
    %get3A_386 = vector.load %arg27[%get3A_384, %get3A_385] : memref<256x512xbf16, #tpu.memory_space<vmem>>, vector<256x128xbf16>
    %get3A_387 = arith.constant 0 : index
    %get3A_388 = arith.constant 256 : index
    %get3A_389 = vector.load %arg24[%get3A_387, %get3A_388] : memref<2048x512xbf16, #tpu.memory_space<vmem>>, vector<256x128xbf16>
    %dot_general3A_390 = arith.constant dense<0.000000e+00> : vector<256x256xf32>
    %dot_general3A_391 = tpu.matmul %get3A_389, %get3A_383, %dot_general3A_390 {dimension_numbers = #tpu.dot_dimension_numbers<[1], [1], [0], [0], [0, 0, 1, 0], [], []>, transpose_lhs_hint = false} : vector<256x128xbf16>, vector<256x128xbf16>, vector<256x256xf32> -> vector<256x256xf32>
    %exp3A_392 = math.exp %dot_general3A_391 : vector<256x256xf32>
    %convert_element_type3A_393 = arith.truncf %exp3A_392 : vector<256x256xf32> to vector<256x256xbf16>
    %get3A_394 = arith.constant 0 : index
    %get3A_395 = arith.constant 256 : index
    %get3A_396 = vector.load %arg25[%get3A_394, %get3A_395] : memref<2048x512xf32, #tpu.memory_space<vmem>>, vector<256x128xf32>
    %dot_general3A_397 = arith.constant dense<0.000000e+00> : vector<256x128xf32>
    %dot_general3A_398 = tpu.matmul %convert_element_type3A_393, %get3A_386, %dot_general3A_397 {dimension_numbers = #tpu.dot_dimension_numbers<[1], [0], [0], [1], [0, 0, 1, 1], [], []>, transpose_lhs_hint = false} : vector<256x256xbf16>, vector<256x128xbf16>, vector<256x128xf32> -> vector<256x128xf32>
    %add3A_399 = arith.addf %get3A_396, %dot_general3A_398 : vector<256x128xf32>
    %swap3A_400 = arith.constant 0 : index
    %swap3A_401 = arith.constant 256 : index
    %swap3A_402 = vector.load %arg25[%swap3A_400, %swap3A_401] : memref<2048x512xf32, #tpu.memory_space<vmem>>, vector<256x128xf32>
    tpu.vector_store %arg25[%swap3A_400, %swap3A_401], %add3A_399 {strides = array<i32>} : memref<2048x512xf32, #tpu.memory_space<vmem>>, vector<256x128xf32>,
    %get3A_403 = arith.constant 256 : index
    %get3A_404 = arith.constant 256 : index
    %get3A_405 = vector.load %arg24[%get3A_403, %get3A_404] : memref<2048x512xbf16, #tpu.memory_space<vmem>>, vector<256x128xbf16>
    %dot_general3A_406 = arith.constant dense<0.000000e+00> : vector<256x256xf32>
    %dot_general3A_407 = tpu.matmul %get3A_405, %get3A_383, %dot_general3A_406 {dimension_numbers = #tpu.dot_dimension_numbers<[1], [1], [0], [0], [0, 0, 1, 0], [], []>, transpose_lhs_hint = false} : vector<256x128xbf16>, vector<256x128xbf16>, vector<256x256xf32> -> vector<256x256xf32>
    %exp3A_408 = math.exp %dot_general3A_407 : vector<256x256xf32>
    %convert_element_type3A_409 = arith.truncf %exp3A_408 : vector<256x256xf32> to vector<256x256xbf16>
    %get3A_410 = arith.constant 256 : index
    %get3A_411 = arith.constant 256 : index
    %get3A_412 = vector.load %arg25[%get3A_410, %get3A_411] : memref<2048x512xf32, #tpu.memory_space<vmem>>, vector<256x128xf32>
    %dot_general3A_413 = arith.constant dense<0.000000e+00> : vector<256x128xf32>
    %dot_general3A_414 = tpu.matmul %convert_element_type3A_409, %get3A_386, %dot_general3A_413 {dimension_numbers = #tpu.dot_dimension_numbers<[1], [0], [0], [1], [0, 0, 1, 1], [], []>, transpose_lhs_hint = false} : vector<256x256xbf16>, vector<256x128xbf16>, vector<256x128xf32> -> vector<256x128xf32>
    %add3A_415 = arith.addf %get3A_412, %dot_general3A_414 : vector<256x128xf32>
    %swap3A_416 = arith.constant 256 : index
    %swap3A_417 = arith.constant 256 : index
    %swap3A_418 = vector.load %arg25[%swap3A_416, %swap3A_417] : memref<2048x512xf32, #tpu.memory_space<vmem>>, vector<256x128xf32>
    tpu.vector_store %arg25[%swap3A_416, %swap3A_417], %add3A_415 {strides = array<i32>} : memref<2048x512xf32, #tpu.memory_space<vmem>>, vector<256x128xf32>,
    %get3A_419 = arith.constant 512 : index
    %get3A_420 = arith.constant 256 : index
    %get3A_421 = vector.load %arg24[%get3A_419, %get3A_420] : memref<2048x512xbf16, #tpu.memory_space<vmem>>, vector<256x128xbf16>
    %dot_general3A_422 = arith.constant dense<0.000000e+00> : vector<256x256xf32>
    %dot_general3A_423 = tpu.matmul %get3A_421, %get3A_383, %dot_general3A_422 {dimension_numbers = #tpu.dot_dimension_numbers<[1], [1], [0], [0], [0, 0, 1, 0], [], []>, transpose_lhs_hint = false} : vector<256x128xbf16>, vector<256x128xbf16>, vector<256x256xf32> -> vector<256x256xf32>
    %exp3A_424 = math.exp %dot_general3A_423 : vector<256x256xf32>
    %convert_element_type3A_425 = arith.truncf %exp3A_424 : vector<256x256xf32> to vector<256x256xbf16>
    %get3A_426 = arith.constant 512 : index
    %get3A_427 = arith.constant 256 : index
    %get3A_428 = vector.load %arg25[%get3A_426, %get3A_427] : memref<2048x512xf32, #tpu.memory_space<vmem>>, vector<256x128xf32>
    %dot_general3A_429 = arith.constant dense<0.000000e+00> : vector<256x128xf32>
    %dot_general3A_430 = tpu.matmul %convert_element_type3A_425, %get3A_386, %dot_general3A_429 {dimension_numbers = #tpu.dot_dimension_numbers<[1], [0], [0], [1], [0, 0, 1, 1], [], []>, transpose_lhs_hint = false} : vector<256x256xbf16>, vector<256x128xbf16>, vector<256x128xf32> -> vector<256x128xf32>
    %add3A_431 = arith.addf %get3A_428, %dot_general3A_430 : vector<256x128xf32>
    %swap3A_432 = arith.constant 512 : index
    %swap3A_433 = arith.constant 256 : index
    %swap3A_434 = vector.load %arg25[%swap3A_432, %swap3A_433] : memref<2048x512xf32, #tpu.memory_space<vmem>>, vector<256x128xf32>
    tpu.vector_store %arg25[%swap3A_432, %swap3A_433], %add3A_431 {strides = array<i32>} : memref<2048x512xf32, #tpu.memory_space<vmem>>, vector<256x128xf32>,
    %get3A_435 = arith.constant 768 : index
    %get3A_436 = arith.constant 256 : index
    %get3A_437 = vector.load %arg24[%get3A_435, %get3A_436] : memref<2048x512xbf16, #tpu.memory_space<vmem>>, vector<256x128xbf16>
    %dot_general3A_438 = arith.constant dense<0.000000e+00> : vector<256x256xf32>
    %dot_general3A_439 = tpu.matmul %get3A_437, %get3A_383, %dot_general3A_438 {dimension_numbers = #tpu.dot_dimension_numbers<[1], [1], [0], [0], [0, 0, 1, 0], [], []>, transpose_lhs_hint = false} : vector<256x128xbf16>, vector<256x128xbf16>, vector<256x256xf32> -> vector<256x256xf32>
    %exp3A_440 = math.exp %dot_general3A_439 : vector<256x256xf32>
    %convert_element_type3A_441 = arith.truncf %exp3A_440 : vector<256x256xf32> to vector<256x256xbf16>
    %get3A_442 = arith.constant 768 : index
    %get3A_443 = arith.constant 256 : index
    %get3A_444 = vector.load %arg25[%get3A_442, %get3A_443] : memref<2048x512xf32, #tpu.memory_space<vmem>>, vector<256x128xf32>
    %dot_general3A_445 = arith.constant dense<0.000000e+00> : vector<256x128xf32>
    %dot_general3A_446 = tpu.matmul %convert_element_type3A_441, %get3A_386, %dot_general3A_445 {dimension_numbers = #tpu.dot_dimension_numbers<[1], [0], [0], [1], [0, 0, 1, 1], [], []>, transpose_lhs_hint = false} : vector<256x256xbf16>, vector<256x128xbf16>, vector<256x128xf32> -> vector<256x128xf32>
    %add3A_447 = arith.addf %get3A_444, %dot_general3A_446 : vector<256x128xf32>
    %swap3A_448 = arith.constant 768 : index
    %swap3A_449 = arith.constant 256 : index
    %swap3A_450 = vector.load %arg25[%swap3A_448, %swap3A_449] : memref<2048x512xf32, #tpu.memory_space<vmem>>, vector<256x128xf32>
    tpu.vector_store %arg25[%swap3A_448, %swap3A_449], %add3A_447 {strides = array<i32>} : memref<2048x512xf32, #tpu.memory_space<vmem>>, vector<256x128xf32>,
    %get3A_451 = arith.constant 1024 : index
    %get3A_452 = arith.constant 256 : index
    %get3A_453 = vector.load %arg24[%get3A_451, %get3A_452] : memref<2048x512xbf16, #tpu.memory_space<vmem>>, vector<256x128xbf16>
    %dot_general3A_454 = arith.constant dense<0.000000e+00> : vector<256x256xf32>
    %dot_general3A_455 = tpu.matmul %get3A_453, %get3A_383, %dot_general3A_454 {dimension_numbers = #tpu.dot_dimension_numbers<[1], [1], [0], [0], [0, 0, 1, 0], [], []>, transpose_lhs_hint = false} : vector<256x128xbf16>, vector<256x128xbf16>, vector<256x256xf32> -> vector<256x256xf32>
    %exp3A_456 = math.exp %dot_general3A_455 : vector<256x256xf32>
    %convert_element_type3A_457 = arith.truncf %exp3A_456 : vector<256x256xf32> to vector<256x256xbf16>
    %get3A_458 = arith.constant 1024 : index
    %get3A_459 = arith.constant 256 : index
    %get3A_460 = vector.load %arg25[%get3A_458, %get3A_459] : memref<2048x512xf32, #tpu.memory_space<vmem>>, vector<256x128xf32>
    %dot_general3A_461 = arith.constant dense<0.000000e+00> : vector<256x128xf32>
    %dot_general3A_462 = tpu.matmul %convert_element_type3A_457, %get3A_386, %dot_general3A_461 {dimension_numbers = #tpu.dot_dimension_numbers<[1], [0], [0], [1], [0, 0, 1, 1], [], []>, transpose_lhs_hint = false} : vector<256x256xbf16>, vector<256x128xbf16>, vector<256x128xf32> -> vector<256x128xf32>
    %add3A_463 = arith.addf %get3A_460, %dot_general3A_462 : vector<256x128xf32>
    %swap3A_464 = arith.constant 1024 : index
    %swap3A_465 = arith.constant 256 : index
    %swap3A_466 = vector.load %arg25[%swap3A_464, %swap3A_465] : memref<2048x512xf32, #tpu.memory_space<vmem>>, vector<256x128xf32>
    tpu.vector_store %arg25[%swap3A_464, %swap3A_465], %add3A_463 {strides = array<i32>} : memref<2048x512xf32, #tpu.memory_space<vmem>>, vector<256x128xf32>,
    %get3A_467 = arith.constant 1280 : index
    %get3A_468 = arith.constant 256 : index
    %get3A_469 = vector.load %arg24[%get3A_467, %get3A_468] : memref<2048x512xbf16, #tpu.memory_space<vmem>>, vector<256x128xbf16>
    %dot_general3A_470 = arith.constant dense<0.000000e+00> : vector<256x256xf32>
    %dot_general3A_471 = tpu.matmul %get3A_469, %get3A_383, %dot_general3A_470 {dimension_numbers = #tpu.dot_dimension_numbers<[1], [1], [0], [0], [0, 0, 1, 0], [], []>, transpose_lhs_hint = false} : vector<256x128xbf16>, vector<256x128xbf16>, vector<256x256xf32> -> vector<256x256xf32>
    %exp3A_472 = math.exp %dot_general3A_471 : vector<256x256xf32>
    %convert_element_type3A_473 = arith.truncf %exp3A_472 : vector<256x256xf32> to vector<256x256xbf16>
    %get3A_474 = arith.constant 1280 : index
    %get3A_475 = arith.constant 256 : index
    %get3A_476 = vector.load %arg25[%get3A_474, %get3A_475] : memref<2048x512xf32, #tpu.memory_space<vmem>>, vector<256x128xf32>
    %dot_general3A_477 = arith.constant dense<0.000000e+00> : vector<256x128xf32>
    %dot_general3A_478 = tpu.matmul %convert_element_type3A_473, %get3A_386, %dot_general3A_477 {dimension_numbers = #tpu.dot_dimension_numbers<[1], [0], [0], [1], [0, 0, 1, 1], [], []>, transpose_lhs_hint = false} : vector<256x256xbf16>, vector<256x128xbf16>, vector<256x128xf32> -> vector<256x128xf32>
    %add3A_479 = arith.addf %get3A_476, %dot_general3A_478 : vector<256x128xf32>
    %swap3A_480 = arith.constant 1280 : index
    %swap3A_481 = arith.constant 256 : index
    %swap3A_482 = vector.load %arg25[%swap3A_480, %swap3A_481] : memref<2048x512xf32, #tpu.memory_space<vmem>>, vector<256x128xf32>
    tpu.vector_store %arg25[%swap3A_480, %swap3A_481], %add3A_479 {strides = array<i32>} : memref<2048x512xf32, #tpu.memory_space<vmem>>, vector<256x128xf32>,
    %get3A_483 = arith.constant 1536 : index
    %get3A_484 = arith.constant 256 : index
    %get3A_485 = vector.load %arg24[%get3A_483, %get3A_484] : memref<2048x512xbf16, #tpu.memory_space<vmem>>, vector<256x128xbf16>
    %dot_general3A_486 = arith.constant dense<0.000000e+00> : vector<256x256xf32>
    %dot_general3A_487 = tpu.matmul %get3A_485, %get3A_383, %dot_general3A_486 {dimension_numbers = #tpu.dot_dimension_numbers<[1], [1], [0], [0], [0, 0, 1, 0], [], []>, transpose_lhs_hint = false} : vector<256x128xbf16>, vector<256x128xbf16>, vector<256x256xf32> -> vector<256x256xf32>
    %exp3A_488 = math.exp %dot_general3A_487 : vector<256x256xf32>
    %convert_element_type3A_489 = arith.truncf %exp3A_488 : vector<256x256xf32> to vector<256x256xbf16>
    %get3A_490 = arith.constant 1536 : index
    %get3A_491 = arith.constant 256 : index
    %get3A_492 = vector.load %arg25[%get3A_490, %get3A_491] : memref<2048x512xf32, #tpu.memory_space<vmem>>, vector<256x128xf32>
    %dot_general3A_493 = arith.constant dense<0.000000e+00> : vector<256x128xf32>
    %dot_general3A_494 = tpu.matmul %convert_element_type3A_489, %get3A_386, %dot_general3A_493 {dimension_numbers = #tpu.dot_dimension_numbers<[1], [0], [0], [1], [0, 0, 1, 1], [], []>, transpose_lhs_hint = false} : vector<256x256xbf16>, vector<256x128xbf16>, vector<256x128xf32> -> vector<256x128xf32>
    %add3A_495 = arith.addf %get3A_492, %dot_general3A_494 : vector<256x128xf32>
    %swap3A_496 = arith.constant 1536 : index
    %swap3A_497 = arith.constant 256 : index
    %swap3A_498 = vector.load %arg25[%swap3A_496, %swap3A_497] : memref<2048x512xf32, #tpu.memory_space<vmem>>, vector<256x128xf32>
    tpu.vector_store %arg25[%swap3A_496, %swap3A_497], %add3A_495 {strides = array<i32>} : memref<2048x512xf32, #tpu.memory_space<vmem>>, vector<256x128xf32>,
    %get3A_499 = arith.constant 1792 : index
    %get3A_500 = arith.constant 256 : index
    %get3A_501 = vector.load %arg24[%get3A_499, %get3A_500] : memref<2048x512xbf16, #tpu.memory_space<vmem>>, vector<256x128xbf16>
    %dot_general3A_502 = arith.constant dense<0.000000e+00> : vector<256x256xf32>
    %dot_general3A_503 = tpu.matmul %get3A_501, %get3A_383, %dot_general3A_502 {dimension_numbers = #tpu.dot_dimension_numbers<[1], [1], [0], [0], [0, 0, 1, 0], [], []>, transpose_lhs_hint = false} : vector<256x128xbf16>, vector<256x128xbf16>, vector<256x256xf32> -> vector<256x256xf32>
    %exp3A_504 = math.exp %dot_general3A_503 : vector<256x256xf32>
    %convert_element_type3A_505 = arith.truncf %exp3A_504 : vector<256x256xf32> to vector<256x256xbf16>
    %get3A_506 = arith.constant 1792 : index
    %get3A_507 = arith.constant 256 : index
    %get3A_508 = vector.load %arg25[%get3A_506, %get3A_507] : memref<2048x512xf32, #tpu.memory_space<vmem>>, vector<256x128xf32>
    %dot_general3A_509 = arith.constant dense<0.000000e+00> : vector<256x128xf32>
    %dot_general3A_510 = tpu.matmul %convert_element_type3A_505, %get3A_386, %dot_general3A_509 {dimension_numbers = #tpu.dot_dimension_numbers<[1], [0], [0], [1], [0, 0, 1, 1], [], []>, transpose_lhs_hint = false} : vector<256x256xbf16>, vector<256x128xbf16>, vector<256x128xf32> -> vector<256x128xf32>
    %add3A_511 = arith.addf %get3A_508, %dot_general3A_510 : vector<256x128xf32>
    %swap3A_512 = arith.constant 1792 : index
    %swap3A_513 = arith.constant 256 : index
    %swap3A_514 = vector.load %arg25[%swap3A_512, %swap3A_513] : memref<2048x512xf32, #tpu.memory_space<vmem>>, vector<256x128xf32>
    tpu.vector_store %arg25[%swap3A_512, %swap3A_513], %add3A_511 {strides = array<i32>} : memref<2048x512xf32, #tpu.memory_space<vmem>>, vector<256x128xf32>,
    %get3A_515 = arith.constant 0 : index
    %get3A_516 = arith.constant 384 : index
    %get3A_517 = vector.load %arg26[%get3A_515, %get3A_516] : memref<256x512xbf16, #tpu.memory_space<vmem>>, vector<256x128xbf16>
    %get3A_518 = arith.constant 0 : index
    %get3A_519 = arith.constant 384 : index
    %get3A_520 = vector.load %arg27[%get3A_518, %get3A_519] : memref<256x512xbf16, #tpu.memory_space<vmem>>, vector<256x128xbf16>
    %get3A_521 = arith.constant 0 : index
    %get3A_522 = arith.constant 384 : index
    %get3A_523 = vector.load %arg24[%get3A_521, %get3A_522] : memref<2048x512xbf16, #tpu.memory_space<vmem>>, vector<256x128xbf16>
    %dot_general3A_524 = arith.constant dense<0.000000e+00> : vector<256x256xf32>
    %dot_general3A_525 = tpu.matmul %get3A_523, %get3A_517, %dot_general3A_524 {dimension_numbers = #tpu.dot_dimension_numbers<[1], [1], [0], [0], [0, 0, 1, 0], [], []>, transpose_lhs_hint = false} : vector<256x128xbf16>, vector<256x128xbf16>, vector<256x256xf32> -> vector<256x256xf32>
    %exp3A_526 = math.exp %dot_general3A_525 : vector<256x256xf32>
    %convert_element_type3A_527 = arith.truncf %exp3A_526 : vector<256x256xf32> to vector<256x256xbf16>
    %get3A_528 = arith.constant 0 : index
    %get3A_529 = arith.constant 384 : index
    %get3A_530 = vector.load %arg25[%get3A_528, %get3A_529] : memref<2048x512xf32, #tpu.memory_space<vmem>>, vector<256x128xf32>
    %dot_general3A_531 = arith.constant dense<0.000000e+00> : vector<256x128xf32>
    %dot_general3A_532 = tpu.matmul %convert_element_type3A_527, %get3A_520, %dot_general3A_531 {dimension_numbers = #tpu.dot_dimension_numbers<[1], [0], [0], [1], [0, 0, 1, 1], [], []>, transpose_lhs_hint = false} : vector<256x256xbf16>, vector<256x128xbf16>, vector<256x128xf32> -> vector<256x128xf32>
    %add3A_533 = arith.addf %get3A_530, %dot_general3A_532 : vector<256x128xf32>
    %swap3A_534 = arith.constant 0 : index
    %swap3A_535 = arith.constant 384 : index
    %swap3A_536 = vector.load %arg25[%swap3A_534, %swap3A_535] : memref<2048x512xf32, #tpu.memory_space<vmem>>, vector<256x128xf32>
    tpu.vector_store %arg25[%swap3A_534, %swap3A_535], %add3A_533 {strides = array<i32>} : memref<2048x512xf32, #tpu.memory_space<vmem>>, vector<256x128xf32>,
    %get3A_537 = arith.constant 256 : index
    %get3A_538 = arith.constant 384 : index
    %get3A_539 = vector.load %arg24[%get3A_537, %get3A_538] : memref<2048x512xbf16, #tpu.memory_space<vmem>>, vector<256x128xbf16>
    %dot_general3A_540 = arith.constant dense<0.000000e+00> : vector<256x256xf32>
    %dot_general3A_541 = tpu.matmul %get3A_539, %get3A_517, %dot_general3A_540 {dimension_numbers = #tpu.dot_dimension_numbers<[1], [1], [0], [0], [0, 0, 1, 0], [], []>, transpose_lhs_hint = false} : vector<256x128xbf16>, vector<256x128xbf16>, vector<256x256xf32> -> vector<256x256xf32>
    %exp3A_542 = math.exp %dot_general3A_541 : vector<256x256xf32>
    %convert_element_type3A_543 = arith.truncf %exp3A_542 : vector<256x256xf32> to vector<256x256xbf16>
    %get3A_544 = arith.constant 256 : index
    %get3A_545 = arith.constant 384 : index
    %get3A_546 = vector.load %arg25[%get3A_544, %get3A_545] : memref<2048x512xf32, #tpu.memory_space<vmem>>, vector<256x128xf32>
    %dot_general3A_547 = arith.constant dense<0.000000e+00> : vector<256x128xf32>
    %dot_general3A_548 = tpu.matmul %convert_element_type3A_543, %get3A_520, %dot_general3A_547 {dimension_numbers = #tpu.dot_dimension_numbers<[1], [0], [0], [1], [0, 0, 1, 1], [], []>, transpose_lhs_hint = false} : vector<256x256xbf16>, vector<256x128xbf16>, vector<256x128xf32> -> vector<256x128xf32>
    %add3A_549 = arith.addf %get3A_546, %dot_general3A_548 : vector<256x128xf32>
    %swap3A_550 = arith.constant 256 : index
    %swap3A_551 = arith.constant 384 : index
    %swap3A_552 = vector.load %arg25[%swap3A_550, %swap3A_551] : memref<2048x512xf32, #tpu.memory_space<vmem>>, vector<256x128xf32>
    tpu.vector_store %arg25[%swap3A_550, %swap3A_551], %add3A_549 {strides = array<i32>} : memref<2048x512xf32, #tpu.memory_space<vmem>>, vector<256x128xf32>,
    %get3A_553 = arith.constant 512 : index
    %get3A_554 = arith.constant 384 : index
    %get3A_555 = vector.load %arg24[%get3A_553, %get3A_554] : memref<2048x512xbf16, #tpu.memory_space<vmem>>, vector<256x128xbf16>
    %dot_general3A_556 = arith.constant dense<0.000000e+00> : vector<256x256xf32>
    %dot_general3A_557 = tpu.matmul %get3A_555, %get3A_517, %dot_general3A_556 {dimension_numbers = #tpu.dot_dimension_numbers<[1], [1], [0], [0], [0, 0, 1, 0], [], []>, transpose_lhs_hint = false} : vector<256x128xbf16>, vector<256x128xbf16>, vector<256x256xf32> -> vector<256x256xf32>
    %exp3A_558 = math.exp %dot_general3A_557 : vector<256x256xf32>
    %convert_element_type3A_559 = arith.truncf %exp3A_558 : vector<256x256xf32> to vector<256x256xbf16>
    %get3A_560 = arith.constant 512 : index
    %get3A_561 = arith.constant 384 : index
    %get3A_562 = vector.load %arg25[%get3A_560, %get3A_561] : memref<2048x512xf32, #tpu.memory_space<vmem>>, vector<256x128xf32>
    %dot_general3A_563 = arith.constant dense<0.000000e+00> : vector<256x128xf32>
    %dot_general3A_564 = tpu.matmul %convert_element_type3A_559, %get3A_520, %dot_general3A_563 {dimension_numbers = #tpu.dot_dimension_numbers<[1], [0], [0], [1], [0, 0, 1, 1], [], []>, transpose_lhs_hint = false} : vector<256x256xbf16>, vector<256x128xbf16>, vector<256x128xf32> -> vector<256x128xf32>
    %add3A_565 = arith.addf %get3A_562, %dot_general3A_564 : vector<256x128xf32>
    %swap3A_566 = arith.constant 512 : index
    %swap3A_567 = arith.constant 384 : index
    %swap3A_568 = vector.load %arg25[%swap3A_566, %swap3A_567] : memref<2048x512xf32, #tpu.memory_space<vmem>>, vector<256x128xf32>
    tpu.vector_store %arg25[%swap3A_566, %swap3A_567], %add3A_565 {strides = array<i32>} : memref<2048x512xf32, #tpu.memory_space<vmem>>, vector<256x128xf32>,
    %get3A_569 = arith.constant 768 : index
    %get3A_570 = arith.constant 384 : index
    %get3A_571 = vector.load %arg24[%get3A_569, %get3A_570] : memref<2048x512xbf16, #tpu.memory_space<vmem>>, vector<256x128xbf16>
    %dot_general3A_572 = arith.constant dense<0.000000e+00> : vector<256x256xf32>
    %dot_general3A_573 = tpu.matmul %get3A_571, %get3A_517, %dot_general3A_572 {dimension_numbers = #tpu.dot_dimension_numbers<[1], [1], [0], [0], [0, 0, 1, 0], [], []>, transpose_lhs_hint = false} : vector<256x128xbf16>, vector<256x128xbf16>, vector<256x256xf32> -> vector<256x256xf32>
    %exp3A_574 = math.exp %dot_general3A_573 : vector<256x256xf32>
    %convert_element_type3A_575 = arith.truncf %exp3A_574 : vector<256x256xf32> to vector<256x256xbf16>
    %get3A_576 = arith.constant 768 : index
    %get3A_577 = arith.constant 384 : index
    %get3A_578 = vector.load %arg25[%get3A_576, %get3A_577] : memref<2048x512xf32, #tpu.memory_space<vmem>>, vector<256x128xf32>
    %dot_general3A_579 = arith.constant dense<0.000000e+00> : vector<256x128xf32>
    %dot_general3A_580 = tpu.matmul %convert_element_type3A_575, %get3A_520, %dot_general3A_579 {dimension_numbers = #tpu.dot_dimension_numbers<[1], [0], [0], [1], [0, 0, 1, 1], [], []>, transpose_lhs_hint = false} : vector<256x256xbf16>, vector<256x128xbf16>, vector<256x128xf32> -> vector<256x128xf32>
    %add3A_581 = arith.addf %get3A_578, %dot_general3A_580 : vector<256x128xf32>
    %swap3A_582 = arith.constant 768 : index
    %swap3A_583 = arith.constant 384 : index
    %swap3A_584 = vector.load %arg25[%swap3A_582, %swap3A_583] : memref<2048x512xf32, #tpu.memory_space<vmem>>, vector<256x128xf32>
    tpu.vector_store %arg25[%swap3A_582, %swap3A_583], %add3A_581 {strides = array<i32>} : memref<2048x512xf32, #tpu.memory_space<vmem>>, vector<256x128xf32>,
    %get3A_585 = arith.constant 1024 : index
    %get3A_586 = arith.constant 384 : index
    %get3A_587 = vector.load %arg24[%get3A_585, %get3A_586] : memref<2048x512xbf16, #tpu.memory_space<vmem>>, vector<256x128xbf16>
    %dot_general3A_588 = arith.constant dense<0.000000e+00> : vector<256x256xf32>
    %dot_general3A_589 = tpu.matmul %get3A_587, %get3A_517, %dot_general3A_588 {dimension_numbers = #tpu.dot_dimension_numbers<[1], [1], [0], [0], [0, 0, 1, 0], [], []>, transpose_lhs_hint = false} : vector<256x128xbf16>, vector<256x128xbf16>, vector<256x256xf32> -> vector<256x256xf32>
    %exp3A_590 = math.exp %dot_general3A_589 : vector<256x256xf32>
    %convert_element_type3A_591 = arith.truncf %exp3A_590 : vector<256x256xf32> to vector<256x256xbf16>
    %get3A_592 = arith.constant 1024 : index
    %get3A_593 = arith.constant 384 : index
    %get3A_594 = vector.load %arg25[%get3A_592, %get3A_593] : memref<2048x512xf32, #tpu.memory_space<vmem>>, vector<256x128xf32>
    %dot_general3A_595 = arith.constant dense<0.000000e+00> : vector<256x128xf32>
    %dot_general3A_596 = tpu.matmul %convert_element_type3A_591, %get3A_520, %dot_general3A_595 {dimension_numbers = #tpu.dot_dimension_numbers<[1], [0], [0], [1], [0, 0, 1, 1], [], []>, transpose_lhs_hint = false} : vector<256x256xbf16>, vector<256x128xbf16>, vector<256x128xf32> -> vector<256x128xf32>
    %add3A_597 = arith.addf %get3A_594, %dot_general3A_596 : vector<256x128xf32>
    %swap3A_598 = arith.constant 1024 : index
    %swap3A_599 = arith.constant 384 : index
    %swap3A_600 = vector.load %arg25[%swap3A_598, %swap3A_599] : memref<2048x512xf32, #tpu.memory_space<vmem>>, vector<256x128xf32>
    tpu.vector_store %arg25[%swap3A_598, %swap3A_599], %add3A_597 {strides = array<i32>} : memref<2048x512xf32, #tpu.memory_space<vmem>>, vector<256x128xf32>,
    %get3A_601 = arith.constant 1280 : index
    %get3A_602 = arith.constant 384 : index
    %get3A_603 = vector.load %arg24[%get3A_601, %get3A_602] : memref<2048x512xbf16, #tpu.memory_space<vmem>>, vector<256x128xbf16>
    %dot_general3A_604 = arith.constant dense<0.000000e+00> : vector<256x256xf32>
    %dot_general3A_605 = tpu.matmul %get3A_603, %get3A_517, %dot_general3A_604 {dimension_numbers = #tpu.dot_dimension_numbers<[1], [1], [0], [0], [0, 0, 1, 0], [], []>, transpose_lhs_hint = false} : vector<256x128xbf16>, vector<256x128xbf16>, vector<256x256xf32> -> vector<256x256xf32>
    %exp3A_606 = math.exp %dot_general3A_605 : vector<256x256xf32>
    %convert_element_type3A_607 = arith.truncf %exp3A_606 : vector<256x256xf32> to vector<256x256xbf16>
    %get3A_608 = arith.constant 1280 : index
    %get3A_609 = arith.constant 384 : index
    %get3A_610 = vector.load %arg25[%get3A_608, %get3A_609] : memref<2048x512xf32, #tpu.memory_space<vmem>>, vector<256x128xf32>
    %dot_general3A_611 = arith.constant dense<0.000000e+00> : vector<256x128xf32>
    %dot_general3A_612 = tpu.matmul %convert_element_type3A_607, %get3A_520, %dot_general3A_611 {dimension_numbers = #tpu.dot_dimension_numbers<[1], [0], [0], [1], [0, 0, 1, 1], [], []>, transpose_lhs_hint = false} : vector<256x256xbf16>, vector<256x128xbf16>, vector<256x128xf32> -> vector<256x128xf32>
    %add3A_613 = arith.addf %get3A_610, %dot_general3A_612 : vector<256x128xf32>
    %swap3A_614 = arith.constant 1280 : index
    %swap3A_615 = arith.constant 384 : index
    %swap3A_616 = vector.load %arg25[%swap3A_614, %swap3A_615] : memref<2048x512xf32, #tpu.memory_space<vmem>>, vector<256x128xf32>
    tpu.vector_store %arg25[%swap3A_614, %swap3A_615], %add3A_613 {strides = array<i32>} : memref<2048x512xf32, #tpu.memory_space<vmem>>, vector<256x128xf32>,
    %get3A_617 = arith.constant 1536 : index
    %get3A_618 = arith.constant 384 : index
    %get3A_619 = vector.load %arg24[%get3A_617, %get3A_618] : memref<2048x512xbf16, #tpu.memory_space<vmem>>, vector<256x128xbf16>
    %dot_general3A_620 = arith.constant dense<0.000000e+00> : vector<256x256xf32>
    %dot_general3A_621 = tpu.matmul %get3A_619, %get3A_517, %dot_general3A_620 {dimension_numbers = #tpu.dot_dimension_numbers<[1], [1], [0], [0], [0, 0, 1, 0], [], []>, transpose_lhs_hint = false} : vector<256x128xbf16>, vector<256x128xbf16>, vector<256x256xf32> -> vector<256x256xf32>
    %exp3A_622 = math.exp %dot_general3A_621 : vector<256x256xf32>
    %convert_element_type3A_623 = arith.truncf %exp3A_622 : vector<256x256xf32> to vector<256x256xbf16>
    %get3A_624 = arith.constant 1536 : index
    %get3A_625 = arith.constant 384 : index
    %get3A_626 = vector.load %arg25[%get3A_624, %get3A_625] : memref<2048x512xf32, #tpu.memory_space<vmem>>, vector<256x128xf32>
    %dot_general3A_627 = arith.constant dense<0.000000e+00> : vector<256x128xf32>
    %dot_general3A_628 = tpu.matmul %convert_element_type3A_623, %get3A_520, %dot_general3A_627 {dimension_numbers = #tpu.dot_dimension_numbers<[1], [0], [0], [1], [0, 0, 1, 1], [], []>, transpose_lhs_hint = false} : vector<256x256xbf16>, vector<256x128xbf16>, vector<256x128xf32> -> vector<256x128xf32>
    %add3A_629 = arith.addf %get3A_626, %dot_general3A_628 : vector<256x128xf32>
    %swap3A_630 = arith.constant 1536 : index
    %swap3A_631 = arith.constant 384 : index
    %swap3A_632 = vector.load %arg25[%swap3A_630, %swap3A_631] : memref<2048x512xf32, #tpu.memory_space<vmem>>, vector<256x128xf32>
    tpu.vector_store %arg25[%swap3A_630, %swap3A_631], %add3A_629 {strides = array<i32>} : memref<2048x512xf32, #tpu.memory_space<vmem>>, vector<256x128xf32>,
    %get3A_633 = arith.constant 1792 : index
    %get3A_634 = arith.constant 384 : index
    %get3A_635 = vector.load %arg24[%get3A_633, %get3A_634] : memref<2048x512xbf16, #tpu.memory_space<vmem>>, vector<256x128xbf16>
    %dot_general3A_636 = arith.constant dense<0.000000e+00> : vector<256x256xf32>
    %dot_general3A_637 = tpu.matmul %get3A_635, %get3A_517, %dot_general3A_636 {dimension_numbers = #tpu.dot_dimension_numbers<[1], [1], [0], [0], [0, 0, 1, 0], [], []>, transpose_lhs_hint = false} : vector<256x128xbf16>, vector<256x128xbf16>, vector<256x256xf32> -> vector<256x256xf32>
    %exp3A_638 = math.exp %dot_general3A_637 : vector<256x256xf32>
    %convert_element_type3A_639 = arith.truncf %exp3A_638 : vector<256x256xf32> to vector<256x256xbf16>
    %get3A_640 = arith.constant 1792 : index
    %get3A_641 = arith.constant 384 : index
    %get3A_642 = vector.load %arg25[%get3A_640, %get3A_641] : memref<2048x512xf32, #tpu.memory_space<vmem>>, vector<256x128xf32>
    %dot_general3A_643 = arith.constant dense<0.000000e+00> : vector<256x128xf32>
    %dot_general3A_644 = tpu.matmul %convert_element_type3A_639, %get3A_520, %dot_general3A_643 {dimension_numbers = #tpu.dot_dimension_numbers<[1], [0], [0], [1], [0, 0, 1, 1], [], []>, transpose_lhs_hint = false} : vector<256x256xbf16>, vector<256x128xbf16>, vector<256x128xf32> -> vector<256x128xf32>
    %add3A_645 = arith.addf %get3A_642, %dot_general3A_644 : vector<256x128xf32>
    %swap3A_646 = arith.constant 1792 : index
    %swap3A_647 = arith.constant 384 : index
    %swap3A_648 = vector.load %arg25[%swap3A_646, %swap3A_647] : memref<2048x512xf32, #tpu.memory_space<vmem>>, vector<256x128xf32>
    tpu.vector_store %arg25[%swap3A_646, %swap3A_647], %add3A_645 {strides = array<i32>} : memref<2048x512xf32, #tpu.memory_space<vmem>>, vector<256x128xf32>,
    %eq3A_649 = arith.constant 7 : i32
    %eq3A_650 = arith.cmpi eq, %arg0, %eq3A_649 : i32
    %convert_element_type3A_651 = arith.extui %eq3A_650 : i1 to i32
    %cond3A_652 = arith.constant 0 : i32
    %cond3A_653 = arith.cmpi ne, %convert_element_type3A_651, %cond3A_652 : i32
    scf.if %cond3A_653 {
      %get3A_654 = arith.constant 0 : index
      %get3A_655 = arith.constant 0 : index
      %get3A_656 = vector.load %arg17[%get3A_654, %get3A_655] : memref<1x160xf32, #tpu.memory_space<vmem>>, vector<1x160xf32>
      %get3A_657 = arith.constant 0 : index
      %get3A_658 = arith.constant 0 : index
      %get3A_659 = vector.load %arg25[%get3A_657, %get3A_658] : memref<2048x512xf32, #tpu.memory_space<vmem>>, vector<256x128xf32>
      %slice3A_660 = vector.extract_strided_slice %get3A_659 {offsets = [0, 40], sizes = [256, 1], strides = [1, 1]} : vector<256x128xf32> to vector<256x1xf32>
      %div3A = vector.broadcast %slice3A_660 : vector<256x1xf32> to vector<256x128xf32>
      %div3A_661 = arith.divf %get3A_659, %div3A : vector<256x128xf32>
      %convert_element_type3A_662 = arith.truncf %div3A_661 : vector<256x128xf32> to vector<256x128xbf16>
      %get3A_663 = arith.constant 0 : index
      %get3A_664 = arith.constant 0 : index
      %get3A_665 = vector.load %arg16[%get3A_663, %get3A_664] : memref<512x160xbf16, #tpu.memory_space<vmem>>, vector<128x160xbf16>
      %dot_general3A_666 = arith.constant dense<0.000000e+00> : vector<256x160xf32>
      %dot_general3A_667 = tpu.matmul %convert_element_type3A_662, %get3A_665, %dot_general3A_666 {dimension_numbers = #tpu.dot_dimension_numbers<[1], [0], [0], [1], [0, 0, 1, 1], [], []>, transpose_lhs_hint = false} : vector<256x128xbf16>, vector<128x160xbf16>, vector<256x160xf32> -> vector<256x160xf32>
      %add3A_668 = vector.broadcast %get3A_656 : vector<1x160xf32> to vector<256x160xf32>
      %add3A_669 = arith.addf %add3A_668, %dot_general3A_667 : vector<256x160xf32>
      %get3A_670 = arith.constant 0 : index
      %get3A_671 = arith.constant 128 : index
      %get3A_672 = vector.load %arg25[%get3A_670, %get3A_671] : memref<2048x512xf32, #tpu.memory_space<vmem>>, vector<256x128xf32>
      %slice3A_673 = vector.extract_strided_slice %get3A_672 {offsets = [0, 40], sizes = [256, 1], strides = [1, 1]} : vector<256x128xf32> to vector<256x1xf32>
      %div3A_674 = vector.broadcast %slice3A_673 : vector<256x1xf32> to vector<256x128xf32>
      %div3A_675 = arith.divf %get3A_672, %div3A_674 : vector<256x128xf32>
      %convert_element_type3A_676 = arith.truncf %div3A_675 : vector<256x128xf32> to vector<256x128xbf16>
      %get3A_677 = arith.constant 128 : index
      %get3A_678 = arith.constant 0 : index
      %get3A_679 = vector.load %arg16[%get3A_677, %get3A_678] : memref<512x160xbf16, #tpu.memory_space<vmem>>, vector<128x160xbf16>
      %dot_general3A_680 = arith.constant dense<0.000000e+00> : vector<256x160xf32>
      %dot_general3A_681 = tpu.matmul %convert_element_type3A_676, %get3A_679, %dot_general3A_680 {dimension_numbers = #tpu.dot_dimension_numbers<[1], [0], [0], [1], [0, 0, 1, 1], [], []>, transpose_lhs_hint = false} : vector<256x128xbf16>, vector<128x160xbf16>, vector<256x160xf32> -> vector<256x160xf32>
      %add3A_682 = arith.addf %add3A_669, %dot_general3A_681 : vector<256x160xf32>
      %get3A_683 = arith.constant 0 : index
      %get3A_684 = arith.constant 256 : index
      %get3A_685 = vector.load %arg25[%get3A_683, %get3A_684] : memref<2048x512xf32, #tpu.memory_space<vmem>>, vector<256x128xf32>
      %slice3A_686 = vector.extract_strided_slice %get3A_685 {offsets = [0, 40], sizes = [256, 1], strides = [1, 1]} : vector<256x128xf32> to vector<256x1xf32>
      %div3A_687 = vector.broadcast %slice3A_686 : vector<256x1xf32> to vector<256x128xf32>
      %div3A_688 = arith.divf %get3A_685, %div3A_687 : vector<256x128xf32>
      %convert_element_type3A_689 = arith.truncf %div3A_688 : vector<256x128xf32> to vector<256x128xbf16>
      %get3A_690 = arith.constant 256 : index
      %get3A_691 = arith.constant 0 : index
      %get3A_692 = vector.load %arg16[%get3A_690, %get3A_691] : memref<512x160xbf16, #tpu.memory_space<vmem>>, vector<128x160xbf16>
      %dot_general3A_693 = arith.constant dense<0.000000e+00> : vector<256x160xf32>
      %dot_general3A_694 = tpu.matmul %convert_element_type3A_689, %get3A_692, %dot_general3A_693 {dimension_numbers = #tpu.dot_dimension_numbers<[1], [0], [0], [1], [0, 0, 1, 1], [], []>, transpose_lhs_hint = false} : vector<256x128xbf16>, vector<128x160xbf16>, vector<256x160xf32> -> vector<256x160xf32>
      %add3A_695 = arith.addf %add3A_682, %dot_general3A_694 : vector<256x160xf32>
      %get3A_696 = arith.constant 0 : index
      %get3A_697 = arith.constant 384 : index
      %get3A_698 = vector.load %arg25[%get3A_696, %get3A_697] : memref<2048x512xf32, #tpu.memory_space<vmem>>, vector<256x128xf32>
      %slice3A_699 = vector.extract_strided_slice %get3A_698 {offsets = [0, 40], sizes = [256, 1], strides = [1, 1]} : vector<256x128xf32> to vector<256x1xf32>
      %div3A_700 = vector.broadcast %slice3A_699 : vector<256x1xf32> to vector<256x128xf32>
      %div3A_701 = arith.divf %get3A_698, %div3A_700 : vector<256x128xf32>
      %convert_element_type3A_702 = arith.truncf %div3A_701 : vector<256x128xf32> to vector<256x128xbf16>
      %get3A_703 = arith.constant 384 : index
      %get3A_704 = arith.constant 0 : index
      %get3A_705 = vector.load %arg16[%get3A_703, %get3A_704] : memref<512x160xbf16, #tpu.memory_space<vmem>>, vector<128x160xbf16>
      %dot_general3A_706 = arith.constant dense<0.000000e+00> : vector<256x160xf32>
      %dot_general3A_707 = tpu.matmul %convert_element_type3A_702, %get3A_705, %dot_general3A_706 {dimension_numbers = #tpu.dot_dimension_numbers<[1], [0], [0], [1], [0, 0, 1, 1], [], []>, transpose_lhs_hint = false} : vector<256x128xbf16>, vector<128x160xbf16>, vector<256x160xf32> -> vector<256x160xf32>
      %add3A_708 = arith.addf %add3A_695, %dot_general3A_707 : vector<256x160xf32>
      %get3A_709 = arith.constant 0 : index
      %get3A_710 = arith.constant 0 : index
      %get3A_711 = vector.load %arg4[%get3A_709, %get3A_710] : memref<2048x128xf32, #tpu.memory_space<vmem>>, vector<256x128xf32>
      %convert_element_type3A_712 = arith.truncf %get3A_711 : vector<256x128xf32> to vector<256x128xbf16>
      %get3A_713 = arith.constant 0 : index
      %get3A_714 = arith.constant 0 : index
      %get3A_715 = vector.load %arg18[%get3A_713, %get3A_714] : memref<128x128xbf16, #tpu.memory_space<vmem>>, vector<128x128xbf16>
      %dot_general3A_716 = arith.constant dense<0.000000e+00> : vector<256x128xf32>
      %dot_general3A_717 = tpu.matmul %convert_element_type3A_712, %get3A_715, %dot_general3A_716 {dimension_numbers = #tpu.dot_dimension_numbers<[1], [0], [0], [1], [0, 0, 1, 1], [], []>, transpose_lhs_hint = false} : vector<256x128xbf16>, vector<128x128xbf16>, vector<256x128xf32> -> vector<256x128xf32>
      %convert_element_type3A_718 = arith.truncf %add3A_708 : vector<256x160xf32> to vector<256x160xbf16>
      %get3A_719 = arith.constant 0 : index
      %get3A_720 = arith.constant 0 : index
      %get3A_721 = vector.load %arg19[%get3A_719, %get3A_720] : memref<160x128xbf16, #tpu.memory_space<vmem>>, vector<160x128xbf16>
      %dot_general3A_722 = arith.constant dense<0.000000e+00> : vector<256x128xf32>
      %dot_general3A_723 = tpu.matmul %convert_element_type3A_718, %get3A_721, %dot_general3A_722 {dimension_numbers = #tpu.dot_dimension_numbers<[1], [0], [0], [1], [0, 0, 1, 1], [], []>, transpose_lhs_hint = false} : vector<256x160xbf16>, vector<160x128xbf16>, vector<256x128xf32> -> vector<256x128xf32>
      %add3A_724 = arith.addf %dot_general3A_717, %dot_general3A_723 : vector<256x128xf32>
      %get3A_725 = arith.constant 0 : index
      %get3A_726 = arith.constant 0 : index
      %get3A_727 = vector.load %arg20[%get3A_725, %get3A_726] : memref<1x128xf32, #tpu.memory_space<vmem>>, vector<1x128xf32>
      %add3A_728 = vector.broadcast %get3A_727 : vector<1x128xf32> to vector<256x128xf32>
      %add3A_729 = arith.addf %add3A_724, %add3A_728 : vector<256x128xf32>
      %max3A = arith.constant 0.000000e+00 : f32
      %max3A_730 = vector.broadcast %max3A : f32 to vector<256x128xf32>
      %max3A_731 = arith.maximumf %add3A_729, %max3A_730 : vector<256x128xf32>
      %convert_element_type3A_732 = arith.truncf %max3A_731 : vector<256x128xf32> to vector<256x128xbf16>
      %get3A_733 = arith.constant 0 : index
      %get3A_734 = arith.constant 0 : index
      %get3A_735 = vector.load %arg21[%get3A_733, %get3A_734] : memref<128x128xbf16, #tpu.memory_space<vmem>>, vector<128x128xbf16>
      %dot_general3A_736 = arith.constant dense<0.000000e+00> : vector<256x128xf32>
      %dot_general3A_737 = tpu.matmul %convert_element_type3A_732, %get3A_735, %dot_general3A_736 {dimension_numbers = #tpu.dot_dimension_numbers<[1], [0], [0], [1], [0, 0, 1, 1], [], []>, transpose_lhs_hint = false} : vector<256x128xbf16>, vector<128x128xbf16>, vector<256x128xf32> -> vector<256x128xf32>
      %get3A_738 = arith.constant 0 : index
      %get3A_739 = arith.constant 0 : index
      %get3A_740 = vector.load %arg22[%get3A_738, %get3A_739] : memref<1x128xf32, #tpu.memory_space<vmem>>, vector<1x128xf32>
      %add3A_741 = vector.broadcast %get3A_740 : vector<1x128xf32> to vector<256x128xf32>
      %add3A_742 = arith.addf %dot_general3A_737, %add3A_741 : vector<256x128xf32>
      %swap3A_743 = arith.constant 0 : index
      %swap3A_744 = arith.constant 0 : index
      %swap3A_745 = vector.load %arg23[%swap3A_743, %swap3A_744] : memref<2048x128xf32, #tpu.memory_space<vmem>>, vector<256x128xf32>
      tpu.vector_store %arg23[%swap3A_743, %swap3A_744], %add3A_742 {strides = array<i32>} : memref<2048x128xf32, #tpu.memory_space<vmem>>, vector<256x128xf32>,
      %get3A_746 = arith.constant 0 : index
      %get3A_747 = arith.constant 0 : index
      %get3A_748 = vector.load %arg17[%get3A_746, %get3A_747] : memref<1x160xf32, #tpu.memory_space<vmem>>, vector<1x160xf32>
      %get3A_749 = arith.constant 256 : index
      %get3A_750 = arith.constant 0 : index
      %get3A_751 = vector.load %arg25[%get3A_749, %get3A_750] : memref<2048x512xf32, #tpu.memory_space<vmem>>, vector<256x128xf32>
      %slice3A_752 = vector.extract_strided_slice %get3A_751 {offsets = [0, 40], sizes = [256, 1], strides = [1, 1]} : vector<256x128xf32> to vector<256x1xf32>
      %div3A_753 = vector.broadcast %slice3A_752 : vector<256x1xf32> to vector<256x128xf32>
      %div3A_754 = arith.divf %get3A_751, %div3A_753 : vector<256x128xf32>
      %convert_element_type3A_755 = arith.truncf %div3A_754 : vector<256x128xf32> to vector<256x128xbf16>
      %get3A_756 = arith.constant 0 : index
      %get3A_757 = arith.constant 0 : index
      %get3A_758 = vector.load %arg16[%get3A_756, %get3A_757] : memref<512x160xbf16, #tpu.memory_space<vmem>>, vector<128x160xbf16>
      %dot_general3A_759 = arith.constant dense<0.000000e+00> : vector<256x160xf32>
      %dot_general3A_760 = tpu.matmul %convert_element_type3A_755, %get3A_758, %dot_general3A_759 {dimension_numbers = #tpu.dot_dimension_numbers<[1], [0], [0], [1], [0, 0, 1, 1], [], []>, transpose_lhs_hint = false} : vector<256x128xbf16>, vector<128x160xbf16>, vector<256x160xf32> -> vector<256x160xf32>
      %add3A_761 = vector.broadcast %get3A_748 : vector<1x160xf32> to vector<256x160xf32>
      %add3A_762 = arith.addf %add3A_761, %dot_general3A_760 : vector<256x160xf32>
      %get3A_763 = arith.constant 256 : index
      %get3A_764 = arith.constant 128 : index
      %get3A_765 = vector.load %arg25[%get3A_763, %get3A_764] : memref<2048x512xf32, #tpu.memory_space<vmem>>, vector<256x128xf32>
      %slice3A_766 = vector.extract_strided_slice %get3A_765 {offsets = [0, 40], sizes = [256, 1], strides = [1, 1]} : vector<256x128xf32> to vector<256x1xf32>
      %div3A_767 = vector.broadcast %slice3A_766 : vector<256x1xf32> to vector<256x128xf32>
      %div3A_768 = arith.divf %get3A_765, %div3A_767 : vector<256x128xf32>
      %convert_element_type3A_769 = arith.truncf %div3A_768 : vector<256x128xf32> to vector<256x128xbf16>
      %get3A_770 = arith.constant 128 : index
      %get3A_771 = arith.constant 0 : index
      %get3A_772 = vector.load %arg16[%get3A_770, %get3A_771] : memref<512x160xbf16, #tpu.memory_space<vmem>>, vector<128x160xbf16>
      %dot_general3A_773 = arith.constant dense<0.000000e+00> : vector<256x160xf32>
      %dot_general3A_774 = tpu.matmul %convert_element_type3A_769, %get3A_772, %dot_general3A_773 {dimension_numbers = #tpu.dot_dimension_numbers<[1], [0], [0], [1], [0, 0, 1, 1], [], []>, transpose_lhs_hint = false} : vector<256x128xbf16>, vector<128x160xbf16>, vector<256x160xf32> -> vector<256x160xf32>
      %add3A_775 = arith.addf %add3A_762, %dot_general3A_774 : vector<256x160xf32>
      %get3A_776 = arith.constant 256 : index
      %get3A_777 = arith.constant 256 : index
      %get3A_778 = vector.load %arg25[%get3A_776, %get3A_777] : memref<2048x512xf32, #tpu.memory_space<vmem>>, vector<256x128xf32>
      %slice3A_779 = vector.extract_strided_slice %get3A_778 {offsets = [0, 40], sizes = [256, 1], strides = [1, 1]} : vector<256x128xf32> to vector<256x1xf32>
      %div3A_780 = vector.broadcast %slice3A_779 : vector<256x1xf32> to vector<256x128xf32>
      %div3A_781 = arith.divf %get3A_778, %div3A_780 : vector<256x128xf32>
      %convert_element_type3A_782 = arith.truncf %div3A_781 : vector<256x128xf32> to vector<256x128xbf16>
      %get3A_783 = arith.constant 256 : index
      %get3A_784 = arith.constant 0 : index
      %get3A_785 = vector.load %arg16[%get3A_783, %get3A_784] : memref<512x160xbf16, #tpu.memory_space<vmem>>, vector<128x160xbf16>
      %dot_general3A_786 = arith.constant dense<0.000000e+00> : vector<256x160xf32>
      %dot_general3A_787 = tpu.matmul %convert_element_type3A_782, %get3A_785, %dot_general3A_786 {dimension_numbers = #tpu.dot_dimension_numbers<[1], [0], [0], [1], [0, 0, 1, 1], [], []>, transpose_lhs_hint = false} : vector<256x128xbf16>, vector<128x160xbf16>, vector<256x160xf32> -> vector<256x160xf32>
      %add3A_788 = arith.addf %add3A_775, %dot_general3A_787 : vector<256x160xf32>
      %get3A_789 = arith.constant 256 : index
      %get3A_790 = arith.constant 384 : index
      %get3A_791 = vector.load %arg25[%get3A_789, %get3A_790] : memref<2048x512xf32, #tpu.memory_space<vmem>>, vector<256x128xf32>
      %slice3A_792 = vector.extract_strided_slice %get3A_791 {offsets = [0, 40], sizes = [256, 1], strides = [1, 1]} : vector<256x128xf32> to vector<256x1xf32>
      %div3A_793 = vector.broadcast %slice3A_792 : vector<256x1xf32> to vector<256x128xf32>
      %div3A_794 = arith.divf %get3A_791, %div3A_793 : vector<256x128xf32>
      %convert_element_type3A_795 = arith.truncf %div3A_794 : vector<256x128xf32> to vector<256x128xbf16>
      %get3A_796 = arith.constant 384 : index
      %get3A_797 = arith.constant 0 : index
      %get3A_798 = vector.load %arg16[%get3A_796, %get3A_797] : memref<512x160xbf16, #tpu.memory_space<vmem>>, vector<128x160xbf16>
      %dot_general3A_799 = arith.constant dense<0.000000e+00> : vector<256x160xf32>
      %dot_general3A_800 = tpu.matmul %convert_element_type3A_795, %get3A_798, %dot_general3A_799 {dimension_numbers = #tpu.dot_dimension_numbers<[1], [0], [0], [1], [0, 0, 1, 1], [], []>, transpose_lhs_hint = false} : vector<256x128xbf16>, vector<128x160xbf16>, vector<256x160xf32> -> vector<256x160xf32>
      %add3A_801 = arith.addf %add3A_788, %dot_general3A_800 : vector<256x160xf32>
      %get3A_802 = arith.constant 256 : index
      %get3A_803 = arith.constant 0 : index
      %get3A_804 = vector.load %arg4[%get3A_802, %get3A_803] : memref<2048x128xf32, #tpu.memory_space<vmem>>, vector<256x128xf32>
      %convert_element_type3A_805 = arith.truncf %get3A_804 : vector<256x128xf32> to vector<256x128xbf16>
      %get3A_806 = arith.constant 0 : index
      %get3A_807 = arith.constant 0 : index
      %get3A_808 = vector.load %arg18[%get3A_806, %get3A_807] : memref<128x128xbf16, #tpu.memory_space<vmem>>, vector<128x128xbf16>
      %dot_general3A_809 = arith.constant dense<0.000000e+00> : vector<256x128xf32>
      %dot_general3A_810 = tpu.matmul %convert_element_type3A_805, %get3A_808, %dot_general3A_809 {dimension_numbers = #tpu.dot_dimension_numbers<[1], [0], [0], [1], [0, 0, 1, 1], [], []>, transpose_lhs_hint = false} : vector<256x128xbf16>, vector<128x128xbf16>, vector<256x128xf32> -> vector<256x128xf32>
      %convert_element_type3A_811 = arith.truncf %add3A_801 : vector<256x160xf32> to vector<256x160xbf16>
      %get3A_812 = arith.constant 0 : index
      %get3A_813 = arith.constant 0 : index
      %get3A_814 = vector.load %arg19[%get3A_812, %get3A_813] : memref<160x128xbf16, #tpu.memory_space<vmem>>, vector<160x128xbf16>
      %dot_general3A_815 = arith.constant dense<0.000000e+00> : vector<256x128xf32>
      %dot_general3A_816 = tpu.matmul %convert_element_type3A_811, %get3A_814, %dot_general3A_815 {dimension_numbers = #tpu.dot_dimension_numbers<[1], [0], [0], [1], [0, 0, 1, 1], [], []>, transpose_lhs_hint = false} : vector<256x160xbf16>, vector<160x128xbf16>, vector<256x128xf32> -> vector<256x128xf32>
      %add3A_817 = arith.addf %dot_general3A_810, %dot_general3A_816 : vector<256x128xf32>
      %get3A_818 = arith.constant 0 : index
      %get3A_819 = arith.constant 0 : index
      %get3A_820 = vector.load %arg20[%get3A_818, %get3A_819] : memref<1x128xf32, #tpu.memory_space<vmem>>, vector<1x128xf32>
      %add3A_821 = vector.broadcast %get3A_820 : vector<1x128xf32> to vector<256x128xf32>
      %add3A_822 = arith.addf %add3A_817, %add3A_821 : vector<256x128xf32>
      %max3A_823 = arith.constant 0.000000e+00 : f32
      %max3A_824 = vector.broadcast %max3A_823 : f32 to vector<256x128xf32>
      %max3A_825 = arith.maximumf %add3A_822, %max3A_824 : vector<256x128xf32>
      %convert_element_type3A_826 = arith.truncf %max3A_825 : vector<256x128xf32> to vector<256x128xbf16>
      %get3A_827 = arith.constant 0 : index
      %get3A_828 = arith.constant 0 : index
      %get3A_829 = vector.load %arg21[%get3A_827, %get3A_828] : memref<128x128xbf16, #tpu.memory_space<vmem>>, vector<128x128xbf16>
      %dot_general3A_830 = arith.constant dense<0.000000e+00> : vector<256x128xf32>
      %dot_general3A_831 = tpu.matmul %convert_element_type3A_826, %get3A_829, %dot_general3A_830 {dimension_numbers = #tpu.dot_dimension_numbers<[1], [0], [0], [1], [0, 0, 1, 1], [], []>, transpose_lhs_hint = false} : vector<256x128xbf16>, vector<128x128xbf16>, vector<256x128xf32> -> vector<256x128xf32>
      %get3A_832 = arith.constant 0 : index
      %get3A_833 = arith.constant 0 : index
      %get3A_834 = vector.load %arg22[%get3A_832, %get3A_833] : memref<1x128xf32, #tpu.memory_space<vmem>>, vector<1x128xf32>
      %add3A_835 = vector.broadcast %get3A_834 : vector<1x128xf32> to vector<256x128xf32>
      %add3A_836 = arith.addf %dot_general3A_831, %add3A_835 : vector<256x128xf32>
      %swap3A_837 = arith.constant 256 : index
      %swap3A_838 = arith.constant 0 : index
      %swap3A_839 = vector.load %arg23[%swap3A_837, %swap3A_838] : memref<2048x128xf32, #tpu.memory_space<vmem>>, vector<256x128xf32>
      tpu.vector_store %arg23[%swap3A_837, %swap3A_838], %add3A_836 {strides = array<i32>} : memref<2048x128xf32, #tpu.memory_space<vmem>>, vector<256x128xf32>,
      %get3A_840 = arith.constant 0 : index
      %get3A_841 = arith.constant 0 : index
      %get3A_842 = vector.load %arg17[%get3A_840, %get3A_841] : memref<1x160xf32, #tpu.memory_space<vmem>>, vector<1x160xf32>
      %get3A_843 = arith.constant 512 : index
      %get3A_844 = arith.constant 0 : index
      %get3A_845 = vector.load %arg25[%get3A_843, %get3A_844] : memref<2048x512xf32, #tpu.memory_space<vmem>>, vector<256x128xf32>
      %slice3A_846 = vector.extract_strided_slice %get3A_845 {offsets = [0, 40], sizes = [256, 1], strides = [1, 1]} : vector<256x128xf32> to vector<256x1xf32>
      %div3A_847 = vector.broadcast %slice3A_846 : vector<256x1xf32> to vector<256x128xf32>
      %div3A_848 = arith.divf %get3A_845, %div3A_847 : vector<256x128xf32>
      %convert_element_type3A_849 = arith.truncf %div3A_848 : vector<256x128xf32> to vector<256x128xbf16>
      %get3A_850 = arith.constant 0 : index
      %get3A_851 = arith.constant 0 : index
      %get3A_852 = vector.load %arg16[%get3A_850, %get3A_851] : memref<512x160xbf16, #tpu.memory_space<vmem>>, vector<128x160xbf16>
      %dot_general3A_853 = arith.constant dense<0.000000e+00> : vector<256x160xf32>
      %dot_general3A_854 = tpu.matmul %convert_element_type3A_849, %get3A_852, %dot_general3A_853 {dimension_numbers = #tpu.dot_dimension_numbers<[1], [0], [0], [1], [0, 0, 1, 1], [], []>, transpose_lhs_hint = false} : vector<256x128xbf16>, vector<128x160xbf16>, vector<256x160xf32> -> vector<256x160xf32>
      %add3A_855 = vector.broadcast %get3A_842 : vector<1x160xf32> to vector<256x160xf32>
      %add3A_856 = arith.addf %add3A_855, %dot_general3A_854 : vector<256x160xf32>
      %get3A_857 = arith.constant 512 : index
      %get3A_858 = arith.constant 128 : index
      %get3A_859 = vector.load %arg25[%get3A_857, %get3A_858] : memref<2048x512xf32, #tpu.memory_space<vmem>>, vector<256x128xf32>
      %slice3A_860 = vector.extract_strided_slice %get3A_859 {offsets = [0, 40], sizes = [256, 1], strides = [1, 1]} : vector<256x128xf32> to vector<256x1xf32>
      %div3A_861 = vector.broadcast %slice3A_860 : vector<256x1xf32> to vector<256x128xf32>
      %div3A_862 = arith.divf %get3A_859, %div3A_861 : vector<256x128xf32>
      %convert_element_type3A_863 = arith.truncf %div3A_862 : vector<256x128xf32> to vector<256x128xbf16>
      %get3A_864 = arith.constant 128 : index
      %get3A_865 = arith.constant 0 : index
      %get3A_866 = vector.load %arg16[%get3A_864, %get3A_865] : memref<512x160xbf16, #tpu.memory_space<vmem>>, vector<128x160xbf16>
      %dot_general3A_867 = arith.constant dense<0.000000e+00> : vector<256x160xf32>
      %dot_general3A_868 = tpu.matmul %convert_element_type3A_863, %get3A_866, %dot_general3A_867 {dimension_numbers = #tpu.dot_dimension_numbers<[1], [0], [0], [1], [0, 0, 1, 1], [], []>, transpose_lhs_hint = false} : vector<256x128xbf16>, vector<128x160xbf16>, vector<256x160xf32> -> vector<256x160xf32>
      %add3A_869 = arith.addf %add3A_856, %dot_general3A_868 : vector<256x160xf32>
      %get3A_870 = arith.constant 512 : index
      %get3A_871 = arith.constant 256 : index
      %get3A_872 = vector.load %arg25[%get3A_870, %get3A_871] : memref<2048x512xf32, #tpu.memory_space<vmem>>, vector<256x128xf32>
      %slice3A_873 = vector.extract_strided_slice %get3A_872 {offsets = [0, 40], sizes = [256, 1], strides = [1, 1]} : vector<256x128xf32> to vector<256x1xf32>
      %div3A_874 = vector.broadcast %slice3A_873 : vector<256x1xf32> to vector<256x128xf32>
      %div3A_875 = arith.divf %get3A_872, %div3A_874 : vector<256x128xf32>
      %convert_element_type3A_876 = arith.truncf %div3A_875 : vector<256x128xf32> to vector<256x128xbf16>
      %get3A_877 = arith.constant 256 : index
      %get3A_878 = arith.constant 0 : index
      %get3A_879 = vector.load %arg16[%get3A_877, %get3A_878] : memref<512x160xbf16, #tpu.memory_space<vmem>>, vector<128x160xbf16>
      %dot_general3A_880 = arith.constant dense<0.000000e+00> : vector<256x160xf32>
      %dot_general3A_881 = tpu.matmul %convert_element_type3A_876, %get3A_879, %dot_general3A_880 {dimension_numbers = #tpu.dot_dimension_numbers<[1], [0], [0], [1], [0, 0, 1, 1], [], []>, transpose_lhs_hint = false} : vector<256x128xbf16>, vector<128x160xbf16>, vector<256x160xf32> -> vector<256x160xf32>
      %add3A_882 = arith.addf %add3A_869, %dot_general3A_881 : vector<256x160xf32>
      %get3A_883 = arith.constant 512 : index
      %get3A_884 = arith.constant 384 : index
      %get3A_885 = vector.load %arg25[%get3A_883, %get3A_884] : memref<2048x512xf32, #tpu.memory_space<vmem>>, vector<256x128xf32>
      %slice3A_886 = vector.extract_strided_slice %get3A_885 {offsets = [0, 40], sizes = [256, 1], strides = [1, 1]} : vector<256x128xf32> to vector<256x1xf32>
      %div3A_887 = vector.broadcast %slice3A_886 : vector<256x1xf32> to vector<256x128xf32>
      %div3A_888 = arith.divf %get3A_885, %div3A_887 : vector<256x128xf32>
      %convert_element_type3A_889 = arith.truncf %div3A_888 : vector<256x128xf32> to vector<256x128xbf16>
      %get3A_890 = arith.constant 384 : index
      %get3A_891 = arith.constant 0 : index
      %get3A_892 = vector.load %arg16[%get3A_890, %get3A_891] : memref<512x160xbf16, #tpu.memory_space<vmem>>, vector<128x160xbf16>
      %dot_general3A_893 = arith.constant dense<0.000000e+00> : vector<256x160xf32>
      %dot_general3A_894 = tpu.matmul %convert_element_type3A_889, %get3A_892, %dot_general3A_893 {dimension_numbers = #tpu.dot_dimension_numbers<[1], [0], [0], [1], [0, 0, 1, 1], [], []>, transpose_lhs_hint = false} : vector<256x128xbf16>, vector<128x160xbf16>, vector<256x160xf32> -> vector<256x160xf32>
      %add3A_895 = arith.addf %add3A_882, %dot_general3A_894 : vector<256x160xf32>
      %get3A_896 = arith.constant 512 : index
      %get3A_897 = arith.constant 0 : index
      %get3A_898 = vector.load %arg4[%get3A_896, %get3A_897] : memref<2048x128xf32, #tpu.memory_space<vmem>>, vector<256x128xf32>
      %convert_element_type3A_899 = arith.truncf %get3A_898 : vector<256x128xf32> to vector<256x128xbf16>
      %get3A_900 = arith.constant 0 : index
      %get3A_901 = arith.constant 0 : index
      %get3A_902 = vector.load %arg18[%get3A_900, %get3A_901] : memref<128x128xbf16, #tpu.memory_space<vmem>>, vector<128x128xbf16>
      %dot_general3A_903 = arith.constant dense<0.000000e+00> : vector<256x128xf32>
      %dot_general3A_904 = tpu.matmul %convert_element_type3A_899, %get3A_902, %dot_general3A_903 {dimension_numbers = #tpu.dot_dimension_numbers<[1], [0], [0], [1], [0, 0, 1, 1], [], []>, transpose_lhs_hint = false} : vector<256x128xbf16>, vector<128x128xbf16>, vector<256x128xf32> -> vector<256x128xf32>
      %convert_element_type3A_905 = arith.truncf %add3A_895 : vector<256x160xf32> to vector<256x160xbf16>
      %get3A_906 = arith.constant 0 : index
      %get3A_907 = arith.constant 0 : index
      %get3A_908 = vector.load %arg19[%get3A_906, %get3A_907] : memref<160x128xbf16, #tpu.memory_space<vmem>>, vector<160x128xbf16>
      %dot_general3A_909 = arith.constant dense<0.000000e+00> : vector<256x128xf32>
      %dot_general3A_910 = tpu.matmul %convert_element_type3A_905, %get3A_908, %dot_general3A_909 {dimension_numbers = #tpu.dot_dimension_numbers<[1], [0], [0], [1], [0, 0, 1, 1], [], []>, transpose_lhs_hint = false} : vector<256x160xbf16>, vector<160x128xbf16>, vector<256x128xf32> -> vector<256x128xf32>
      %add3A_911 = arith.addf %dot_general3A_904, %dot_general3A_910 : vector<256x128xf32>
      %get3A_912 = arith.constant 0 : index
      %get3A_913 = arith.constant 0 : index
      %get3A_914 = vector.load %arg20[%get3A_912, %get3A_913] : memref<1x128xf32, #tpu.memory_space<vmem>>, vector<1x128xf32>
      %add3A_915 = vector.broadcast %get3A_914 : vector<1x128xf32> to vector<256x128xf32>
      %add3A_916 = arith.addf %add3A_911, %add3A_915 : vector<256x128xf32>
      %max3A_917 = arith.constant 0.000000e+00 : f32
      %max3A_918 = vector.broadcast %max3A_917 : f32 to vector<256x128xf32>
      %max3A_919 = arith.maximumf %add3A_916, %max3A_918 : vector<256x128xf32>
      %convert_element_type3A_920 = arith.truncf %max3A_919 : vector<256x128xf32> to vector<256x128xbf16>
      %get3A_921 = arith.constant 0 : index
      %get3A_922 = arith.constant 0 : index
      %get3A_923 = vector.load %arg21[%get3A_921, %get3A_922] : memref<128x128xbf16, #tpu.memory_space<vmem>>, vector<128x128xbf16>
      %dot_general3A_924 = arith.constant dense<0.000000e+00> : vector<256x128xf32>
      %dot_general3A_925 = tpu.matmul %convert_element_type3A_920, %get3A_923, %dot_general3A_924 {dimension_numbers = #tpu.dot_dimension_numbers<[1], [0], [0], [1], [0, 0, 1, 1], [], []>, transpose_lhs_hint = false} : vector<256x128xbf16>, vector<128x128xbf16>, vector<256x128xf32> -> vector<256x128xf32>
      %get3A_926 = arith.constant 0 : index
      %get3A_927 = arith.constant 0 : index
      %get3A_928 = vector.load %arg22[%get3A_926, %get3A_927] : memref<1x128xf32, #tpu.memory_space<vmem>>, vector<1x128xf32>
      %add3A_929 = vector.broadcast %get3A_928 : vector<1x128xf32> to vector<256x128xf32>
      %add3A_930 = arith.addf %dot_general3A_925, %add3A_929 : vector<256x128xf32>
      %swap3A_931 = arith.constant 512 : index
      %swap3A_932 = arith.constant 0 : index
      %swap3A_933 = vector.load %arg23[%swap3A_931, %swap3A_932] : memref<2048x128xf32, #tpu.memory_space<vmem>>, vector<256x128xf32>
      tpu.vector_store %arg23[%swap3A_931, %swap3A_932], %add3A_930 {strides = array<i32>} : memref<2048x128xf32, #tpu.memory_space<vmem>>, vector<256x128xf32>,
      %get3A_934 = arith.constant 0 : index
      %get3A_935 = arith.constant 0 : index
      %get3A_936 = vector.load %arg17[%get3A_934, %get3A_935] : memref<1x160xf32, #tpu.memory_space<vmem>>, vector<1x160xf32>
      %get3A_937 = arith.constant 768 : index
      %get3A_938 = arith.constant 0 : index
      %get3A_939 = vector.load %arg25[%get3A_937, %get3A_938] : memref<2048x512xf32, #tpu.memory_space<vmem>>, vector<256x128xf32>
      %slice3A_940 = vector.extract_strided_slice %get3A_939 {offsets = [0, 40], sizes = [256, 1], strides = [1, 1]} : vector<256x128xf32> to vector<256x1xf32>
      %div3A_941 = vector.broadcast %slice3A_940 : vector<256x1xf32> to vector<256x128xf32>
      %div3A_942 = arith.divf %get3A_939, %div3A_941 : vector<256x128xf32>
      %convert_element_type3A_943 = arith.truncf %div3A_942 : vector<256x128xf32> to vector<256x128xbf16>
      %get3A_944 = arith.constant 0 : index
      %get3A_945 = arith.constant 0 : index
      %get3A_946 = vector.load %arg16[%get3A_944, %get3A_945] : memref<512x160xbf16, #tpu.memory_space<vmem>>, vector<128x160xbf16>
      %dot_general3A_947 = arith.constant dense<0.000000e+00> : vector<256x160xf32>
      %dot_general3A_948 = tpu.matmul %convert_element_type3A_943, %get3A_946, %dot_general3A_947 {dimension_numbers = #tpu.dot_dimension_numbers<[1], [0], [0], [1], [0, 0, 1, 1], [], []>, transpose_lhs_hint = false} : vector<256x128xbf16>, vector<128x160xbf16>, vector<256x160xf32> -> vector<256x160xf32>
      %add3A_949 = vector.broadcast %get3A_936 : vector<1x160xf32> to vector<256x160xf32>
      %add3A_950 = arith.addf %add3A_949, %dot_general3A_948 : vector<256x160xf32>
      %get3A_951 = arith.constant 768 : index
      %get3A_952 = arith.constant 128 : index
      %get3A_953 = vector.load %arg25[%get3A_951, %get3A_952] : memref<2048x512xf32, #tpu.memory_space<vmem>>, vector<256x128xf32>
      %slice3A_954 = vector.extract_strided_slice %get3A_953 {offsets = [0, 40], sizes = [256, 1], strides = [1, 1]} : vector<256x128xf32> to vector<256x1xf32>
      %div3A_955 = vector.broadcast %slice3A_954 : vector<256x1xf32> to vector<256x128xf32>
      %div3A_956 = arith.divf %get3A_953, %div3A_955 : vector<256x128xf32>
      %convert_element_type3A_957 = arith.truncf %div3A_956 : vector<256x128xf32> to vector<256x128xbf16>
      %get3A_958 = arith.constant 128 : index
      %get3A_959 = arith.constant 0 : index
      %get3A_960 = vector.load %arg16[%get3A_958, %get3A_959] : memref<512x160xbf16, #tpu.memory_space<vmem>>, vector<128x160xbf16>
      %dot_general3A_961 = arith.constant dense<0.000000e+00> : vector<256x160xf32>
      %dot_general3A_962 = tpu.matmul %convert_element_type3A_957, %get3A_960, %dot_general3A_961 {dimension_numbers = #tpu.dot_dimension_numbers<[1], [0], [0], [1], [0, 0, 1, 1], [], []>, transpose_lhs_hint = false} : vector<256x128xbf16>, vector<128x160xbf16>, vector<256x160xf32> -> vector<256x160xf32>
      %add3A_963 = arith.addf %add3A_950, %dot_general3A_962 : vector<256x160xf32>
      %get3A_964 = arith.constant 768 : index
      %get3A_965 = arith.constant 256 : index
      %get3A_966 = vector.load %arg25[%get3A_964, %get3A_965] : memref<2048x512xf32, #tpu.memory_space<vmem>>, vector<256x128xf32>
      %slice3A_967 = vector.extract_strided_slice %get3A_966 {offsets = [0, 40], sizes = [256, 1], strides = [1, 1]} : vector<256x128xf32> to vector<256x1xf32>
      %div3A_968 = vector.broadcast %slice3A_967 : vector<256x1xf32> to vector<256x128xf32>
      %div3A_969 = arith.divf %get3A_966, %div3A_968 : vector<256x128xf32>
      %convert_element_type3A_970 = arith.truncf %div3A_969 : vector<256x128xf32> to vector<256x128xbf16>
      %get3A_971 = arith.constant 256 : index
      %get3A_972 = arith.constant 0 : index
      %get3A_973 = vector.load %arg16[%get3A_971, %get3A_972] : memref<512x160xbf16, #tpu.memory_space<vmem>>, vector<128x160xbf16>
      %dot_general3A_974 = arith.constant dense<0.000000e+00> : vector<256x160xf32>
      %dot_general3A_975 = tpu.matmul %convert_element_type3A_970, %get3A_973, %dot_general3A_974 {dimension_numbers = #tpu.dot_dimension_numbers<[1], [0], [0], [1], [0, 0, 1, 1], [], []>, transpose_lhs_hint = false} : vector<256x128xbf16>, vector<128x160xbf16>, vector<256x160xf32> -> vector<256x160xf32>
      %add3A_976 = arith.addf %add3A_963, %dot_general3A_975 : vector<256x160xf32>
      %get3A_977 = arith.constant 768 : index
      %get3A_978 = arith.constant 384 : index
      %get3A_979 = vector.load %arg25[%get3A_977, %get3A_978] : memref<2048x512xf32, #tpu.memory_space<vmem>>, vector<256x128xf32>
      %slice3A_980 = vector.extract_strided_slice %get3A_979 {offsets = [0, 40], sizes = [256, 1], strides = [1, 1]} : vector<256x128xf32> to vector<256x1xf32>
      %div3A_981 = vector.broadcast %slice3A_980 : vector<256x1xf32> to vector<256x128xf32>
      %div3A_982 = arith.divf %get3A_979, %div3A_981 : vector<256x128xf32>
      %convert_element_type3A_983 = arith.truncf %div3A_982 : vector<256x128xf32> to vector<256x128xbf16>
      %get3A_984 = arith.constant 384 : index
      %get3A_985 = arith.constant 0 : index
      %get3A_986 = vector.load %arg16[%get3A_984, %get3A_985] : memref<512x160xbf16, #tpu.memory_space<vmem>>, vector<128x160xbf16>
      %dot_general3A_987 = arith.constant dense<0.000000e+00> : vector<256x160xf32>
      %dot_general3A_988 = tpu.matmul %convert_element_type3A_983, %get3A_986, %dot_general3A_987 {dimension_numbers = #tpu.dot_dimension_numbers<[1], [0], [0], [1], [0, 0, 1, 1], [], []>, transpose_lhs_hint = false} : vector<256x128xbf16>, vector<128x160xbf16>, vector<256x160xf32> -> vector<256x160xf32>
      %add3A_989 = arith.addf %add3A_976, %dot_general3A_988 : vector<256x160xf32>
      %get3A_990 = arith.constant 768 : index
      %get3A_991 = arith.constant 0 : index
      %get3A_992 = vector.load %arg4[%get3A_990, %get3A_991] : memref<2048x128xf32, #tpu.memory_space<vmem>>, vector<256x128xf32>
      %convert_element_type3A_993 = arith.truncf %get3A_992 : vector<256x128xf32> to vector<256x128xbf16>
      %get3A_994 = arith.constant 0 : index
      %get3A_995 = arith.constant 0 : index
      %get3A_996 = vector.load %arg18[%get3A_994, %get3A_995] : memref<128x128xbf16, #tpu.memory_space<vmem>>, vector<128x128xbf16>
      %dot_general3A_997 = arith.constant dense<0.000000e+00> : vector<256x128xf32>
      %dot_general3A_998 = tpu.matmul %convert_element_type3A_993, %get3A_996, %dot_general3A_997 {dimension_numbers = #tpu.dot_dimension_numbers<[1], [0], [0], [1], [0, 0, 1, 1], [], []>, transpose_lhs_hint = false} : vector<256x128xbf16>, vector<128x128xbf16>, vector<256x128xf32> -> vector<256x128xf32>
      %convert_element_type3A_999 = arith.truncf %add3A_989 : vector<256x160xf32> to vector<256x160xbf16>
      %get3A_1000 = arith.constant 0 : index
      %get3A_1001 = arith.constant 0 : index
      %get3A_1002 = vector.load %arg19[%get3A_1000, %get3A_1001] : memref<160x128xbf16, #tpu.memory_space<vmem>>, vector<160x128xbf16>
      %dot_general3A_1003 = arith.constant dense<0.000000e+00> : vector<256x128xf32>
      %dot_general3A_1004 = tpu.matmul %convert_element_type3A_999, %get3A_1002, %dot_general3A_1003 {dimension_numbers = #tpu.dot_dimension_numbers<[1], [0], [0], [1], [0, 0, 1, 1], [], []>, transpose_lhs_hint = false} : vector<256x160xbf16>, vector<160x128xbf16>, vector<256x128xf32> -> vector<256x128xf32>
      %add3A_1005 = arith.addf %dot_general3A_998, %dot_general3A_1004 : vector<256x128xf32>
      %get3A_1006 = arith.constant 0 : index
      %get3A_1007 = arith.constant 0 : index
      %get3A_1008 = vector.load %arg20[%get3A_1006, %get3A_1007] : memref<1x128xf32, #tpu.memory_space<vmem>>, vector<1x128xf32>
      %add3A_1009 = vector.broadcast %get3A_1008 : vector<1x128xf32> to vector<256x128xf32>
      %add3A_1010 = arith.addf %add3A_1005, %add3A_1009 : vector<256x128xf32>
      %max3A_1011 = arith.constant 0.000000e+00 : f32
      %max3A_1012 = vector.broadcast %max3A_1011 : f32 to vector<256x128xf32>
      %max3A_1013 = arith.maximumf %add3A_1010, %max3A_1012 : vector<256x128xf32>
      %convert_element_type3A_1014 = arith.truncf %max3A_1013 : vector<256x128xf32> to vector<256x128xbf16>
      %get3A_1015 = arith.constant 0 : index
      %get3A_1016 = arith.constant 0 : index
      %get3A_1017 = vector.load %arg21[%get3A_1015, %get3A_1016] : memref<128x128xbf16, #tpu.memory_space<vmem>>, vector<128x128xbf16>
      %dot_general3A_1018 = arith.constant dense<0.000000e+00> : vector<256x128xf32>
      %dot_general3A_1019 = tpu.matmul %convert_element_type3A_1014, %get3A_1017, %dot_general3A_1018 {dimension_numbers = #tpu.dot_dimension_numbers<[1], [0], [0], [1], [0, 0, 1, 1], [], []>, transpose_lhs_hint = false} : vector<256x128xbf16>, vector<128x128xbf16>, vector<256x128xf32> -> vector<256x128xf32>
      %get3A_1020 = arith.constant 0 : index
      %get3A_1021 = arith.constant 0 : index
      %get3A_1022 = vector.load %arg22[%get3A_1020, %get3A_1021] : memref<1x128xf32, #tpu.memory_space<vmem>>, vector<1x128xf32>
      %add3A_1023 = vector.broadcast %get3A_1022 : vector<1x128xf32> to vector<256x128xf32>
      %add3A_1024 = arith.addf %dot_general3A_1019, %add3A_1023 : vector<256x128xf32>
      %swap3A_1025 = arith.constant 768 : index
      %swap3A_1026 = arith.constant 0 : index
      %swap3A_1027 = vector.load %arg23[%swap3A_1025, %swap3A_1026] : memref<2048x128xf32, #tpu.memory_space<vmem>>, vector<256x128xf32>
      tpu.vector_store %arg23[%swap3A_1025, %swap3A_1026], %add3A_1024 {strides = array<i32>} : memref<2048x128xf32, #tpu.memory_space<vmem>>, vector<256x128xf32>,
      %get3A_1028 = arith.constant 0 : index
      %get3A_1029 = arith.constant 0 : index
      %get3A_1030 = vector.load %arg17[%get3A_1028, %get3A_1029] : memref<1x160xf32, #tpu.memory_space<vmem>>, vector<1x160xf32>
      %get3A_1031 = arith.constant 1024 : index
      %get3A_1032 = arith.constant 0 : index
      %get3A_1033 = vector.load %arg25[%get3A_1031, %get3A_1032] : memref<2048x512xf32, #tpu.memory_space<vmem>>, vector<256x128xf32>
      %slice3A_1034 = vector.extract_strided_slice %get3A_1033 {offsets = [0, 40], sizes = [256, 1], strides = [1, 1]} : vector<256x128xf32> to vector<256x1xf32>
      %div3A_1035 = vector.broadcast %slice3A_1034 : vector<256x1xf32> to vector<256x128xf32>
      %div3A_1036 = arith.divf %get3A_1033, %div3A_1035 : vector<256x128xf32>
      %convert_element_type3A_1037 = arith.truncf %div3A_1036 : vector<256x128xf32> to vector<256x128xbf16>
      %get3A_1038 = arith.constant 0 : index
      %get3A_1039 = arith.constant 0 : index
      %get3A_1040 = vector.load %arg16[%get3A_1038, %get3A_1039] : memref<512x160xbf16, #tpu.memory_space<vmem>>, vector<128x160xbf16>
      %dot_general3A_1041 = arith.constant dense<0.000000e+00> : vector<256x160xf32>
      %dot_general3A_1042 = tpu.matmul %convert_element_type3A_1037, %get3A_1040, %dot_general3A_1041 {dimension_numbers = #tpu.dot_dimension_numbers<[1], [0], [0], [1], [0, 0, 1, 1], [], []>, transpose_lhs_hint = false} : vector<256x128xbf16>, vector<128x160xbf16>, vector<256x160xf32> -> vector<256x160xf32>
      %add3A_1043 = vector.broadcast %get3A_1030 : vector<1x160xf32> to vector<256x160xf32>
      %add3A_1044 = arith.addf %add3A_1043, %dot_general3A_1042 : vector<256x160xf32>
      %get3A_1045 = arith.constant 1024 : index
      %get3A_1046 = arith.constant 128 : index
      %get3A_1047 = vector.load %arg25[%get3A_1045, %get3A_1046] : memref<2048x512xf32, #tpu.memory_space<vmem>>, vector<256x128xf32>
      %slice3A_1048 = vector.extract_strided_slice %get3A_1047 {offsets = [0, 40], sizes = [256, 1], strides = [1, 1]} : vector<256x128xf32> to vector<256x1xf32>
      %div3A_1049 = vector.broadcast %slice3A_1048 : vector<256x1xf32> to vector<256x128xf32>
      %div3A_1050 = arith.divf %get3A_1047, %div3A_1049 : vector<256x128xf32>
      %convert_element_type3A_1051 = arith.truncf %div3A_1050 : vector<256x128xf32> to vector<256x128xbf16>
      %get3A_1052 = arith.constant 128 : index
      %get3A_1053 = arith.constant 0 : index
      %get3A_1054 = vector.load %arg16[%get3A_1052, %get3A_1053] : memref<512x160xbf16, #tpu.memory_space<vmem>>, vector<128x160xbf16>
      %dot_general3A_1055 = arith.constant dense<0.000000e+00> : vector<256x160xf32>
      %dot_general3A_1056 = tpu.matmul %convert_element_type3A_1051, %get3A_1054, %dot_general3A_1055 {dimension_numbers = #tpu.dot_dimension_numbers<[1], [0], [0], [1], [0, 0, 1, 1], [], []>, transpose_lhs_hint = false} : vector<256x128xbf16>, vector<128x160xbf16>, vector<256x160xf32> -> vector<256x160xf32>
      %add3A_1057 = arith.addf %add3A_1044, %dot_general3A_1056 : vector<256x160xf32>
      %get3A_1058 = arith.constant 1024 : index
      %get3A_1059 = arith.constant 256 : index
      %get3A_1060 = vector.load %arg25[%get3A_1058, %get3A_1059] : memref<2048x512xf32, #tpu.memory_space<vmem>>, vector<256x128xf32>
      %slice3A_1061 = vector.extract_strided_slice %get3A_1060 {offsets = [0, 40], sizes = [256, 1], strides = [1, 1]} : vector<256x128xf32> to vector<256x1xf32>
      %div3A_1062 = vector.broadcast %slice3A_1061 : vector<256x1xf32> to vector<256x128xf32>
      %div3A_1063 = arith.divf %get3A_1060, %div3A_1062 : vector<256x128xf32>
      %convert_element_type3A_1064 = arith.truncf %div3A_1063 : vector<256x128xf32> to vector<256x128xbf16>
      %get3A_1065 = arith.constant 256 : index
      %get3A_1066 = arith.constant 0 : index
      %get3A_1067 = vector.load %arg16[%get3A_1065, %get3A_1066] : memref<512x160xbf16, #tpu.memory_space<vmem>>, vector<128x160xbf16>
      %dot_general3A_1068 = arith.constant dense<0.000000e+00> : vector<256x160xf32>
      %dot_general3A_1069 = tpu.matmul %convert_element_type3A_1064, %get3A_1067, %dot_general3A_1068 {dimension_numbers = #tpu.dot_dimension_numbers<[1], [0], [0], [1], [0, 0, 1, 1], [], []>, transpose_lhs_hint = false} : vector<256x128xbf16>, vector<128x160xbf16>, vector<256x160xf32> -> vector<256x160xf32>
      %add3A_1070 = arith.addf %add3A_1057, %dot_general3A_1069 : vector<256x160xf32>
      %get3A_1071 = arith.constant 1024 : index
      %get3A_1072 = arith.constant 384 : index
      %get3A_1073 = vector.load %arg25[%get3A_1071, %get3A_1072] : memref<2048x512xf32, #tpu.memory_space<vmem>>, vector<256x128xf32>
      %slice3A_1074 = vector.extract_strided_slice %get3A_1073 {offsets = [0, 40], sizes = [256, 1], strides = [1, 1]} : vector<256x128xf32> to vector<256x1xf32>
      %div3A_1075 = vector.broadcast %slice3A_1074 : vector<256x1xf32> to vector<256x128xf32>
      %div3A_1076 = arith.divf %get3A_1073, %div3A_1075 : vector<256x128xf32>
      %convert_element_type3A_1077 = arith.truncf %div3A_1076 : vector<256x128xf32> to vector<256x128xbf16>
      %get3A_1078 = arith.constant 384 : index
      %get3A_1079 = arith.constant 0 : index
      %get3A_1080 = vector.load %arg16[%get3A_1078, %get3A_1079] : memref<512x160xbf16, #tpu.memory_space<vmem>>, vector<128x160xbf16>
      %dot_general3A_1081 = arith.constant dense<0.000000e+00> : vector<256x160xf32>
      %dot_general3A_1082 = tpu.matmul %convert_element_type3A_1077, %get3A_1080, %dot_general3A_1081 {dimension_numbers = #tpu.dot_dimension_numbers<[1], [0], [0], [1], [0, 0, 1, 1], [], []>, transpose_lhs_hint = false} : vector<256x128xbf16>, vector<128x160xbf16>, vector<256x160xf32> -> vector<256x160xf32>
      %add3A_1083 = arith.addf %add3A_1070, %dot_general3A_1082 : vector<256x160xf32>
      %get3A_1084 = arith.constant 1024 : index
      %get3A_1085 = arith.constant 0 : index
      %get3A_1086 = vector.load %arg4[%get3A_1084, %get3A_1085] : memref<2048x128xf32, #tpu.memory_space<vmem>>, vector<256x128xf32>
      %convert_element_type3A_1087 = arith.truncf %get3A_1086 : vector<256x128xf32> to vector<256x128xbf16>
      %get3A_1088 = arith.constant 0 : index
      %get3A_1089 = arith.constant 0 : index
      %get3A_1090 = vector.load %arg18[%get3A_1088, %get3A_1089] : memref<128x128xbf16, #tpu.memory_space<vmem>>, vector<128x128xbf16>
      %dot_general3A_1091 = arith.constant dense<0.000000e+00> : vector<256x128xf32>
      %dot_general3A_1092 = tpu.matmul %convert_element_type3A_1087, %get3A_1090, %dot_general3A_1091 {dimension_numbers = #tpu.dot_dimension_numbers<[1], [0], [0], [1], [0, 0, 1, 1], [], []>, transpose_lhs_hint = false} : vector<256x128xbf16>, vector<128x128xbf16>, vector<256x128xf32> -> vector<256x128xf32>
      %convert_element_type3A_1093 = arith.truncf %add3A_1083 : vector<256x160xf32> to vector<256x160xbf16>
      %get3A_1094 = arith.constant 0 : index
      %get3A_1095 = arith.constant 0 : index
      %get3A_1096 = vector.load %arg19[%get3A_1094, %get3A_1095] : memref<160x128xbf16, #tpu.memory_space<vmem>>, vector<160x128xbf16>
      %dot_general3A_1097 = arith.constant dense<0.000000e+00> : vector<256x128xf32>
      %dot_general3A_1098 = tpu.matmul %convert_element_type3A_1093, %get3A_1096, %dot_general3A_1097 {dimension_numbers = #tpu.dot_dimension_numbers<[1], [0], [0], [1], [0, 0, 1, 1], [], []>, transpose_lhs_hint = false} : vector<256x160xbf16>, vector<160x128xbf16>, vector<256x128xf32> -> vector<256x128xf32>
      %add3A_1099 = arith.addf %dot_general3A_1092, %dot_general3A_1098 : vector<256x128xf32>
      %get3A_1100 = arith.constant 0 : index
      %get3A_1101 = arith.constant 0 : index
      %get3A_1102 = vector.load %arg20[%get3A_1100, %get3A_1101] : memref<1x128xf32, #tpu.memory_space<vmem>>, vector<1x128xf32>
      %add3A_1103 = vector.broadcast %get3A_1102 : vector<1x128xf32> to vector<256x128xf32>
      %add3A_1104 = arith.addf %add3A_1099, %add3A_1103 : vector<256x128xf32>
      %max3A_1105 = arith.constant 0.000000e+00 : f32
      %max3A_1106 = vector.broadcast %max3A_1105 : f32 to vector<256x128xf32>
      %max3A_1107 = arith.maximumf %add3A_1104, %max3A_1106 : vector<256x128xf32>
      %convert_element_type3A_1108 = arith.truncf %max3A_1107 : vector<256x128xf32> to vector<256x128xbf16>
      %get3A_1109 = arith.constant 0 : index
      %get3A_1110 = arith.constant 0 : index
      %get3A_1111 = vector.load %arg21[%get3A_1109, %get3A_1110] : memref<128x128xbf16, #tpu.memory_space<vmem>>, vector<128x128xbf16>
      %dot_general3A_1112 = arith.constant dense<0.000000e+00> : vector<256x128xf32>
      %dot_general3A_1113 = tpu.matmul %convert_element_type3A_1108, %get3A_1111, %dot_general3A_1112 {dimension_numbers = #tpu.dot_dimension_numbers<[1], [0], [0], [1], [0, 0, 1, 1], [], []>, transpose_lhs_hint = false} : vector<256x128xbf16>, vector<128x128xbf16>, vector<256x128xf32> -> vector<256x128xf32>
      %get3A_1114 = arith.constant 0 : index
      %get3A_1115 = arith.constant 0 : index
      %get3A_1116 = vector.load %arg22[%get3A_1114, %get3A_1115] : memref<1x128xf32, #tpu.memory_space<vmem>>, vector<1x128xf32>
      %add3A_1117 = vector.broadcast %get3A_1116 : vector<1x128xf32> to vector<256x128xf32>
      %add3A_1118 = arith.addf %dot_general3A_1113, %add3A_1117 : vector<256x128xf32>
      %swap3A_1119 = arith.constant 1024 : index
      %swap3A_1120 = arith.constant 0 : index
      %swap3A_1121 = vector.load %arg23[%swap3A_1119, %swap3A_1120] : memref<2048x128xf32, #tpu.memory_space<vmem>>, vector<256x128xf32>
      tpu.vector_store %arg23[%swap3A_1119, %swap3A_1120], %add3A_1118 {strides = array<i32>} : memref<2048x128xf32, #tpu.memory_space<vmem>>, vector<256x128xf32>,
      %get3A_1122 = arith.constant 0 : index
      %get3A_1123 = arith.constant 0 : index
      %get3A_1124 = vector.load %arg17[%get3A_1122, %get3A_1123] : memref<1x160xf32, #tpu.memory_space<vmem>>, vector<1x160xf32>
      %get3A_1125 = arith.constant 1280 : index
      %get3A_1126 = arith.constant 0 : index
      %get3A_1127 = vector.load %arg25[%get3A_1125, %get3A_1126] : memref<2048x512xf32, #tpu.memory_space<vmem>>, vector<256x128xf32>
      %slice3A_1128 = vector.extract_strided_slice %get3A_1127 {offsets = [0, 40], sizes = [256, 1], strides = [1, 1]} : vector<256x128xf32> to vector<256x1xf32>
      %div3A_1129 = vector.broadcast %slice3A_1128 : vector<256x1xf32> to vector<256x128xf32>
      %div3A_1130 = arith.divf %get3A_1127, %div3A_1129 : vector<256x128xf32>
      %convert_element_type3A_1131 = arith.truncf %div3A_1130 : vector<256x128xf32> to vector<256x128xbf16>
      %get3A_1132 = arith.constant 0 : index
      %get3A_1133 = arith.constant 0 : index
      %get3A_1134 = vector.load %arg16[%get3A_1132, %get3A_1133] : memref<512x160xbf16, #tpu.memory_space<vmem>>, vector<128x160xbf16>
      %dot_general3A_1135 = arith.constant dense<0.000000e+00> : vector<256x160xf32>
      %dot_general3A_1136 = tpu.matmul %convert_element_type3A_1131, %get3A_1134, %dot_general3A_1135 {dimension_numbers = #tpu.dot_dimension_numbers<[1], [0], [0], [1], [0, 0, 1, 1], [], []>, transpose_lhs_hint = false} : vector<256x128xbf16>, vector<128x160xbf16>, vector<256x160xf32> -> vector<256x160xf32>
      %add3A_1137 = vector.broadcast %get3A_1124 : vector<1x160xf32> to vector<256x160xf32>
      %add3A_1138 = arith.addf %add3A_1137, %dot_general3A_1136 : vector<256x160xf32>
      %get3A_1139 = arith.constant 1280 : index
      %get3A_1140 = arith.constant 128 : index
      %get3A_1141 = vector.load %arg25[%get3A_1139, %get3A_1140] : memref<2048x512xf32, #tpu.memory_space<vmem>>, vector<256x128xf32>
      %slice3A_1142 = vector.extract_strided_slice %get3A_1141 {offsets = [0, 40], sizes = [256, 1], strides = [1, 1]} : vector<256x128xf32> to vector<256x1xf32>
      %div3A_1143 = vector.broadcast %slice3A_1142 : vector<256x1xf32> to vector<256x128xf32>
      %div3A_1144 = arith.divf %get3A_1141, %div3A_1143 : vector<256x128xf32>
      %convert_element_type3A_1145 = arith.truncf %div3A_1144 : vector<256x128xf32> to vector<256x128xbf16>
      %get3A_1146 = arith.constant 128 : index
      %get3A_1147 = arith.constant 0 : index
      %get3A_1148 = vector.load %arg16[%get3A_1146, %get3A_1147] : memref<512x160xbf16, #tpu.memory_space<vmem>>, vector<128x160xbf16>
      %dot_general3A_1149 = arith.constant dense<0.000000e+00> : vector<256x160xf32>
      %dot_general3A_1150 = tpu.matmul %convert_element_type3A_1145, %get3A_1148, %dot_general3A_1149 {dimension_numbers = #tpu.dot_dimension_numbers<[1], [0], [0], [1], [0, 0, 1, 1], [], []>, transpose_lhs_hint = false} : vector<256x128xbf16>, vector<128x160xbf16>, vector<256x160xf32> -> vector<256x160xf32>
      %add3A_1151 = arith.addf %add3A_1138, %dot_general3A_1150 : vector<256x160xf32>
      %get3A_1152 = arith.constant 1280 : index
      %get3A_1153 = arith.constant 256 : index
      %get3A_1154 = vector.load %arg25[%get3A_1152, %get3A_1153] : memref<2048x512xf32, #tpu.memory_space<vmem>>, vector<256x128xf32>
      %slice3A_1155 = vector.extract_strided_slice %get3A_1154 {offsets = [0, 40], sizes = [256, 1], strides = [1, 1]} : vector<256x128xf32> to vector<256x1xf32>
      %div3A_1156 = vector.broadcast %slice3A_1155 : vector<256x1xf32> to vector<256x128xf32>
      %div3A_1157 = arith.divf %get3A_1154, %div3A_1156 : vector<256x128xf32>
      %convert_element_type3A_1158 = arith.truncf %div3A_1157 : vector<256x128xf32> to vector<256x128xbf16>
      %get3A_1159 = arith.constant 256 : index
      %get3A_1160 = arith.constant 0 : index
      %get3A_1161 = vector.load %arg16[%get3A_1159, %get3A_1160] : memref<512x160xbf16, #tpu.memory_space<vmem>>, vector<128x160xbf16>
      %dot_general3A_1162 = arith.constant dense<0.000000e+00> : vector<256x160xf32>
      %dot_general3A_1163 = tpu.matmul %convert_element_type3A_1158, %get3A_1161, %dot_general3A_1162 {dimension_numbers = #tpu.dot_dimension_numbers<[1], [0], [0], [1], [0, 0, 1, 1], [], []>, transpose_lhs_hint = false} : vector<256x128xbf16>, vector<128x160xbf16>, vector<256x160xf32> -> vector<256x160xf32>
      %add3A_1164 = arith.addf %add3A_1151, %dot_general3A_1163 : vector<256x160xf32>
      %get3A_1165 = arith.constant 1280 : index
      %get3A_1166 = arith.constant 384 : index
      %get3A_1167 = vector.load %arg25[%get3A_1165, %get3A_1166] : memref<2048x512xf32, #tpu.memory_space<vmem>>, vector<256x128xf32>
      %slice3A_1168 = vector.extract_strided_slice %get3A_1167 {offsets = [0, 40], sizes = [256, 1], strides = [1, 1]} : vector<256x128xf32> to vector<256x1xf32>
      %div3A_1169 = vector.broadcast %slice3A_1168 : vector<256x1xf32> to vector<256x128xf32>
      %div3A_1170 = arith.divf %get3A_1167, %div3A_1169 : vector<256x128xf32>
      %convert_element_type3A_1171 = arith.truncf %div3A_1170 : vector<256x128xf32> to vector<256x128xbf16>
      %get3A_1172 = arith.constant 384 : index
      %get3A_1173 = arith.constant 0 : index
      %get3A_1174 = vector.load %arg16[%get3A_1172, %get3A_1173] : memref<512x160xbf16, #tpu.memory_space<vmem>>, vector<128x160xbf16>
      %dot_general3A_1175 = arith.constant dense<0.000000e+00> : vector<256x160xf32>
      %dot_general3A_1176 = tpu.matmul %convert_element_type3A_1171, %get3A_1174, %dot_general3A_1175 {dimension_numbers = #tpu.dot_dimension_numbers<[1], [0], [0], [1], [0, 0, 1, 1], [], []>, transpose_lhs_hint = false} : vector<256x128xbf16>, vector<128x160xbf16>, vector<256x160xf32> -> vector<256x160xf32>
      %add3A_1177 = arith.addf %add3A_1164, %dot_general3A_1176 : vector<256x160xf32>
      %get3A_1178 = arith.constant 1280 : index
      %get3A_1179 = arith.constant 0 : index
      %get3A_1180 = vector.load %arg4[%get3A_1178, %get3A_1179] : memref<2048x128xf32, #tpu.memory_space<vmem>>, vector<256x128xf32>
      %convert_element_type3A_1181 = arith.truncf %get3A_1180 : vector<256x128xf32> to vector<256x128xbf16>
      %get3A_1182 = arith.constant 0 : index
      %get3A_1183 = arith.constant 0 : index
      %get3A_1184 = vector.load %arg18[%get3A_1182, %get3A_1183] : memref<128x128xbf16, #tpu.memory_space<vmem>>, vector<128x128xbf16>
      %dot_general3A_1185 = arith.constant dense<0.000000e+00> : vector<256x128xf32>
      %dot_general3A_1186 = tpu.matmul %convert_element_type3A_1181, %get3A_1184, %dot_general3A_1185 {dimension_numbers = #tpu.dot_dimension_numbers<[1], [0], [0], [1], [0, 0, 1, 1], [], []>, transpose_lhs_hint = false} : vector<256x128xbf16>, vector<128x128xbf16>, vector<256x128xf32> -> vector<256x128xf32>
      %convert_element_type3A_1187 = arith.truncf %add3A_1177 : vector<256x160xf32> to vector<256x160xbf16>
      %get3A_1188 = arith.constant 0 : index
      %get3A_1189 = arith.constant 0 : index
      %get3A_1190 = vector.load %arg19[%get3A_1188, %get3A_1189] : memref<160x128xbf16, #tpu.memory_space<vmem>>, vector<160x128xbf16>
      %dot_general3A_1191 = arith.constant dense<0.000000e+00> : vector<256x128xf32>
      %dot_general3A_1192 = tpu.matmul %convert_element_type3A_1187, %get3A_1190, %dot_general3A_1191 {dimension_numbers = #tpu.dot_dimension_numbers<[1], [0], [0], [1], [0, 0, 1, 1], [], []>, transpose_lhs_hint = false} : vector<256x160xbf16>, vector<160x128xbf16>, vector<256x128xf32> -> vector<256x128xf32>
      %add3A_1193 = arith.addf %dot_general3A_1186, %dot_general3A_1192 : vector<256x128xf32>
      %get3A_1194 = arith.constant 0 : index
      %get3A_1195 = arith.constant 0 : index
      %get3A_1196 = vector.load %arg20[%get3A_1194, %get3A_1195] : memref<1x128xf32, #tpu.memory_space<vmem>>, vector<1x128xf32>
      %add3A_1197 = vector.broadcast %get3A_1196 : vector<1x128xf32> to vector<256x128xf32>
      %add3A_1198 = arith.addf %add3A_1193, %add3A_1197 : vector<256x128xf32>
      %max3A_1199 = arith.constant 0.000000e+00 : f32
      %max3A_1200 = vector.broadcast %max3A_1199 : f32 to vector<256x128xf32>
      %max3A_1201 = arith.maximumf %add3A_1198, %max3A_1200 : vector<256x128xf32>
      %convert_element_type3A_1202 = arith.truncf %max3A_1201 : vector<256x128xf32> to vector<256x128xbf16>
      %get3A_1203 = arith.constant 0 : index
      %get3A_1204 = arith.constant 0 : index
      %get3A_1205 = vector.load %arg21[%get3A_1203, %get3A_1204] : memref<128x128xbf16, #tpu.memory_space<vmem>>, vector<128x128xbf16>
      %dot_general3A_1206 = arith.constant dense<0.000000e+00> : vector<256x128xf32>
      %dot_general3A_1207 = tpu.matmul %convert_element_type3A_1202, %get3A_1205, %dot_general3A_1206 {dimension_numbers = #tpu.dot_dimension_numbers<[1], [0], [0], [1], [0, 0, 1, 1], [], []>, transpose_lhs_hint = false} : vector<256x128xbf16>, vector<128x128xbf16>, vector<256x128xf32> -> vector<256x128xf32>
      %get3A_1208 = arith.constant 0 : index
      %get3A_1209 = arith.constant 0 : index
      %get3A_1210 = vector.load %arg22[%get3A_1208, %get3A_1209] : memref<1x128xf32, #tpu.memory_space<vmem>>, vector<1x128xf32>
      %add3A_1211 = vector.broadcast %get3A_1210 : vector<1x128xf32> to vector<256x128xf32>
      %add3A_1212 = arith.addf %dot_general3A_1207, %add3A_1211 : vector<256x128xf32>
      %swap3A_1213 = arith.constant 1280 : index
      %swap3A_1214 = arith.constant 0 : index
      %swap3A_1215 = vector.load %arg23[%swap3A_1213, %swap3A_1214] : memref<2048x128xf32, #tpu.memory_space<vmem>>, vector<256x128xf32>
      tpu.vector_store %arg23[%swap3A_1213, %swap3A_1214], %add3A_1212 {strides = array<i32>} : memref<2048x128xf32, #tpu.memory_space<vmem>>, vector<256x128xf32>,
      %get3A_1216 = arith.constant 0 : index
      %get3A_1217 = arith.constant 0 : index
      %get3A_1218 = vector.load %arg17[%get3A_1216, %get3A_1217] : memref<1x160xf32, #tpu.memory_space<vmem>>, vector<1x160xf32>
      %get3A_1219 = arith.constant 1536 : index
      %get3A_1220 = arith.constant 0 : index
      %get3A_1221 = vector.load %arg25[%get3A_1219, %get3A_1220] : memref<2048x512xf32, #tpu.memory_space<vmem>>, vector<256x128xf32>
      %slice3A_1222 = vector.extract_strided_slice %get3A_1221 {offsets = [0, 40], sizes = [256, 1], strides = [1, 1]} : vector<256x128xf32> to vector<256x1xf32>
      %div3A_1223 = vector.broadcast %slice3A_1222 : vector<256x1xf32> to vector<256x128xf32>
      %div3A_1224 = arith.divf %get3A_1221, %div3A_1223 : vector<256x128xf32>
      %convert_element_type3A_1225 = arith.truncf %div3A_1224 : vector<256x128xf32> to vector<256x128xbf16>
      %get3A_1226 = arith.constant 0 : index
      %get3A_1227 = arith.constant 0 : index
      %get3A_1228 = vector.load %arg16[%get3A_1226, %get3A_1227] : memref<512x160xbf16, #tpu.memory_space<vmem>>, vector<128x160xbf16>
      %dot_general3A_1229 = arith.constant dense<0.000000e+00> : vector<256x160xf32>
      %dot_general3A_1230 = tpu.matmul %convert_element_type3A_1225, %get3A_1228, %dot_general3A_1229 {dimension_numbers = #tpu.dot_dimension_numbers<[1], [0], [0], [1], [0, 0, 1, 1], [], []>, transpose_lhs_hint = false} : vector<256x128xbf16>, vector<128x160xbf16>, vector<256x160xf32> -> vector<256x160xf32>
      %add3A_1231 = vector.broadcast %get3A_1218 : vector<1x160xf32> to vector<256x160xf32>
      %add3A_1232 = arith.addf %add3A_1231, %dot_general3A_1230 : vector<256x160xf32>
      %get3A_1233 = arith.constant 1536 : index
      %get3A_1234 = arith.constant 128 : index
      %get3A_1235 = vector.load %arg25[%get3A_1233, %get3A_1234] : memref<2048x512xf32, #tpu.memory_space<vmem>>, vector<256x128xf32>
      %slice3A_1236 = vector.extract_strided_slice %get3A_1235 {offsets = [0, 40], sizes = [256, 1], strides = [1, 1]} : vector<256x128xf32> to vector<256x1xf32>
      %div3A_1237 = vector.broadcast %slice3A_1236 : vector<256x1xf32> to vector<256x128xf32>
      %div3A_1238 = arith.divf %get3A_1235, %div3A_1237 : vector<256x128xf32>
      %convert_element_type3A_1239 = arith.truncf %div3A_1238 : vector<256x128xf32> to vector<256x128xbf16>
      %get3A_1240 = arith.constant 128 : index
      %get3A_1241 = arith.constant 0 : index
      %get3A_1242 = vector.load %arg16[%get3A_1240, %get3A_1241] : memref<512x160xbf16, #tpu.memory_space<vmem>>, vector<128x160xbf16>
      %dot_general3A_1243 = arith.constant dense<0.000000e+00> : vector<256x160xf32>
      %dot_general3A_1244 = tpu.matmul %convert_element_type3A_1239, %get3A_1242, %dot_general3A_1243 {dimension_numbers = #tpu.dot_dimension_numbers<[1], [0], [0], [1], [0, 0, 1, 1], [], []>, transpose_lhs_hint = false} : vector<256x128xbf16>, vector<128x160xbf16>, vector<256x160xf32> -> vector<256x160xf32>
      %add3A_1245 = arith.addf %add3A_1232, %dot_general3A_1244 : vector<256x160xf32>
      %get3A_1246 = arith.constant 1536 : index
      %get3A_1247 = arith.constant 256 : index
      %get3A_1248 = vector.load %arg25[%get3A_1246, %get3A_1247] : memref<2048x512xf32, #tpu.memory_space<vmem>>, vector<256x128xf32>
      %slice3A_1249 = vector.extract_strided_slice %get3A_1248 {offsets = [0, 40], sizes = [256, 1], strides = [1, 1]} : vector<256x128xf32> to vector<256x1xf32>
      %div3A_1250 = vector.broadcast %slice3A_1249 : vector<256x1xf32> to vector<256x128xf32>
      %div3A_1251 = arith.divf %get3A_1248, %div3A_1250 : vector<256x128xf32>
      %convert_element_type3A_1252 = arith.truncf %div3A_1251 : vector<256x128xf32> to vector<256x128xbf16>
      %get3A_1253 = arith.constant 256 : index
      %get3A_1254 = arith.constant 0 : index
      %get3A_1255 = vector.load %arg16[%get3A_1253, %get3A_1254] : memref<512x160xbf16, #tpu.memory_space<vmem>>, vector<128x160xbf16>
      %dot_general3A_1256 = arith.constant dense<0.000000e+00> : vector<256x160xf32>
      %dot_general3A_1257 = tpu.matmul %convert_element_type3A_1252, %get3A_1255, %dot_general3A_1256 {dimension_numbers = #tpu.dot_dimension_numbers<[1], [0], [0], [1], [0, 0, 1, 1], [], []>, transpose_lhs_hint = false} : vector<256x128xbf16>, vector<128x160xbf16>, vector<256x160xf32> -> vector<256x160xf32>
      %add3A_1258 = arith.addf %add3A_1245, %dot_general3A_1257 : vector<256x160xf32>
      %get3A_1259 = arith.constant 1536 : index
      %get3A_1260 = arith.constant 384 : index
      %get3A_1261 = vector.load %arg25[%get3A_1259, %get3A_1260] : memref<2048x512xf32, #tpu.memory_space<vmem>>, vector<256x128xf32>
      %slice3A_1262 = vector.extract_strided_slice %get3A_1261 {offsets = [0, 40], sizes = [256, 1], strides = [1, 1]} : vector<256x128xf32> to vector<256x1xf32>
      %div3A_1263 = vector.broadcast %slice3A_1262 : vector<256x1xf32> to vector<256x128xf32>
      %div3A_1264 = arith.divf %get3A_1261, %div3A_1263 : vector<256x128xf32>
      %convert_element_type3A_1265 = arith.truncf %div3A_1264 : vector<256x128xf32> to vector<256x128xbf16>
      %get3A_1266 = arith.constant 384 : index
      %get3A_1267 = arith.constant 0 : index
      %get3A_1268 = vector.load %arg16[%get3A_1266, %get3A_1267] : memref<512x160xbf16, #tpu.memory_space<vmem>>, vector<128x160xbf16>
      %dot_general3A_1269 = arith.constant dense<0.000000e+00> : vector<256x160xf32>
      %dot_general3A_1270 = tpu.matmul %convert_element_type3A_1265, %get3A_1268, %dot_general3A_1269 {dimension_numbers = #tpu.dot_dimension_numbers<[1], [0], [0], [1], [0, 0, 1, 1], [], []>, transpose_lhs_hint = false} : vector<256x128xbf16>, vector<128x160xbf16>, vector<256x160xf32> -> vector<256x160xf32>
      %add3A_1271 = arith.addf %add3A_1258, %dot_general3A_1270 : vector<256x160xf32>
      %get3A_1272 = arith.constant 1536 : index
      %get3A_1273 = arith.constant 0 : index
      %get3A_1274 = vector.load %arg4[%get3A_1272, %get3A_1273] : memref<2048x128xf32, #tpu.memory_space<vmem>>, vector<256x128xf32>
      %convert_element_type3A_1275 = arith.truncf %get3A_1274 : vector<256x128xf32> to vector<256x128xbf16>
      %get3A_1276 = arith.constant 0 : index
      %get3A_1277 = arith.constant 0 : index
      %get3A_1278 = vector.load %arg18[%get3A_1276, %get3A_1277] : memref<128x128xbf16, #tpu.memory_space<vmem>>, vector<128x128xbf16>
      %dot_general3A_1279 = arith.constant dense<0.000000e+00> : vector<256x128xf32>
      %dot_general3A_1280 = tpu.matmul %convert_element_type3A_1275, %get3A_1278, %dot_general3A_1279 {dimension_numbers = #tpu.dot_dimension_numbers<[1], [0], [0], [1], [0, 0, 1, 1], [], []>, transpose_lhs_hint = false} : vector<256x128xbf16>, vector<128x128xbf16>, vector<256x128xf32> -> vector<256x128xf32>
      %convert_element_type3A_1281 = arith.truncf %add3A_1271 : vector<256x160xf32> to vector<256x160xbf16>
      %get3A_1282 = arith.constant 0 : index
      %get3A_1283 = arith.constant 0 : index
      %get3A_1284 = vector.load %arg19[%get3A_1282, %get3A_1283] : memref<160x128xbf16, #tpu.memory_space<vmem>>, vector<160x128xbf16>
      %dot_general3A_1285 = arith.constant dense<0.000000e+00> : vector<256x128xf32>
      %dot_general3A_1286 = tpu.matmul %convert_element_type3A_1281, %get3A_1284, %dot_general3A_1285 {dimension_numbers = #tpu.dot_dimension_numbers<[1], [0], [0], [1], [0, 0, 1, 1], [], []>, transpose_lhs_hint = false} : vector<256x160xbf16>, vector<160x128xbf16>, vector<256x128xf32> -> vector<256x128xf32>
      %add3A_1287 = arith.addf %dot_general3A_1280, %dot_general3A_1286 : vector<256x128xf32>
      %get3A_1288 = arith.constant 0 : index
      %get3A_1289 = arith.constant 0 : index
      %get3A_1290 = vector.load %arg20[%get3A_1288, %get3A_1289] : memref<1x128xf32, #tpu.memory_space<vmem>>, vector<1x128xf32>
      %add3A_1291 = vector.broadcast %get3A_1290 : vector<1x128xf32> to vector<256x128xf32>
      %add3A_1292 = arith.addf %add3A_1287, %add3A_1291 : vector<256x128xf32>
      %max3A_1293 = arith.constant 0.000000e+00 : f32
      %max3A_1294 = vector.broadcast %max3A_1293 : f32 to vector<256x128xf32>
      %max3A_1295 = arith.maximumf %add3A_1292, %max3A_1294 : vector<256x128xf32>
      %convert_element_type3A_1296 = arith.truncf %max3A_1295 : vector<256x128xf32> to vector<256x128xbf16>
      %get3A_1297 = arith.constant 0 : index
      %get3A_1298 = arith.constant 0 : index
      %get3A_1299 = vector.load %arg21[%get3A_1297, %get3A_1298] : memref<128x128xbf16, #tpu.memory_space<vmem>>, vector<128x128xbf16>
      %dot_general3A_1300 = arith.constant dense<0.000000e+00> : vector<256x128xf32>
      %dot_general3A_1301 = tpu.matmul %convert_element_type3A_1296, %get3A_1299, %dot_general3A_1300 {dimension_numbers = #tpu.dot_dimension_numbers<[1], [0], [0], [1], [0, 0, 1, 1], [], []>, transpose_lhs_hint = false} : vector<256x128xbf16>, vector<128x128xbf16>, vector<256x128xf32> -> vector<256x128xf32>
      %get3A_1302 = arith.constant 0 : index
      %get3A_1303 = arith.constant 0 : index
      %get3A_1304 = vector.load %arg22[%get3A_1302, %get3A_1303] : memref<1x128xf32, #tpu.memory_space<vmem>>, vector<1x128xf32>
      %add3A_1305 = vector.broadcast %get3A_1304 : vector<1x128xf32> to vector<256x128xf32>
      %add3A_1306 = arith.addf %dot_general3A_1301, %add3A_1305 : vector<256x128xf32>
      %swap3A_1307 = arith.constant 1536 : index
      %swap3A_1308 = arith.constant 0 : index
      %swap3A_1309 = vector.load %arg23[%swap3A_1307, %swap3A_1308] : memref<2048x128xf32, #tpu.memory_space<vmem>>, vector<256x128xf32>
      tpu.vector_store %arg23[%swap3A_1307, %swap3A_1308], %add3A_1306 {strides = array<i32>} : memref<2048x128xf32, #tpu.memory_space<vmem>>, vector<256x128xf32>,
      %get3A_1310 = arith.constant 0 : index
      %get3A_1311 = arith.constant 0 : index
      %get3A_1312 = vector.load %arg17[%get3A_1310, %get3A_1311] : memref<1x160xf32, #tpu.memory_space<vmem>>, vector<1x160xf32>
      %get3A_1313 = arith.constant 1792 : index
      %get3A_1314 = arith.constant 0 : index
      %get3A_1315 = vector.load %arg25[%get3A_1313, %get3A_1314] : memref<2048x512xf32, #tpu.memory_space<vmem>>, vector<256x128xf32>
      %slice3A_1316 = vector.extract_strided_slice %get3A_1315 {offsets = [0, 40], sizes = [256, 1], strides = [1, 1]} : vector<256x128xf32> to vector<256x1xf32>
      %div3A_1317 = vector.broadcast %slice3A_1316 : vector<256x1xf32> to vector<256x128xf32>
      %div3A_1318 = arith.divf %get3A_1315, %div3A_1317 : vector<256x128xf32>
      %convert_element_type3A_1319 = arith.truncf %div3A_1318 : vector<256x128xf32> to vector<256x128xbf16>
      %get3A_1320 = arith.constant 0 : index
      %get3A_1321 = arith.constant 0 : index
      %get3A_1322 = vector.load %arg16[%get3A_1320, %get3A_1321] : memref<512x160xbf16, #tpu.memory_space<vmem>>, vector<128x160xbf16>
      %dot_general3A_1323 = arith.constant dense<0.000000e+00> : vector<256x160xf32>
      %dot_general3A_1324 = tpu.matmul %convert_element_type3A_1319, %get3A_1322, %dot_general3A_1323 {dimension_numbers = #tpu.dot_dimension_numbers<[1], [0], [0], [1], [0, 0, 1, 1], [], []>, transpose_lhs_hint = false} : vector<256x128xbf16>, vector<128x160xbf16>, vector<256x160xf32> -> vector<256x160xf32>
      %add3A_1325 = vector.broadcast %get3A_1312 : vector<1x160xf32> to vector<256x160xf32>
      %add3A_1326 = arith.addf %add3A_1325, %dot_general3A_1324 : vector<256x160xf32>
      %get3A_1327 = arith.constant 1792 : index
      %get3A_1328 = arith.constant 128 : index
      %get3A_1329 = vector.load %arg25[%get3A_1327, %get3A_1328] : memref<2048x512xf32, #tpu.memory_space<vmem>>, vector<256x128xf32>
      %slice3A_1330 = vector.extract_strided_slice %get3A_1329 {offsets = [0, 40], sizes = [256, 1], strides = [1, 1]} : vector<256x128xf32> to vector<256x1xf32>
      %div3A_1331 = vector.broadcast %slice3A_1330 : vector<256x1xf32> to vector<256x128xf32>
      %div3A_1332 = arith.divf %get3A_1329, %div3A_1331 : vector<256x128xf32>
      %convert_element_type3A_1333 = arith.truncf %div3A_1332 : vector<256x128xf32> to vector<256x128xbf16>
      %get3A_1334 = arith.constant 128 : index
      %get3A_1335 = arith.constant 0 : index
      %get3A_1336 = vector.load %arg16[%get3A_1334, %get3A_1335] : memref<512x160xbf16, #tpu.memory_space<vmem>>, vector<128x160xbf16>
      %dot_general3A_1337 = arith.constant dense<0.000000e+00> : vector<256x160xf32>
      %dot_general3A_1338 = tpu.matmul %convert_element_type3A_1333, %get3A_1336, %dot_general3A_1337 {dimension_numbers = #tpu.dot_dimension_numbers<[1], [0], [0], [1], [0, 0, 1, 1], [], []>, transpose_lhs_hint = false} : vector<256x128xbf16>, vector<128x160xbf16>, vector<256x160xf32> -> vector<256x160xf32>
      %add3A_1339 = arith.addf %add3A_1326, %dot_general3A_1338 : vector<256x160xf32>
      %get3A_1340 = arith.constant 1792 : index
      %get3A_1341 = arith.constant 256 : index
      %get3A_1342 = vector.load %arg25[%get3A_1340, %get3A_1341] : memref<2048x512xf32, #tpu.memory_space<vmem>>, vector<256x128xf32>
      %slice3A_1343 = vector.extract_strided_slice %get3A_1342 {offsets = [0, 40], sizes = [256, 1], strides = [1, 1]} : vector<256x128xf32> to vector<256x1xf32>
      %div3A_1344 = vector.broadcast %slice3A_1343 : vector<256x1xf32> to vector<256x128xf32>
      %div3A_1345 = arith.divf %get3A_1342, %div3A_1344 : vector<256x128xf32>
      %convert_element_type3A_1346 = arith.truncf %div3A_1345 : vector<256x128xf32> to vector<256x128xbf16>
      %get3A_1347 = arith.constant 256 : index
      %get3A_1348 = arith.constant 0 : index
      %get3A_1349 = vector.load %arg16[%get3A_1347, %get3A_1348] : memref<512x160xbf16, #tpu.memory_space<vmem>>, vector<128x160xbf16>
      %dot_general3A_1350 = arith.constant dense<0.000000e+00> : vector<256x160xf32>
      %dot_general3A_1351 = tpu.matmul %convert_element_type3A_1346, %get3A_1349, %dot_general3A_1350 {dimension_numbers = #tpu.dot_dimension_numbers<[1], [0], [0], [1], [0, 0, 1, 1], [], []>, transpose_lhs_hint = false} : vector<256x128xbf16>, vector<128x160xbf16>, vector<256x160xf32> -> vector<256x160xf32>
      %add3A_1352 = arith.addf %add3A_1339, %dot_general3A_1351 : vector<256x160xf32>
      %get3A_1353 = arith.constant 1792 : index
      %get3A_1354 = arith.constant 384 : index
      %get3A_1355 = vector.load %arg25[%get3A_1353, %get3A_1354] : memref<2048x512xf32, #tpu.memory_space<vmem>>, vector<256x128xf32>
      %slice3A_1356 = vector.extract_strided_slice %get3A_1355 {offsets = [0, 40], sizes = [256, 1], strides = [1, 1]} : vector<256x128xf32> to vector<256x1xf32>
      %div3A_1357 = vector.broadcast %slice3A_1356 : vector<256x1xf32> to vector<256x128xf32>
      %div3A_1358 = arith.divf %get3A_1355, %div3A_1357 : vector<256x128xf32>
      %convert_element_type3A_1359 = arith.truncf %div3A_1358 : vector<256x128xf32> to vector<256x128xbf16>
      %get3A_1360 = arith.constant 384 : index
      %get3A_1361 = arith.constant 0 : index
      %get3A_1362 = vector.load %arg16[%get3A_1360, %get3A_1361] : memref<512x160xbf16, #tpu.memory_space<vmem>>, vector<128x160xbf16>
      %dot_general3A_1363 = arith.constant dense<0.000000e+00> : vector<256x160xf32>
      %dot_general3A_1364 = tpu.matmul %convert_element_type3A_1359, %get3A_1362, %dot_general3A_1363 {dimension_numbers = #tpu.dot_dimension_numbers<[1], [0], [0], [1], [0, 0, 1, 1], [], []>, transpose_lhs_hint = false} : vector<256x128xbf16>, vector<128x160xbf16>, vector<256x160xf32> -> vector<256x160xf32>
      %add3A_1365 = arith.addf %add3A_1352, %dot_general3A_1364 : vector<256x160xf32>
      %get3A_1366 = arith.constant 1792 : index
      %get3A_1367 = arith.constant 0 : index
      %get3A_1368 = vector.load %arg4[%get3A_1366, %get3A_1367] : memref<2048x128xf32, #tpu.memory_space<vmem>>, vector<256x128xf32>
      %convert_element_type3A_1369 = arith.truncf %get3A_1368 : vector<256x128xf32> to vector<256x128xbf16>
      %get3A_1370 = arith.constant 0 : index
      %get3A_1371 = arith.constant 0 : index
      %get3A_1372 = vector.load %arg18[%get3A_1370, %get3A_1371] : memref<128x128xbf16, #tpu.memory_space<vmem>>, vector<128x128xbf16>
      %dot_general3A_1373 = arith.constant dense<0.000000e+00> : vector<256x128xf32>
      %dot_general3A_1374 = tpu.matmul %convert_element_type3A_1369, %get3A_1372, %dot_general3A_1373 {dimension_numbers = #tpu.dot_dimension_numbers<[1], [0], [0], [1], [0, 0, 1, 1], [], []>, transpose_lhs_hint = false} : vector<256x128xbf16>, vector<128x128xbf16>, vector<256x128xf32> -> vector<256x128xf32>
      %convert_element_type3A_1375 = arith.truncf %add3A_1365 : vector<256x160xf32> to vector<256x160xbf16>
      %get3A_1376 = arith.constant 0 : index
      %get3A_1377 = arith.constant 0 : index
      %get3A_1378 = vector.load %arg19[%get3A_1376, %get3A_1377] : memref<160x128xbf16, #tpu.memory_space<vmem>>, vector<160x128xbf16>
      %dot_general3A_1379 = arith.constant dense<0.000000e+00> : vector<256x128xf32>
      %dot_general3A_1380 = tpu.matmul %convert_element_type3A_1375, %get3A_1378, %dot_general3A_1379 {dimension_numbers = #tpu.dot_dimension_numbers<[1], [0], [0], [1], [0, 0, 1, 1], [], []>, transpose_lhs_hint = false} : vector<256x160xbf16>, vector<160x128xbf16>, vector<256x128xf32> -> vector<256x128xf32>
      %add3A_1381 = arith.addf %dot_general3A_1374, %dot_general3A_1380 : vector<256x128xf32>
      %get3A_1382 = arith.constant 0 : index
      %get3A_1383 = arith.constant 0 : index
      %get3A_1384 = vector.load %arg20[%get3A_1382, %get3A_1383] : memref<1x128xf32, #tpu.memory_space<vmem>>, vector<1x128xf32>
      %add3A_1385 = vector.broadcast %get3A_1384 : vector<1x128xf32> to vector<256x128xf32>
      %add3A_1386 = arith.addf %add3A_1381, %add3A_1385 : vector<256x128xf32>
      %max3A_1387 = arith.constant 0.000000e+00 : f32
      %max3A_1388 = vector.broadcast %max3A_1387 : f32 to vector<256x128xf32>
      %max3A_1389 = arith.maximumf %add3A_1386, %max3A_1388 : vector<256x128xf32>
      %convert_element_type3A_1390 = arith.truncf %max3A_1389 : vector<256x128xf32> to vector<256x128xbf16>
      %get3A_1391 = arith.constant 0 : index
      %get3A_1392 = arith.constant 0 : index
      %get3A_1393 = vector.load %arg21[%get3A_1391, %get3A_1392] : memref<128x128xbf16, #tpu.memory_space<vmem>>, vector<128x128xbf16>
      %dot_general3A_1394 = arith.constant dense<0.000000e+00> : vector<256x128xf32>
      %dot_general3A_1395 = tpu.matmul %convert_element_type3A_1390, %get3A_1393, %dot_general3A_1394 {dimension_numbers = #tpu.dot_dimension_numbers<[1], [0], [0], [1], [0, 0, 1, 1], [], []>, transpose_lhs_hint = false} : vector<256x128xbf16>, vector<128x128xbf16>, vector<256x128xf32> -> vector<256x128xf32>
      %get3A_1396 = arith.constant 0 : index
      %get3A_1397 = arith.constant 0 : index
      %get3A_1398 = vector.load %arg22[%get3A_1396, %get3A_1397] : memref<1x128xf32, #tpu.memory_space<vmem>>, vector<1x128xf32>
      %add3A_1399 = vector.broadcast %get3A_1398 : vector<1x128xf32> to vector<256x128xf32>
      %add3A_1400 = arith.addf %dot_general3A_1395, %add3A_1399 : vector<256x128xf32>
      %swap3A_1401 = arith.constant 1792 : index
      %swap3A_1402 = arith.constant 0 : index
      %swap3A_1403 = vector.load %arg23[%swap3A_1401, %swap3A_1402] : memref<2048x128xf32, #tpu.memory_space<vmem>>, vector<256x128xf32>
      tpu.vector_store %arg23[%swap3A_1401, %swap3A_1402], %add3A_1400 {strides = array<i32>} : memref<2048x128xf32, #tpu.memory_space<vmem>>, vector<256x128xf32>,
    } else {
    }
    return
  }
  func.func @transform_0(%arg0: i32) -> (i32, i32) {
    %c0_i32 = arith.constant 0 : i32
    %c0_i32_0 = arith.constant 0 : i32
    return %arg0, %c0_i32 : i32, i32
  }
  func.func @transform_1(%arg0: i32) -> (i32, i32) {
    %c0_i32 = arith.constant 0 : i32
    %c0_i32_0 = arith.constant 0 : i32
    return %arg0, %c0_i32 : i32, i32
  }
  func.func @transform_2(%arg0: i32) -> (i32, i32) {
    %c0_i32 = arith.constant 0 : i32
    %c0_i32_0 = arith.constant 0 : i32
    return %arg0, %c0_i32 : i32, i32
  }
  func.func @transform_3(%arg0: i32) -> (i32, i32) {
    %c0_i32 = arith.constant 0 : i32
    %c0_i32_0 = arith.constant 0 : i32
    %c0_i32_1 = arith.constant 0 : i32
    return %c0_i32, %c0_i32_0 : i32, i32
  }
  func.func @transform_4(%arg0: i32) -> (i32, i32) {
    %c0_i32 = arith.constant 0 : i32
    %c0_i32_0 = arith.constant 0 : i32
    %c0_i32_1 = arith.constant 0 : i32
    return %c0_i32, %c0_i32_0 : i32, i32
  }
  func.func @transform_5(%arg0: i32) -> (i32, i32) {
    %c0_i32 = arith.constant 0 : i32
    %c0_i32_0 = arith.constant 0 : i32
    %c0_i32_1 = arith.constant 0 : i32
    return %c0_i32, %c0_i32_0 : i32, i32
  }
  func.func @transform_6(%arg0: i32) -> (i32, i32) {
    %c0_i32 = arith.constant 0 : i32
    %c0_i32_0 = arith.constant 0 : i32
    %c0_i32_1 = arith.constant 0 : i32
    return %c0_i32, %c0_i32_0 : i32, i32
  }
  func.func @transform_7(%arg0: i32) -> (i32, i32) {
    %c0_i32 = arith.constant 0 : i32
    %c0_i32_0 = arith.constant 0 : i32
    %c0_i32_1 = arith.constant 0 : i32
    return %c0_i32, %c0_i32_0 : i32, i32
  }
  func.func @transform_8(%arg0: i32) -> (i32, i32) {
    %c0_i32 = arith.constant 0 : i32
    %c0_i32_0 = arith.constant 0 : i32
    %c0_i32_1 = arith.constant 0 : i32
    return %c0_i32, %c0_i32_0 : i32, i32
  }
  func.func @transform_9(%arg0: i32) -> (i32, i32) {
    %c0_i32 = arith.constant 0 : i32
    %c0_i32_0 = arith.constant 0 : i32
    %c0_i32_1 = arith.constant 0 : i32
    return %c0_i32, %c0_i32_0 : i32, i32
  }
  func.func @transform_10(%arg0: i32) -> (i32, i32) {
    %c0_i32 = arith.constant 0 : i32
    %c0_i32_0 = arith.constant 0 : i32
    %c0_i32_1 = arith.constant 0 : i32
    return %c0_i32, %c0_i32_0 : i32, i32
  }
  func.func @transform_11(%arg0: i32) -> (i32, i32) {
    %c0_i32 = arith.constant 0 : i32
    %c0_i32_0 = arith.constant 0 : i32
    %c0_i32_1 = arith.constant 0 : i32
    return %c0_i32, %c0_i32_0 : i32, i32
  }
  func.func @transform_12(%arg0: i32) -> (i32, i32) {
    %c0_i32 = arith.constant 0 : i32
    %c0_i32_0 = arith.constant 0 : i32
    %c0_i32_1 = arith.constant 0 : i32
    return %c0_i32, %c0_i32_0 : i32, i32
  }
  func.func @transform_13(%arg0: i32) -> (i32, i32) {
    %c0_i32 = arith.constant 0 : i32
    %c0_i32_0 = arith.constant 0 : i32
    %c0_i32_1 = arith.constant 0 : i32
    return %c0_i32, %c0_i32_0 : i32, i32
  }
  func.func @transform_14(%arg0: i32) -> (i32, i32) {
    %c0_i32 = arith.constant 0 : i32
    %c0_i32_0 = arith.constant 0 : i32
    %c0_i32_1 = arith.constant 0 : i32
    return %c0_i32, %c0_i32_0 : i32, i32
  }
  func.func @transform_15(%arg0: i32) -> (i32, i32) {
    %c0_i32 = arith.constant 0 : i32
    %c0_i32_0 = arith.constant 0 : i32
    %c0_i32_1 = arith.constant 0 : i32
    return %c0_i32, %c0_i32_0 : i32, i32
  }
  func.func @transform_16(%arg0: i32) -> (i32, i32) {
    %c0_i32 = arith.constant 0 : i32
    %c0_i32_0 = arith.constant 0 : i32
    %c0_i32_1 = arith.constant 0 : i32
    return %c0_i32, %c0_i32_0 : i32, i32
  }
  func.func @transform_17(%arg0: i32) -> (i32, i32) {
    %c0_i32 = arith.constant 0 : i32
    %c0_i32_0 = arith.constant 0 : i32
    %c0_i32_1 = arith.constant 0 : i32
    return %c0_i32, %c0_i32_0 : i32, i32
  }
  func.func @transform_18(%arg0: i32) -> (i32, i32) {
    %c0_i32 = arith.constant 0 : i32
    %c0_i32_0 = arith.constant 0 : i32
    %c0_i32_1 = arith.constant 0 : i32
    return %c0_i32, %c0_i32_0 : i32, i32
  }
  func.func @transform_19(%arg0: i32) -> (i32, i32) {
    %c0_i32 = arith.constant 0 : i32
    %c0_i32_0 = arith.constant 0 : i32
    %c0_i32_1 = arith.constant 0 : i32
    return %c0_i32, %c0_i32_0 : i32, i32
  }
  func.func @transform_20(%arg0: i32) -> (i32, i32) {
    %c0_i32 = arith.constant 0 : i32
    %c0_i32_0 = arith.constant 0 : i32
    %c0_i32_1 = arith.constant 0 : i32
    return %c0_i32, %c0_i32_0 : i32, i32
  }
  func.func @transform_21(%arg0: i32) -> (i32, i32) {
    %c0_i32 = arith.constant 0 : i32
    %c0_i32_0 = arith.constant 0 : i32
    %c0_i32_1 = arith.constant 0 : i32
    return %c0_i32, %c0_i32_0 : i32, i32
  }
  func.func @transform_22(%arg0: i32) -> (i32, i32) {
    %c0_i32 = arith.constant 0 : i32
    %c0_i32_0 = arith.constant 0 : i32
    %c0_i32_1 = arith.constant 0 : i32
    return %c0_i32, %c0_i32_0 : i32, i32
  }
}

</mosaic_0001>

<sc_bundles>
// kernel: kernel.4.cloned.1.call-start
scs
__scs_entry_jumppad:
0x0: {  	(pc) =	sbr.rel $0x88, $3  }
0x1: {  	(tag) =	ssettag $0x0;
	lr =	simm.s32 $0x1  }
0x2: {  	[smem:$0x3F91] =	sst lr;
	_ =	strace $0xD0000000  }
0x3: {  	_ = 	snop  }
0x4: {  	_ = 	snop  }
0x5: {  	_ = 	snop  }
0x6: {  	_ = 	snop  }
0x7: {  	_ = 	snop  }
__scs_overlays_trampoline_lowered:
0x8: {  	[smem:$0x3FA0] =	sst s0  }
0x9: {  	[smem:$0x3FA1] =	sst s1  }
0xa: {  	[smem:$0x3FA2] =	sst s2  }
0xb: {  	[smem:$0x3FA3] =	sst s3  }
0xc: {  	[smem:$0x3FA4] =	sst s4  }
0xd: {  	[smem:$0x3FA5] =	sst s5  }
0xe: {  	[smem:$0x3FA6] =	sst s6  }
0xf: {  	[smem:$0x3FA7] =	sst s7  }
0x10: {  	[smem:$0x3FA8] =	sst s8  }
0x11: {  	[smem:$0x3FA9] =	sst s9;
	s0 =	simm.s32 @!p0 $0x0  }
0x12: {  	s1 =	sld [smem:$0x3F8F];
	s0 =	simm.s32 @p0 $0x1  }
0x13: {  	[smem:$0x3FAA] =	sst s0;
	s0 =	simm.s32 @!p1 $0x0  }
0x14: {  	s2 =	sld [smem:$0x3F8E];
	s0 =	simm.s32 @p1 $0x1  }
0x15: {  	[smem:$0x3FAB] =	sst s0;
	s0 =	simm.s32 @!p2 $0x0  }
0x16: {  	s3 =	sld [smem:$0x3FDB];
	s0 =	simm.s32 @p2 $0x1  }
0x17: {  	s4 =	simm.s32 $0x1BF5;
	[smem:$0x3FAD] =	sst s0  }
0x18: {  	s0 =	sld [smem:$0x3F90];
	_ =	swait.ge [sflag:s4], $0x0  }
0x19: {  	s7 =	sld [smem:$0x3F91]  }
0x1a: {  	s8 =	sadd.s32 $0xFFFFE003, lr  }
0x1b: {  	s9 =	sadd.s32 $0xFFFFFEF7, lr;
	s5 =	simm.s32 $0xFFFFFFFF;
	p2 =	slt.u32 s8, $0xFFFFF086  }
0x1c: {  	p1 =	slt.u32 s9, $0xF7A;
	s5 =	simm.s32 @!p2 $0x0  }
0x1d: {  	s5 =	simm.s32 @p1 $0x1;
	p0 =	seq.s32 s7, s2  }
0x1e: {  	s7 =	smul.u32 @!p0 $0xF7A, s2;
	p2 =	seq.s32 @!p0 s5, $0x0  }
0x1f: {  	s9 =	smul.u32 $0xF7A, s1;
	s8 =	simm.s32 @!p0 $0x1BF5;
	p2 =	por !p2, p0  }
0x20: {  	[sflag:s8] =	ssyncset.s32 @!p0 $0xFFFFF086;
	s6 =	sadd.s32 @!p0 s3, s7;
	s7 =	simm.s32 @!p0 $0x108  }
0x21: {  	s3 =	sadd.s32 s3, s9;
	s6 =	sadd.s32 @!p0 $0x88, s6;
	s7 =	simm.s32 @p2 $0x1082  }
0x22: {  	[simem:s7], [sflag:s8] =	dma.local @!p0 [hbm:s6], $0xF7A  }
0x23: {  	s9 =	sor.u32 $0xD0000000, s2;
	s6 =	simm.s32 $0x108;
	_ =	swait.ge @!p0 [sflag:s8], $0x0  }
0x24: {  	s3 =	sadd.s32 $0x88, s3;
	s6 =	simm.s32 @!p1 $0x1082;
	[sflag:s4] =	ssyncset.s32 $0xFFFFF086  }
0x25: {  	[simem:s6], [sflag:s4] =	dma.local [hbm:s3], $0xF7A  }
0x26: {  	[smem:$0x3F91] =	sst s1;
	(tag) =	ssettag s2;
	_ =	strace s9  }
0x27: {  	s1 =	sld [smem:$0x3FA1]  }
0x28: {  	s2 =	sld [smem:$0x3FA2]  }
0x29: {  	s4 =	sld [smem:$0x3FA4]  }
0x2a: {  	p0 =	seq.s32 s5, $0x0;
	s5 =	sld [smem:$0x3FA5]  }
0x2b: {  	s6 =	sld [smem:$0x3FA6]  }
0x2c: {  	s7 =	sld [smem:$0x3FA7]  }
0x2d: {  	s3 =	simm.s32 $0x108;
	s8 =	sld [smem:$0x3FA8]  }
0x2e: {  	s3 =	simm.s32 @!p0 $0x1082;
	s9 =	sld [smem:$0x3FA9]  }
0x2f: {  	lr =	sadd.s32 s0, s3;
	s0 =	sld [smem:$0x3FA0]  }
0x30: {  	s3 =	sld [smem:$0x3FA3]  }
0x31: {  	[smem:$0x3FAC] =	sst s10  }
0x32: {  	s10 =	sld [smem:$0x3FAA];
	_ =	sdelay $0x3  }
0x33: {  	p0 =	seq.s32 s10, $0x1;
	s10 =	sld [smem:$0x3FAC];
	_ =	sdelay $0x3  }
0x34: {  	[smem:$0x3FAC] =	sst s10  }
0x35: {  	s10 =	sld [smem:$0x3FAB];
	_ =	sdelay $0x3  }
0x36: {  	p1 =	seq.s32 s10, $0x1;
	s10 =	sld [smem:$0x3FAC];
	_ =	sdelay $0x3  }
0x37: {  	[smem:$0x3FAC] =	sst s10  }
0x38: {  	s10 =	sld [smem:$0x3FAD]  }
0x39: {  	_ = 	snop;
	(pc) =	sbr.ind lr, $3  }
0x3a: {  	_ = 	snop  }
0x3b: {  	_ = 	snop  }
0x3c: {  	p2 =	seq.s32 s10, $0x1;
	s10 =	sld [smem:$0x3FAC]  }
0x3d: {  	_ =	shalt  }
0x3e: {  	_ =	shalt  }
0x3f: {  	_ =	shalt  }
0x40: {  	_ =	shalt  }
0x41: {  	_ =	shalt  }
0x42: {  	_ =	shalt  }
0x43: {  	_ =	shalt  }
0x44: {  	_ =	shalt  }
0x45: {  	_ =	shalt  }
0x46: {  	_ =	shalt  }
0x47: {  	_ =	shalt  }
0x48: {  	_ =	shalt  }
0x49: {  	_ =	shalt  }
0x4a: {  	_ =	shalt  }
0x4b: {  	_ =	shalt  }
0x4c: {  	_ =	shalt  }
0x4d: {  	_ =	shalt  }
0x4e: {  	_ =	shalt  }
0x4f: {  	_ =	shalt  }
0x50: {  	_ =	shalt  }
0x51: {  	_ =	shalt  }
0x52: {  	_ =	shalt  }
0x53: {  	_ =	shalt  }
0x54: {  	_ =	shalt  }
0x55: {  	_ =	shalt  }
0x56: {  	_ =	shalt  }
0x57: {  	_ =	shalt  }
0x58: {  	_ =	shalt  }
0x59: {  	_ =	shalt  }
0x5a: {  	_ =	shalt  }
0x5b: {  	_ =	shalt  }
0x5c: {  	_ =	shalt  }
0x5d: {  	_ =	shalt  }
0x5e: {  	_ =	shalt  }
0x5f: {  	_ =	shalt  }
0x60: {  	_ =	shalt  }
0x61: {  	_ =	shalt  }
0x62: {  	_ =	shalt  }
0x63: {  	_ =	shalt  }
0x64: {  	_ =	shalt  }
0x65: {  	_ =	shalt  }
0x66: {  	_ =	shalt  }
0x67: {  	_ =	shalt  }
0x68: {  	_ =	shalt  }
0x69: {  	_ =	shalt  }
0x6a: {  	_ =	shalt  }
0x6b: {  	_ =	shalt  }
0x6c: {  	_ =	shalt  }
0x6d: {  	_ =	shalt  }
0x6e: {  	_ =	shalt  }
0x6f: {  	_ =	shalt  }
0x70: {  	_ =	shalt  }
0x71: {  	_ =	shalt  }
0x72: {  	_ =	shalt  }
0x73: {  	_ =	shalt  }
0x74: {  	_ =	shalt  }
0x75: {  	_ =	shalt  }
0x76: {  	_ =	shalt  }
0x77: {  	_ =	shalt  }
0x78: {  	_ =	shalt  }
0x79: {  	_ =	shalt  }
0x7a: {  	_ =	shalt  }
0x7b: {  	_ =	shalt  }
0x7c: {  	_ =	shalt  }
0x7d: {  	_ =	shalt  }
0x7e: {  	_ =	shalt  }
0x7f: {  	_ =	shalt  }
0x80: {  	_ =	shalt  }
0x81: {  	_ =	shalt  }
0x82: {  	_ =	shalt  }
0x83: {  	_ =	shalt  }
0x84: {  	_ =	shalt  }
0x85: {  	_ =	shalt  }
0x86: {  	_ =	shalt  }
0x87: {  	_ =	shalt  }
.Lfunc_end0:
.L_simem_size_0:
called_computation_lowered:
.L_overlay_start_0:
0x88: {  	s2 =	sld [smem:$0x3FD9]  }
0x89: {  	s3 =	sld [smem:$0x3FFE];
	_ =	sdelay $0x1  }
0x8a: {  	s1 =	srdreg.scid  }
0x8b: {  	s0 =	sand.u32 $0x1, s1  }
0x8c: {  	s17 =	sshll.u32 s0, $0xA;
	s2 =	sadd.s32 s3, s2  }
0x8d: {  	s2 =	sadd.s32 s2, s17  }
0x8e: {  	[smem:$0x3FB8] =	sst s2  }
0x8f: {  	_ = 	snop  }
0x90: {  	s2 =	sld [smem:$0x3FC9]  }
0x91: {  	s18 =	sld [smem:$0x3FBA]  }
0x92: {  	s4 =	sld [smem:$0x3FD0];
	(tm) =	ssettm $0x1  }
0x93: {  	s5 =	sld [smem:$0x3FFB];
	_ =	sdelay $0x3  }
0x94: {  	_ =	strace s5  }
0x95: {  	s5 =	sld [smem:$0x3FFC];
	_ =	sdelay $0x3  }
0x96: {  	_ =	strace s5  }
0x97: {  	s5 =	sld [smem:$0x3FFD];
	_ =	sdelay $0x3  }
0x98: {  	_ =	strace s5  }
0x99: {  	_ =	strace $0x8FFFFFFF  }
0x9a: {  	s19 =	sld [smem:$0x3FDB];
	_ =	sdelay $0x1  }
0x9b: {  	s6 =	simm.s32 $_scs_section_size  }
0x9c: {  	s7 =	simm.s32 $_size__tile_overlayer_lowered;
	s8 =	simm.s32 $_tile_overlayer_lowered  }
0x9d: {  	s22 =	simm.s32 $0x1BFF;
	s21 =	sshll.u32 s8, $0x1;
	s5 =	sadd.s32 s6, s19  }
0x9e: {  	s9 =	simm.s32 $0x0;
	s20 =	sshll.u32 s7, $0x1;
	s7 =	sadd.s32 s21, s5  }
0x9f: {  	[timem:s9], [sflag:s22] =	dma.local [hbm:s7], s20  }
0xa0: {  	_ =	swait.ge [sflag:s22], s20  }
0xa1: {  	s6 =	ssub.s32 $0x0, s20;
	[sflag:s22] =	ssyncset.done $0x0  }
0xa2: {  	[sflag:s22] =	ssyncadd.s32 s6;
	_ =	sdelay $0x1  }
0xa3: {  	s23 =	simm.s32 $0x1B8B  }
0xa4: {  	_ =	swait.ge [sflag:s23], $0x1  }
0xa5: {  	[sflag:s23] =	ssyncset.done $0x0  }
0xa6: {  	s25 =	simm.s32 $0x1B8E;
	s24 =	sld [smem:$0x3FFE];
	[sflag:s23] =	ssyncadd.s32 $0xFFFFFFFF  }
0xa7: {  	s26 =	simm.s32 $execute0_lowered;
	[smem:$0x3FD2] =	sst s25  }
0xa8: {  	s7 =	sshll.u32 s26, $0x1;
	_ =	strace $0x80000046;
	[dreg:$0x1] =	wrdreg $0xFFFFFFFF  }
0xa9: {  	s28 =	simm.s32 $_size_execute0_lowered;
	s5 =	sadd.s32 s5, s7;
	[dreg:$0x0] =	wrdreg $0x0  }
0xaa: {  	s7 =	sshll.u32 s28, $0x1;
	[dreg:$0x2] =	wrdreg s5  }
0xab: {  	[dreg:$0x3] =	wrdreg s7  }
0xac: {  	[dreg:$0x4] =	wrdreg $0xC0  }
0xad: {  	_ =	task [dreg:s9], $0x5FFFF  }
0xae: {  	[dreg:$0x1] =	wrdreg $0xFFFFFFFF  }
0xaf: {  	[dreg:$0x0] =	wrdreg $0x60  }
0xb0: {  	[dreg:$0x2] =	wrdreg s2  }
0xb1: {  	[dreg:$0x3] =	wrdreg s24  }
0xb2: {  	[dreg:$0x4] =	wrdreg s18  }
0xb3: {  	[dreg:$0x5] =	wrdreg s4  }
0xb4: {  	[dreg:$0x6] =	wrdreg $0x9  }
0xb5: {  	_ =	task.clear_ibuf [dreg:s9], $0x7FFFF;
	_ =	strace $0x90000046  }
0xb6: {  	s29 =	simm.s32 $0x9;
	_ =	strace $0x80000056  }
0xb7: {  	_ =	swait.ge [sflag:s29], $0x1  }
0xb8: {  	[sflag:s29] =	ssyncadd.s32 $0xFFFFFFFF  }
0xb9: {  	_ =	strace $0x90000056  }
0xba: {  	_ =	sfence  }
0xbb: {  	s30 =	sld [smem:$0x0];
	_ =	sdelay $0x2  }
0xbc: {  	s31 =	sshll.u32 s1, $0xD;
	s1 =	sshrl.u32 s1, $0x2  }
0xbd: {  	s3 =	sand.u32 $0x4000, s31;
	s1 =	sadd.s32 s1, s30  }
0xbe: {  	s0 =	sor.u32 s3, s0;
	s1 =	sshll.u32 s1, $0x11  }
0xbf: {  	s0 =	sor.u32 s1, s0  }
0xc0: {  	s0 =	sadd.s32 $0x8F2B, s0  }
0xc1: {  	[sflag:s0] =	ssyncadd.remote.s32 $0x1  }
0xc2: {  	_ =	sfence.sel $0xFFFF  }
0xc3: {  	[dreg:$0x0] =	wrdreg $0xFFFFFFFF;
	(pc) =	sbr.abs _section_cstart, $3  }
0xc4: {  	[dreg:$0x1] =	wrdreg $0xFFFFFFFF  }
0xc5: {  	_ =	task.clear_ibuf [dreg:s9], $0x2FFFF;
	_ =	strace $0x9FFFFFFF  }
0xc6: {  	(tm) =	ssettm $0x7FFFFFFF  }
0xc7: {  	_ =	shalt  }
tec
execute0_lowered:
.L_overlay_start_1:
0x0: {  	(tag) =	ssettag $0x1  }
0x1: {  	s1 =	rddreg [dreg:$0x0]  }
0x2: {  	s5 =	rddreg [dreg:$0x1]  }
0x3: {  	s7 =	rddreg [dreg:$0x2]  }
0x4: {  	s8 =	rddreg [dreg:$0x3]  }
0x5: {  	s2 =	simm.s32 $0x0;
	s3 =	srdreg.scid;
	s0 =	stileid.u32  }
0x6: {  	s31 =	simm.s32 $0x80;
	s13 =	simm.s32 $0x0;
	[smem:$0x7FF] =	sst s2  }
0x7: {  	s4 =	sadd.s32 $0x3E00, s5;
	s12 =	sand.u32 $0x1, s3;
	s5 =	sadd.s32 $0x4E00, s5  }
0x8: {  	_ =	strace $0x80000047;
	s6 =	ssub.s32 $0x2, s12;
	[dreg:$0x6] =	wrdreg s5  }
0x9: {  	s9 =	sshll.u32 s12, $0x4;
	[dreg:$0x5] =	wrdreg s31;
	p0 =	sne.s32 s12, $0x0  }
0xa: {  	s12 =	simm.s32 $0x4;
	s10 =	sshrl.u32 s6, $0x1;
	s9 =	sor.u32 s0, s9  }
0xb: {  	s0 =	simm.s32 @!p0 $0x0;
	s10 =	ssub.s32 s6, s10;
	s11 =	smin.u32 s9, $0x10  }
0xc: {  	s5 =	sshll.u32 s9, $0x3;
	s28 =	sshll.u32 s9, $0x7;
	s0 =	simm.s32 @p0 $0x1  }
0xd: {  	s29 =	sshll.u32 s11, $0x4;
	s6 =	sadd.s32 s4, s28;
	s30 =	sshll.u32 s11, $0xB  }
0xe: {  	s9 =	smax.u32 s10, $0x1;
	s10 =	simm.s32 $0x1;
	s11 =	simm.s32 $0x5  }
0xf: {  	[smem:$0x7FD] =	sst s0;
	s7 =	sadd.s32 s7, s29;
	s8 =	sadd.s32 s8, s30  }
.LBB2_1:
0x10: {  	_ =	strace $0x80000048;
	s14 =	simm.s32 $0x1;
	p1 =	por $0x0, $0x0  }
0x11: {  	[tilespmem:s2], [sflag:$0x1] =	stream.linear.gather [hbm4b:s6+s2], $0x80, $0x200038;
	[tilespmem:$0x8100] =	vst v63  }
0x12: {  	s14 =	simm.s32 @p1 $0x0  }
0x13: {  	p6 =	por $0x1, $0x1;
	p2 =	sne.s32 s14, $0x0  }
0x14: {  	p1 =	por !p6, !p2  }
0x15: {  	s24 =	sand.u32 $0x1, s2;
	p4 =	por !p1, !p1  }
0x16: {  	s26 =	simm.s32 $0x0;
	s21 =	sadd.s32 $0x0, s5;
	s15 =	sadd.s32 @p4 s5, s14  }
0x17: {  	_ =	strace $0x90000048;
	s16 =	sand.u32 @p4 $0x1, s10;
	s15 =	sshll.u32 @p4 s15, $0x4  }
0x18: {  	s17 =	simm.s32 @p4 $0x0;
	_ =	strace @p4 $0x80000049;
	s15 =	sand.u32 @p4 $0x1FFFFFF0, s15  }
0x19: {  	s18 =	sshll.u32 @p4 s16, $0x7;
	s16 =	sadd.s32 @p4 $0x1, s16;
	s15 =	sadd.s32 @p4 s4, s15  }
0x1a: {  	[tilespmem:s18], [sflag:s16] =	stream.linear.gather @p4 [hbm4b:s15+s17], $0x80, $0x200038;
	[tilespmem:$0x8100] =	vst v63  }
0x1b: {  	p5 =	por $0x0, $0x0;
	p0 =	por $0x0, $0x0;
	_ =	strace @p4 $0x90000049  }
0x1c: {  	s28 =	simm.s32 $0x1;
	s25 =	sadd.s32 $0x1, s24;
	_ =	strace $0x8000004A  }
0x1d: {  	s19 =	sshll.u32 s24, $0xE;
	p1 =	por $0x1, $0x1;
	_ =	swait.ge [sflag:s25], $0x80  }
0x1e: {  	p3 =	por p1, p1;
	s15 =	simm.s32 $0x7;
	[sflag:s25] =	ssyncset.done $0x0  }
0x1f: {  	s17 =	simm.s32 $0x6;
	s18 =	sand.u32 @!p1 $0x1, s2;
	[sflag:s25] =	ssyncadd.s32 $0xFFFFFF80  }
0x20: {  	p1 =	por $0x0, $0x0;
	s16 =	sand.u32 $0x80, s26;
	_ =	strace $0x9000004A  }
0x21: {  	s22 =	sadd.s32 @!p3 $0x3, s18;
	s18 =	simm.s32 $0x0;
	_ =	strace $0x8000004B  }
0x22: {  	s25 =	sor.u32 $0x100, s19;
	s19 =	simm.s32 $0x1;
	s20 =	rddreg [dreg:$0x5]  }
0x23: {  	[tilespmem:s25], [sflag:$0x5] =	stream.indirect.gather [hbm4b:s1+s20], $0x80, s16, s20, $0x2000b8;
	[tilespmem:$0x8100] =	vst v63  }
0x24: {  	s19 =	simm.s32 @!p5 $0x0;
	p5 =	por $0x1, $0x1;
	s20 =	sadd.s32 $0x1, s14  }
0x25: {  	s16 =	simm.s32 $0x1;
	_ =	swait.ge [sflag:s11], $0x4000;
	p6 =	seq.s32 s20, $0x8  }
0x26: {  	s16 =	simm.s32 @!p4 $0x0;
	[sflag:s11] =	ssyncset.done $0x0;
	s20 =	simm.s32 @p6 $0x0  }
0x27: {  	p6 =	por p0, p2;
	s23 =	sadd.s32 $0x1, s16;
	s16 =	simm.s32 $0x0  }
0x28: {  	[sflag:s11] =	ssyncadd.s32 $0xFFFFC000;
	p2 =	sne.s32 s14, s20;
	s26 =	sshll.u32 @p6 s21, $0xB  }
0x29: {  	s28 =	simm.s32 @!p6 $0x0;
	p4 =	por !p5, !p2;
	_ =	strace $0x9000004B  }
0x2a: {  	s21 =	simm.s32 $0x0;
	p4 =	por !p4, !p4;
	_ =	strace @p6 $0x8000004C  }
0x2b: {  	s29 =	sand.u32 @p4 $0x1, s23;
	s31 =	sadd.s32 @p4 s5, s20;
	s30 =	rddreg [dreg:$0x6]  }
.LBB2_2:
0x2c: {  	s31 =	sshll.u32 @p4 s31, $0x4;
	s0 =	sand.u32 @p6 $0x1FFFF800, s26;
	s18 =	sadd.s32 s28, s18  }
0x2d: {  	s26 =	smov.u32 s15;
	s15 =	smov.u32 s17;
	s24 =	sadd.s32 @p6 $0x3, s24  }
0x2e: {  	s3 =	simm.s32 @p6 $0x0;
	s21 =	sadd.s32 s28, s21;
	s0 =	sadd.s32 @p6 s30, s0  }
0x2f: {  	[hbm4b:s0+s3] =	stream.linear.scatter @p6 [tilespmem:s25], [sflag:s24], $0x4000, $0x200038;
	[tilespmem:$0x8100] =	vst v63  }
0x30: {  	s17 =	sadd.s32 $0xFFFFFFFF, s17;
	s16 =	sadd.s32 s19, s16;
	_ =	strace @p6 $0x9000004C  }
0x31: {  	s31 =	sand.u32 @p4 $0x1FFFFFF0, s31;
	p5 =	sne.s32 s17, $0x0;
	_ =	strace @!p3 $0x8000004D  }
0x32: {  	s19 =	sand.u32 @!p1 $0x1, s16;
	s31 =	sadd.s32 @p4 s4, s31;
	_ =	swait.ge @!p3 [sflag:s22], $0x4000  }
0x33: {  	s0 =	sand.u32 $0x1, s21;
	s3 =	sshll.u32 s21, $0x7;
	[sflag:s22] =	ssyncset.done @!p3 $0x0  }
0x34: {  	s24 =	simm.s32 @p4 $0x0;
	s25 =	sadd.s32 @p4 $0x1, s29;
	[sflag:s22] =	ssyncadd.s32 @!p3 $0xFFFFC000  }
0x35: {  	s0 =	sadd.s32 $0x1, s0;
	p6 =	sne.s32 s26, $0x8;
	_ =	strace @!p3 $0x9000004D  }
0x36: {  	s3 =	sand.u32 $0x80, s3;
	s22 =	sshll.u32 @p4 s29, $0x7;
	_ =	strace @p4 $0x80000049  }
0x37: {  	[tilespmem:s22], [sflag:s25] =	stream.linear.gather @p4 [hbm4b:s31+s24], $0x80, $0x200038;
	[tilespmem:$0x8100] =	vst v63  }
0x38: {  	p3 =	por p1, p1;
	p1 =	seq.s32 s15, $0x8;
	_ =	strace @p4 $0x90000049  }
0x39: {  	s24 =	sand.u32 $0x1, s18;
	s22 =	sadd.s32 @!p3 $0x3, s19;
	_ =	strace $0x8000004A  }
0x3a: {  	s19 =	simm.s32 $0x1;
	s25 =	sshll.u32 s24, $0xE;
	_ =	swait.ge [sflag:s0], $0x80  }
0x3b: {  	s19 =	simm.s32 @!p6 $0x0;
	p6 =	seq.s32 s26, $0x1;
	[sflag:s0] =	ssyncset.done $0x0  }
0x3c: {  	s25 =	sor.u32 $0x100, s25;
	[sflag:s0] =	ssyncadd.s32 $0xFFFFFF80;
	s0 =	sadd.s32 s5, s14  }
0x3d: {  	s14 =	smov.u32 s20;
	s20 =	sadd.s32 $0x1, s20;
	_ =	strace $0x9000004A  }
0x3e: {  	p6 =	por p6, p2;
	p0 =	seq.s32 s20, $0x8;
	_ =	strace $0x8000004B  }
0x3f: {  	s26 =	sshll.u32 @p6 s0, $0xB;
	s20 =	simm.s32 @p0 $0x0;
	s28 =	rddreg [dreg:$0x5]  }
0x40: {  	[tilespmem:s25], [sflag:$0x5] =	stream.indirect.gather [hbm4b:s1+s28], $0x80, s3, s28, $0x2000b8;
	[tilespmem:$0x8100] =	vst v63  }
0x41: {  	p2 =	sne.s32 s14, s20;
	s3 =	simm.s32 $0x1;
	_ =	swait.ge [sflag:s11], $0x4000  }
.Ltmp0:
0x42: {  	s28 =	simm.s32 $0x1;
	[sflag:s11] =	ssyncset.done $0x0;
	(pc) =	sbr.rel @p5 .LBB2_2-.Ltmp0, $4  }
0x43: {  	s3 =	simm.s32 @!p4 $0x0;
	p4 =	sne.s32 s15, $0x1;
	[sflag:s11] =	ssyncadd.s32 $0xFFFFC000  }
0x44: {  	s28 =	simm.s32 @!p6 $0x0;
	p0 =	por !p4, !p2;
	_ =	strace $0x9000004B  }
0x45: {  	s23 =	sadd.s32 s3, s23;
	p4 =	por !p0, !p0;
	_ =	strace @p6 $0x8000004C  }
0x46: {  	s29 =	sand.u32 @p4 $0x1, s23;
	s31 =	sadd.s32 @p4 s5, s20;
	s30 =	rddreg [dreg:$0x6]  }
0x47: {  	s0 =	sand.u32 @p6 $0x1FFFF800, s26  }
0x48: {  	s3 =	sadd.s32 @p6 $0x3, s24;
	s17 =	simm.s32 @p6 $0x0;
	s0 =	sadd.s32 @p6 s30, s0  }
0x49: {  	[hbm4b:s0+s17] =	stream.linear.scatter @p6 [tilespmem:s25], [sflag:s3], $0x4000, $0x200038;
	[tilespmem:$0x8100] =	vst v63  }
0x4a: {  	_ =	strace @p6 $0x9000004C  }
0x4b: {  	_ =	strace @!p3 $0x8000004D  }
0x4c: {  	_ =	swait.ge @!p3 [sflag:s22], $0x4000  }
0x4d: {  	s20 =	sshll.u32 @p4 s29, $0x7;
	[sflag:s22] =	ssyncset.done @!p3 $0x0  }
0x4e: {  	s0 =	sshll.u32 @p4 s31, $0x4;
	s25 =	sadd.s32 s28, s21;
	[sflag:s22] =	ssyncadd.s32 @!p3 $0xFFFFC000  }
0x4f: {  	s17 =	simm.s32 @p4 $0x0;
	s0 =	sand.u32 @p4 $0x1FFFFFF0, s0;
	_ =	strace @!p3 $0x9000004D  }
0x50: {  	s21 =	sadd.s32 @p4 $0x1, s29;
	s0 =	sadd.s32 @p4 s4, s0;
	_ =	strace @p4 $0x80000049  }
0x51: {  	[tilespmem:s20], [sflag:s21] =	stream.linear.gather @p4 [hbm4b:s0+s17], $0x80, $0x200038;
	[tilespmem:$0x8100] =	vst v63  }
0x52: {  	s26 =	sand.u32 $0x1, s25;
	_ =	strace @p4 $0x90000049  }
0x53: {  	s0 =	sadd.s32 $0x1, s26;
	_ =	strace $0x8000004A  }
0x54: {  	_ =	swait.ge [sflag:s0], $0x80  }
0x55: {  	[sflag:s0] =	ssyncset.done $0x0  }
0x56: {  	s28 =	sadd.s32 s28, s18;
	[sflag:s0] =	ssyncadd.s32 $0xFFFFFF80  }
0x57: {  	s0 =	sand.u32 $0x1, s28;
	_ =	strace $0x9000004A  }
0x58: {  	s3 =	sshll.u32 s25, $0x7;
	s30 =	sshll.u32 s0, $0xE;
	_ =	strace $0x8000004B  }
0x59: {  	s3 =	sand.u32 $0x80, s3;
	s18 =	sor.u32 $0x100, s30;
	s29 =	rddreg [dreg:$0x5]  }
0x5a: {  	[tilespmem:s18], [sflag:$0x5] =	stream.indirect.gather [hbm4b:s1+s29], $0x80, s3, s29, $0x2000b8;
	[tilespmem:$0x8100] =	vst v63  }
0x5b: {  	_ =	swait.ge [sflag:s11], $0x4000  }
0x5c: {  	[sflag:s11] =	ssyncset.done $0x0  }
0x5d: {  	p0 =	seq.s32 s15, $0x1;
	[sflag:s11] =	ssyncadd.s32 $0xFFFFC000  }
0x5e: {  	p0 =	por p0, p2;
	s3 =	sadd.s32 s5, s14;
	_ =	strace $0x9000004B  }
0x5f: {  	s3 =	sshll.u32 @p0 s3, $0xB;
	_ =	strace @p0 $0x8000004C  }
0x60: {  	s15 =	sadd.s32 s19, s16;
	s3 =	sand.u32 @p0 $0x1FFFF800, s3;
	s14 =	rddreg [dreg:$0x6]  }
0x61: {  	s16 =	simm.s32 @p0 $0x0;
	s0 =	sadd.s32 @p0 $0x3, s0;
	s3 =	sadd.s32 @p0 s14, s3  }
0x62: {  	[hbm4b:s3+s16] =	stream.linear.scatter @p0 [tilespmem:s18], [sflag:s0], $0x4000, $0x200038;
	[tilespmem:$0x8100] =	vst v63  }
0x63: {  	s0 =	sand.u32 @!p1 $0x1, s15;
	p1 =	por p1, p1;
	_ =	strace @p0 $0x9000004C  }
0x64: {  	s0 =	sadd.s32 @!p1 $0x3, s0;
	_ =	strace @!p1 $0x8000004D  }
0x65: {  	_ =	swait.ge @!p1 [sflag:s0], $0x4000  }
0x66: {  	[sflag:s0] =	ssyncset.done @!p1 $0x0  }
0x67: {  	[sflag:s0] =	ssyncadd.s32 @!p1 $0xFFFFC000  }
0x68: {  	_ =	strace @!p1 $0x9000004D  }
0x69: {  	_ =	strace $0x8000004E  }
0x6a: {  	_ =	swait.ge [sflag:s12], $0x4000  }
0x6b: {  	[sflag:s12] =	ssyncset.done $0x0  }
0x6c: {  	[sflag:s12] =	ssyncadd.s32 $0xFFFFC000  }
0x6d: {  	_ =	strace $0x9000004E  }
0x6e: {  	s31 =	sld [smem:$0x7FD];
	_ =	sdelay $0x2  }
0x6f: {  	p1 =	seq.s32 s31, $0x1  }
0x70: {  	_ =	strace @!p1 $0x8000004F;
	s0 =	simm.s32 @!p1 $0x0  }
0x71: {  	[tilespmem:s0], [sflag:$0x1] =	stream.linear.gather @!p1 [hbm4b:s7+s0], $0x80, $0x200038;
	[tilespmem:$0x8100] =	vst v63  }
0x72: {  	_ =	strace @!p1 $0x9000004F  }
0x73: {  	s3 =	simm.s32 @!p1 $0x1;
	_ =	strace @!p1 $0x80000051  }
0x74: {  	_ =	swait.ge @!p1 [sflag:s3], $0x80  }
0x75: {  	[sflag:s3] =	ssyncset.done @!p1 $0x0  }
0x76: {  	[sflag:s3] =	ssyncadd.s32 @!p1 $0xFFFFFF80  }
0x77: {  	_ =	strace @!p1 $0x90000051  }
0x78: {  	s14 =	simm.s32 @!p1 $0x100;
	s3 =	simm.s32 @!p1 $0x80;
	_ =	strace @!p1 $0x80000052  }
0x79: {  	[tilespmem:s14], [sflag:$0x5] =	stream.indirect.gather @!p1 [hbm4b:s1+s3], $0x80, s0, s3, $0x2000b8;
	[tilespmem:$0x8100] =	vst v63  }
0x7a: {  	s3 =	simm.s32 @!p1 $0x5  }
0x7b: {  	_ =	swait.ge @!p1 [sflag:s3], $0x4000  }
0x7c: {  	[sflag:s3] =	ssyncset.done @!p1 $0x0  }
0x7d: {  	[sflag:s3] =	ssyncadd.s32 @!p1 $0xFFFFC000  }
0x7e: {  	_ =	strace @!p1 $0x90000052  }
0x7f: {  	s13 =	sadd.s32 $0x1, s13;
	_ =	strace @!p1 $0x80000053  }
0x80: {  	[hbm4b:s8+s0] =	stream.linear.scatter @!p1 [tilespmem:s14], [sflag:$0x3], $0x4000, $0x200038;
	[tilespmem:$0x8100] =	vst v63  }
0x81: {  	p0 =	sne.s32 s13, s9;
	_ =	strace @!p1 $0x90000053  }
.Ltmp1:
0x82: {  	s0 =	simm.s32 @!p1 $0x3;
	_ =	strace @!p1 $0x80000055;
	(pc) =	sbr.rel @p0 .LBB2_1-.Ltmp1, $4  }
0x83: {  	_ =	swait.ge @!p1 [sflag:s0], $0x4000  }
0x84: {  	[sflag:s0] =	ssyncset.done @!p1 $0x0  }
0x85: {  	[sflag:s0] =	ssyncadd.s32 @!p1 $0xFFFFC000  }
0x86: {  	_ =	strace @!p1 $0x90000055  }
0x87: {  	_ =	sfence.sel $0x180000  }
0x88: {  	[bflag:$0x0] =	sbarrier.arrive $0xFFFF  }
0x89: {  	_ =	strace $0x90000047  }
0x8a: {  	s0 =	stileid.u32;
	[bflag:$0x2] =	sbarrier.arrive $0xFFFF  }
0x8b: {  	p0 =	sne.s32 s0, $0x0;
	s0 =	rddreg [dreg:$0x4]  }
0x8c: {  	s0 =	sadd.s32 @!p0 $0x100000, s0  }
0x8d: {  	[sflag:s0] =	ssyncadd.tile.s32 @!p0 $0x1;
	_ =	shalt  }
.Lfunc_end2:
_tile_overlayer_lowered:
.L_overlay_start_2:
0x8e: {  	(tag) =	ssettag $0x2  }
0x8f: {  	s0 =	rddreg [dreg:$0x0];
	s2 =	stileid.u32  }
0x90: {  	s1 =	rddreg [dreg:$0x1];
	p0 =	sne.s32 s2, $0x0  }
0x91: {  	s3 =	rddreg [dreg:$0x2];
	[bflag:$0x3] =	sbarrier.arrive $0xFFFF;
	s2 =	simm.s32 @!p0 $0x1C01  }
0x92: {  	[timem:s3], [sflag:s2] =	dma.local @!p0 [hbm:s0], s1  }
0x93: {  	s0 =	simm.s32 @!p0 $0x1  }
0x94: {  	_ =	swait.ge @!p0 [sflag:s0], s1  }
0x95: {  	s1 =	ssub.s32 @!p0 $0x0, s1;
	[sflag:s0] =	ssyncset.done @!p0 $0x0  }
0x96: {  	[sflag:s0] =	ssyncadd.s32 @!p0 s1  }
0x97: {  	[bflag:$0x3] =	sbarrier.arrive $0xFFFF  }
0x98: {  	_ =	shalt  }

</sc_bundles>
